<compile_context>
chip_gen: v7x
topology: tpu7x:2x2x1
jax: 0.10.2.dev20260603
libtpu: 0.0.44.dev20260713+nightly
codegen_flags: <defaults>
</compile_context>

<pallas_src>
import functools

import jax
import jax.numpy as jnp
from jax import lax
from jax.experimental import pallas as pl
from jax.experimental.pallas import tpu as pltpu
from jax.experimental.pallas import tpu_sc as plsc

N = 50000
E = 1600000
HID = 32

NC = 2
NS = 16
NW = NC * NS

NP = 51200
NPT = NP // NS
B = 256
CHUNK = 128
NCH = B // CHUNK
EPW = 51200
EPAD = EPW * NW
NBLK = EPW // B


def _sc_layer_kernel(include_deg):
  mesh = plsc.VectorSubcoreMesh(core_axis_name="c", subcore_axis_name="s",
                                num_cores=NC, num_subcores=NS)

  out_type = [jax.ShapeDtypeStruct((NC, NP, HID), jnp.float32)]
  if include_deg:
    out_type.append(jax.ShapeDtypeStruct((NC, NP), jnp.float32))

  scratch = [
      pltpu.VMEM((B,), jnp.int32),
      pltpu.VMEM((B,), jnp.int32),
      pltpu.VMEM((B, HID), jnp.float32),
      pltpu.VMEM((B, HID), jnp.float32),
      pltpu.VMEM_SHARED((NP, HID), jnp.float32),
      pltpu.SemaphoreType.DMA,
      pltpu.SemaphoreType.DMA,
  ]
  if include_deg:
    scratch += [
        pltpu.VMEM((CHUNK,), jnp.float32),
        pltpu.VMEM_SHARED((NP,), jnp.float32),
        pltpu.SemaphoreType.DMA,
    ]

  def body(src1d, dst1d, eth, table, z32, *rest):
    if include_deg:
      (z1, aggr_out, deg_out, srcv, dstv, rows, erows,
       aggr_sh, gsem, ssem, onesv, deg_sh, dsem) = rest
    else:
      (aggr_out, srcv, dstv, rows, erows, aggr_sh, gsem, ssem) = rest

    c = lax.axis_index("c")
    s = lax.axis_index("s")
    wid = s * NC + c

    if include_deg:
      for i in range(CHUNK // 16):
        onesv[pl.ds(i * 16, 16)] = jnp.ones((16,), jnp.float32)

    pltpu.sync_copy(z32.at[pl.ds(s * NPT, NPT)],
                    aggr_sh.at[pl.ds(s * NPT, NPT)])
    if include_deg:
      pltpu.sync_copy(z1.at[pl.ds(s * NPT, NPT)],
                      deg_sh.at[pl.ds(s * NPT, NPT)])
    plsc.subcore_barrier()

    ebase = wid * EPW

    def block_body(blk, carry):
      base = pl.multiple_of(ebase + blk * B, B)
      pltpu.sync_copy(src1d.at[pl.ds(base, B)], srcv)
      pltpu.sync_copy(dst1d.at[pl.ds(base, B)], dstv)

      ecp = pltpu.async_copy(eth.at[pl.ds(base, B)], erows, gsem)
      gcps = [
          pltpu.async_copy(table.at[srcv.at[pl.ds(j * CHUNK, CHUNK)]],
                           rows.at[pl.ds(j * CHUNK, CHUNK)], gsem)
          for j in range(NCH)
      ]
      ecp.wait()
      for cp in gcps:
        cp.wait()

      scps = [
          pltpu.async_copy(rows.at[pl.ds(j * CHUNK, CHUNK)],
                           aggr_sh.at[dstv.at[pl.ds(j * CHUNK, CHUNK)]],
                           ssem, add=True)
          for j in range(NCH)
      ] + [
          pltpu.async_copy(erows.at[pl.ds(j * CHUNK, CHUNK)],
                           aggr_sh.at[dstv.at[pl.ds(j * CHUNK, CHUNK)]],
                           ssem, add=True)
          for j in range(NCH)
      ]
      for cp in scps:
        cp.wait()

      if include_deg:
        dcps = [
            pltpu.async_copy(onesv,
                             deg_sh.at[dstv.at[pl.ds(j * CHUNK, CHUNK)]],
                             dsem, add=True)
            for j in range(NCH)
        ]
        for cp in dcps:
          cp.wait()
      return 0

    lax.fori_loop(0, NBLK, block_body, 0)

    plsc.subcore_barrier()

    pltpu.sync_copy(aggr_sh.at[pl.ds(s * NPT, NPT)],
                    aggr_out.at[c, pl.ds(s * NPT, NPT)])
    if include_deg:
      pltpu.sync_copy(deg_sh.at[pl.ds(s * NPT, NPT)],
                      deg_out.at[c, pl.ds(s * NPT, NPT)])

  return pl.kernel(body, out_type=out_type, mesh=mesh, scratch_types=scratch,
                   compiler_params=pltpu.CompilerParams(
                       needs_layout_passes=False,
                       use_tc_tiling_on_sc=False),
                   name="rgcn_sc_deg" if include_deg else "rgcn_sc")


@functools.lru_cache(maxsize=None)
def _get_sc_kernel(include_deg):
  return _sc_layer_kernel(include_deg)



RB = 1600
RBE = 6400


def _rb(minor, rb=RB):
  return pl.BlockSpec((rb, minor), lambda i: (i, 0))


def _full(shape):
  return pl.BlockSpec(shape, lambda i: tuple(0 for _ in shape))


def _tc_table_body(x_ref, wn_ref, bn_ref, out_ref):
  x = x_ref[...]
  wn = wn_ref[...]
  t = x[:, 0:1] * wn[0:1, :] + x[:, 1:2] * wn[1:2, :] + bn_ref[...]
  out_ref[...] = jnp.maximum(t, 0.0)


_tc_table = pl.pallas_call(
    _tc_table_body,
    grid=(NP // RB,),
    in_specs=[_rb(2), _full((2, HID)), _full((1, HID))],
    out_specs=_rb(HID),
    out_shape=jax.ShapeDtypeStruct((NP, HID), jnp.float32),
)


EROW = EPAD // 128
RBT = 64


def _tc_et_body(a0_ref, a1_ref, wc0_ref, wc1_ref, b_ref, et_ref):
  wc0 = wc0_ref[...]
  wc1 = wc1_ref[...]
  bb = b_ref[...]
  for r in range(RBT):
    a = a0_ref[r:r + 1, :]
    b = a1_ref[r:r + 1, :]
    t = jnp.maximum(a * wc0 + b * wc1 + bb, 0.0)
    et_ref[r * 128:(r + 1) * 128, :] = jnp.swapaxes(t, 0, 1)


_tc_et = pl.pallas_call(
    _tc_et_body,
    grid=(EROW // RBT,),
    in_specs=[_rb(128, RBT), _rb(128, RBT),
              _full((HID, 1)), _full((HID, 1)), _full((HID, 1))],
    out_specs=_rb(HID, RBT * 128),
    out_shape=jax.ShapeDtypeStruct((EPAD, HID), jnp.float32),
)


def _tc_post_body(x_ref, rn_ref, p0_ref, p1_ref, deg0_ref, deg1_ref,
                  wp1a_ref, wp1b_ref, bp1_ref, wp2_ref, bp2_ref,
                  wn_ref, bn_ref,
                  out_ref, rn_next_ref):
  x = x_ref[...]
  deg = deg0_ref[...] + deg1_ref[...]
  recip = 1.0 / jnp.maximum(deg, 1.0)
  aggr = (p0_ref[...] + p1_ref[...]) * recip
  t = aggr + rn_ref[...]
  wp1a = wp1a_ref[...]
  h = (x[:, 0:1] * wp1a[0:1, :] + x[:, 1:2] * wp1a[1:2, :]
       + jnp.dot(t, wp1b_ref[...], preferred_element_type=jnp.float32)
       + bp1_ref[...])
  h = jnp.maximum(h, 0.0)
  z = jnp.sum(h * wp2_ref[...], axis=1, keepdims=True)
  power = jax.nn.sigmoid(z + bp2_ref[...])
  out_ref[:, 0:1] = x[:, 0:1]
  out_ref[:, 1:2] = power
  wn = wn_ref[...]
  rn = x[:, 0:1] * wn[0:1, :] + power * wn[1:2, :] + bn_ref[...]
  rn_next_ref[...] = jnp.maximum(rn, 0.0)


_tc_post = pl.pallas_call(
    _tc_post_body,
    grid=(NP // RB,),
    in_specs=[_rb(2), _rb(HID), _rb(HID), _rb(HID), _rb(1), _rb(1),
              _full((2, 16)), _full((HID, 16)), _full((1, 16)),
              _full((1, 16)), _full((1, 1)),
              _full((2, HID)), _full((1, HID))],
    out_specs=[_rb(2), _rb(HID)],
    out_shape=[
        jax.ShapeDtypeStruct((NP, 2), jnp.float32),
        jax.ShapeDtypeStruct((NP, HID), jnp.float32),
    ],
)


def kernel(x, edge_index, edge_attr,
           Wn0, bn0, We0, be0, Wp1_0, bp1_0, Wp2_0, bp2_0,
           Wn1, bn1, We1, be1, Wp1_1, bp1_1, Wp2_1, bp2_1):
  src = edge_index[0]
  dst = edge_index[1]
  npad = EPAD - E
  pad_idx = (N + (jnp.arange(npad, dtype=jnp.int32) % (NP - N))).astype(jnp.int32)
  src_f = jnp.concatenate([src, pad_idx])
  dst_f = jnp.concatenate([dst, pad_idx])
  zpad = jnp.zeros((npad,), jnp.float32)
  a0p = jnp.concatenate([edge_attr[:, 0], zpad]).reshape(EROW, 128)
  a1p = jnp.concatenate([edge_attr[:, 1], zpad]).reshape(EROW, 128)
  xp = jnp.zeros((NP, 2), jnp.float32).at[:N].set(x)
  z32 = jnp.zeros((NP, HID), jnp.float32)
  z1 = jnp.zeros((NP,), jnp.float32)
  bn0r = bn0.reshape(1, HID)
  bn1r = bn1.reshape(1, HID)
  bp1_0r = bp1_0.reshape(1, 16)
  bp1_1r = bp1_1.reshape(1, 16)
  bp2_0r = bp2_0.reshape(1, 1)
  bp2_1r = bp2_1.reshape(1, 1)

  et0 = _tc_et(a0p, a1p, We0[0].reshape(HID, 1), We0[1].reshape(HID, 1),
               be0.reshape(HID, 1))
  rn0 = _tc_table(xp, Wn0, bn0r)

  aggr_p, deg_p = _get_sc_kernel(True)(src_f, dst_f, et0, rn0, z32, z1)
  et1 = _tc_et(a0p, a1p, We1[0].reshape(HID, 1), We1[1].reshape(HID, 1),
               be1.reshape(HID, 1))
  deg0 = deg_p[0].reshape(NP, 1)
  deg1 = deg_p[1].reshape(NP, 1)
  x1, rn1 = _tc_post(xp, rn0, aggr_p[0], aggr_p[1], deg0, deg1,
                     Wp1_0[0:2], Wp1_0[2:], bp1_0r, Wp2_0.reshape(1, 16),
                     bp2_0r, Wn1, bn1r)

  (aggr_p1,) = _get_sc_kernel(False)(src_f, dst_f, et1, rn1, z32)
  x2, _ = _tc_post(x1, rn1, aggr_p1[0], aggr_p1[1], deg0, deg1,
                   Wp1_1[0:2], Wp1_1[2:], bp1_1r, Wp2_1.reshape(1, 16),
                   bp2_1r, Wn1, bn1r)
  return x2[:N]

# --- scband reference (transcript-rebuilt; emitter-appended) ---
"""Pipeline reference for scband-rgcn-13099650253539 (READ-ONLY COPY).

The authoritative reference and input builder live on the scoring server;
editing this copy changes nothing except your own understanding.
"""

import jax, jax.numpy as jnp
import numpy as np

N = 50000
E = 1600000
NODE_DIM = 2
EDGE_DIM = 2
HID = 32
NUM_LAYERS = 2


def setup_inputs(seed: int = 0) -> dict:
    key = jax.random.key(seed)
    ks = jax.random.split(key, 4)
    inp = {}
    inp["x"] = jax.random.normal(ks[0], (N, NODE_DIM), dtype=jnp.float32)
    inp["edge_index"] = jax.random.randint(ks[1], (2, E), 0, N, dtype=jnp.int32)
    inp["edge_attr"] = jax.random.normal(ks[2], (E, EDGE_DIM), dtype=jnp.float32)
    for l in range(NUM_LAYERS):
        k = jax.random.fold_in(key, 100 + l)
        kk = jax.random.split(k, 8)
        inp[f"Wn{l}"] = jax.random.normal(kk[0], (NODE_DIM, HID), dtype=jnp.float32) * 0.5
        inp[f"bn{l}"] = jnp.zeros((HID,), dtype=jnp.float32)
        inp[f"We{l}"] = jax.random.normal(kk[1], (EDGE_DIM, HID), dtype=jnp.float32) * 0.5
        inp[f"be{l}"] = jnp.zeros((HID,), dtype=jnp.float32)
        inp[f"Wp1_{l}"] = jax.random.normal(kk[2], (NODE_DIM + HID, 16), dtype=jnp.float32) * 0.2
        inp[f"bp1_{l}"] = jnp.zeros((16,), dtype=jnp.float32)
        inp[f"Wp2_{l}"] = jax.random.normal(kk[3], (16, 1), dtype=jnp.float32) * 0.2
        inp[f"bp2_{l}"] = jnp.zeros((1,), dtype=jnp.float32)
    return inp


def _edgeconv_layer(x, edge_index, edge_attr, Wn, bn, We, be, Wp1, bp1, Wp2, bp2):
    # message: lin_node(x_j) + lin_edge(edge_attr), both Linear + ReLU (mlp([d,32]))
    src = edge_index[0]
    dst = edge_index[1]
    x_j = jnp.take(x, src, axis=0)
    msg = jax.nn.relu(x_j @ Wn + bn) + jax.nn.relu(edge_attr @ We + be)
    # aggr='mean' over destination nodes (zero for isolated nodes, like PyG)
    n = x.shape[0]
    summed = jax.ops.segment_sum(msg, dst, num_segments=n)
    cnt = jax.ops.segment_sum(jnp.ones((msg.shape[0], 1), msg.dtype), dst, num_segments=n)
    aggr = summed / jnp.maximum(cnt, 1.0)
    # update: res = lin_node(node_feat); tmp = cat([node_feat, aggr+res]); power = power_mlp(tmp)
    power_max = x[:, 0:1]
    res = jax.nn.relu(x @ Wn + bn)
    tmp = jnp.concatenate([x, aggr + res], axis=1)
    h = jax.nn.relu(tmp @ Wp1 + bp1)
    power = jax.nn.sigmoid(h @ Wp2 + bp2)
    return jnp.concatenate([power_max, power], axis=1)


def reference(x, edge_index, edge_attr,
              Wn0, bn0, We0, be0, Wp1_0, bp1_0, Wp2_0, bp2_0,
              Wn1, bn1, We1, be1, Wp1_1, bp1_1, Wp2_1, bp2_1):
    x = _edgeconv_layer(x, edge_index, edge_attr, Wn0, bn0, We0, be0, Wp1_0, bp1_0, Wp2_0, bp2_0)
    x = _edgeconv_layer(x, edge_index, edge_attr, Wn1, bn1, We1, be1, Wp1_1, bp1_1, Wp2_1, bp2_1)
    return x

if __name__ == "__main__":
    import jax
    _d = setup_inputs()
    print(jax.jit(kernel)(*tuple(_d.values())))

</pallas_src>

<mosaic_0001>
#map = affine_map<(d0, d1) -> (0)>
#map1 = affine_map<(d0, d1) -> (0, 0)>
#map2 = affine_map<(d0, d1) -> (0, 0, 0)>
module attributes {stable_mosaic.version = 14 : i64} {
  func.func @rgcn_sc(%arg0: i32, %arg1: i32, %arg2: memref<1638400xi32, #tpu.memory_space<hbm>>, %arg3: memref<1638400xi32, #tpu.memory_space<hbm>>, %arg4: memref<1638400x32xf32, #tpu.memory_space<hbm>>, %arg5: memref<51200x32xf32, #tpu.memory_space<hbm>>, %arg6: memref<51200x32xf32, #tpu.memory_space<hbm>>, %arg7: memref<2x51200x32xf32, #tpu.memory_space<hbm>>, %arg8: memref<256xi32, #tpu.memory_space<vmem>>, %arg9: memref<256xi32, #tpu.memory_space<vmem>>, %arg10: memref<256x32xf32, #tpu.memory_space<vmem>>, %arg11: memref<256x32xf32, #tpu.memory_space<vmem>>, %arg12: memref<51200x32xf32, #tpu.memory_space<vmem_shared>>, %arg13: memref<!tpu.dma_semaphore, #tpu.memory_space<semaphore_mem>>, %arg14: memref<!tpu.dma_semaphore, #tpu.memory_space<semaphore_mem>>) attributes {dimension_semantics = [#tpu.dimension_semantics<core_parallel>, #tpu.dimension_semantics<subcore_parallel>], iteration_bounds = array<i64: 2, 16>, scalar_prefetch = 0 : i64, scratch_operands = 7 : i64, tpu.core_type = #tpu.core_type<sc_vector_subcore>, window_params = [{transform_indices = #map}, {transform_indices = #map}, {transform_indices = #map1}, {transform_indices = #map1}, {transform_indices = #map1}, {transform_indices = #map2}]} {
    %mul3A = arith.constant 2 : i32
    %mul3A_0 = arith.muli %arg1, %mul3A : i32
    %add3A = arith.addi %mul3A_0, %arg0 : i32
    %mul3A_1 = arith.constant 3200 : i32
    %mul3A_2 = arith.muli %arg1, %mul3A_1 : i32
    %mul3A_3 = arith.constant 3200 : i32
    %mul3A_4 = arith.muli %arg1, %mul3A_3 : i32
    "tpu.region"() ({
      %run_scoped3A = tpu.sem_alloc : memref<!tpu.dma_semaphore, #tpu.memory_space<semaphore_mem>>
      %dma_start3A = arith.constant 0 : i32
      %dma_start3A_18 = tpu.memref_slice %arg12[%mul3A_4, %dma_start3A] : memref<51200x32xf32, #tpu.memory_space<vmem_shared>> -> memref<3200x32xf32, #tpu.memory_space<vmem_shared>>
      %dma_start3A_19 = arith.constant 0 : i32
      %dma_start3A_20 = tpu.memref_slice %arg6[%mul3A_2, %dma_start3A_19] : memref<51200x32xf32, #tpu.memory_space<hbm>> -> memref<3200x32xf32, #tpu.memory_space<hbm>>
      tpu.enqueue_dma source(%dma_start3A_20 : memref<3200x32xf32, #tpu.memory_space<hbm>>) target(%dma_start3A_18 : memref<3200x32xf32, #tpu.memory_space<vmem_shared>>) target_semaphore(%run_scoped3A : memref<!tpu.dma_semaphore, #tpu.memory_space<semaphore_mem>>)
      %dma_wait3A = arith.constant 0 : i32
      %dma_wait3A_21 = tpu.memref_slice %arg12[%mul3A_4, %dma_wait3A] : memref<51200x32xf32, #tpu.memory_space<vmem_shared>> -> memref<3200x32xf32, #tpu.memory_space<vmem_shared>>
      %dma_wait3A_22 = arith.constant 0 : i32
      %dma_wait3A_23 = tpu.memref_slice %arg6[%mul3A_2, %dma_wait3A_22] : memref<51200x32xf32, #tpu.memory_space<hbm>> -> memref<3200x32xf32, #tpu.memory_space<hbm>>
      tpu.wait_dma2 semaphore(%run_scoped3A : memref<!tpu.dma_semaphore, #tpu.memory_space<semaphore_mem>>) src(%dma_wait3A_23 : memref<3200x32xf32, #tpu.memory_space<hbm>>) dst(%dma_wait3A_21 : memref<3200x32xf32, #tpu.memory_space<vmem_shared>>)
      tpu.yield
    }) : () -> ()
    %barrier3A = arith.constant 0 : index
    tpu.barrier barrier_id(%barrier3A)
    %mul3A_5 = arith.constant 51200 : i32
    %mul3A_6 = arith.muli %add3A, %mul3A_5 : i32
    %scan3A = arith.constant 0 : i32
    %scan3A_7 = arith.constant 0 : i32
    %scan3A_8 = arith.constant 200 : i32
    %scan3A_9 = arith.addi %scan3A_7, %scan3A_8 : i32
    %scan3A_10 = arith.constant 1 : i32
    %scan3A_11 = scf.for %scan3A_18 = %scan3A_7 to %scan3A_9 step %scan3A_10 iter_args(%scan3A_19 = %scan3A) -> (i32)  : i32 {
      %mul3A_20 = arith.constant 256 : i32
      %mul3A_21 = arith.muli %scan3A_18, %mul3A_20 : i32
      %add3A_22 = arith.addi %mul3A_6, %mul3A_21 : i32
      %multiple_of3A = tpu.assume_multiple %add3A_22, 256 : i32
      "tpu.region"() ({
        %run_scoped3A = tpu.sem_alloc : memref<!tpu.dma_semaphore, #tpu.memory_space<semaphore_mem>>
        %dma_start3A_126 = tpu.memref_slice %arg2[%multiple_of3A] : memref<1638400xi32, #tpu.memory_space<hbm>> -> memref<256xi32, #tpu.memory_space<hbm>>
        %dma_start3A_127 = tpu.memref_slice %arg2[%multiple_of3A] : memref<1638400xi32, #tpu.memory_space<hbm>> -> memref<256xi32, #tpu.memory_space<hbm>>
        tpu.enqueue_dma source(%dma_start3A_127 : memref<256xi32, #tpu.memory_space<hbm>>) target(%arg8 : memref<256xi32, #tpu.memory_space<vmem>>) target_semaphore(%run_scoped3A : memref<!tpu.dma_semaphore, #tpu.memory_space<semaphore_mem>>)
        %dma_wait3A_128 = tpu.memref_slice %arg2[%multiple_of3A] : memref<1638400xi32, #tpu.memory_space<hbm>> -> memref<256xi32, #tpu.memory_space<hbm>>
        %dma_wait3A_129 = tpu.memref_slice %arg2[%multiple_of3A] : memref<1638400xi32, #tpu.memory_space<hbm>> -> memref<256xi32, #tpu.memory_space<hbm>>
        tpu.wait_dma2 semaphore(%run_scoped3A : memref<!tpu.dma_semaphore, #tpu.memory_space<semaphore_mem>>) src(%dma_wait3A_129 : memref<256xi32, #tpu.memory_space<hbm>>) dst(%arg8 : memref<256xi32, #tpu.memory_space<vmem>>)
        tpu.yield
      }) : () -> ()
      "tpu.region"() ({
        %run_scoped3A = tpu.sem_alloc : memref<!tpu.dma_semaphore, #tpu.memory_space<semaphore_mem>>
        %dma_start3A_126 = tpu.memref_slice %arg3[%multiple_of3A] : memref<1638400xi32, #tpu.memory_space<hbm>> -> memref<256xi32, #tpu.memory_space<hbm>>
        %dma_start3A_127 = tpu.memref_slice %arg3[%multiple_of3A] : memref<1638400xi32, #tpu.memory_space<hbm>> -> memref<256xi32, #tpu.memory_space<hbm>>
        tpu.enqueue_dma source(%dma_start3A_127 : memref<256xi32, #tpu.memory_space<hbm>>) target(%arg9 : memref<256xi32, #tpu.memory_space<vmem>>) target_semaphore(%run_scoped3A : memref<!tpu.dma_semaphore, #tpu.memory_space<semaphore_mem>>)
        %dma_wait3A_128 = tpu.memref_slice %arg3[%multiple_of3A] : memref<1638400xi32, #tpu.memory_space<hbm>> -> memref<256xi32, #tpu.memory_space<hbm>>
        %dma_wait3A_129 = tpu.memref_slice %arg3[%multiple_of3A] : memref<1638400xi32, #tpu.memory_space<hbm>> -> memref<256xi32, #tpu.memory_space<hbm>>
        tpu.wait_dma2 semaphore(%run_scoped3A : memref<!tpu.dma_semaphore, #tpu.memory_space<semaphore_mem>>) src(%dma_wait3A_129 : memref<256xi32, #tpu.memory_space<hbm>>) dst(%arg9 : memref<256xi32, #tpu.memory_space<vmem>>)
        tpu.yield
      }) : () -> ()
      %dma_start3A = arith.constant 0 : i32
      %dma_start3A_23 = tpu.memref_slice %arg4[%multiple_of3A, %dma_start3A] : memref<1638400x32xf32, #tpu.memory_space<hbm>> -> memref<256x32xf32, #tpu.memory_space<hbm>>
      %dma_start3A_24 = arith.constant 0 : i32
      %dma_start3A_25 = tpu.memref_slice %arg4[%multiple_of3A, %dma_start3A_24] : memref<1638400x32xf32, #tpu.memory_space<hbm>> -> memref<256x32xf32, #tpu.memory_space<hbm>>
      tpu.enqueue_dma source(%dma_start3A_25 : memref<256x32xf32, #tpu.memory_space<hbm>>) target(%arg11 : memref<256x32xf32, #tpu.memory_space<vmem>>) target_semaphore(%arg13 : memref<!tpu.dma_semaphore, #tpu.memory_space<semaphore_mem>>)
      %dma_start3A_26 = arith.constant 0 : i32
      %dma_start3A_27 = arith.constant 0 : i32
      %dma_start3A_28 = tpu.memref_slice %arg10[%dma_start3A_26, %dma_start3A_27] : memref<256x32xf32, #tpu.memory_space<vmem>> -> memref<128x32xf32, #tpu.memory_space<vmem>>
      %dma_start3A_29 = arith.constant 0 : i32
      %dma_start3A_30 = tpu.memref_slice %arg8[%dma_start3A_29] : memref<256xi32, #tpu.memory_space<vmem>> -> memref<128xi32, #tpu.memory_space<vmem>>
      %dma_start3A_31 = arith.constant 0 : i32
      %dma_start3A_32 = arith.constant 0 : i32
      %dma_start3A_33 = tpu.memref_slice %arg5[%dma_start3A_31, %dma_start3A_32] : memref<51200x32xf32, #tpu.memory_space<hbm>> -> memref<51200x32xf32, #tpu.memory_space<hbm>>
      tpu.enqueue_indirect_dma source(%dma_start3A_33 : memref<51200x32xf32, #tpu.memory_space<hbm>>) target(%dma_start3A_28 : memref<128x32xf32, #tpu.memory_space<vmem>>) offsets(%dma_start3A_30 : memref<128xi32, #tpu.memory_space<vmem>>) semaphore(%arg13 : memref<!tpu.dma_semaphore, #tpu.memory_space<semaphore_mem>>)
      %dma_start3A_34 = arith.constant 128 : i32
      %dma_start3A_35 = arith.constant 0 : i32
      %dma_start3A_36 = tpu.memref_slice %arg10[%dma_start3A_34, %dma_start3A_35] : memref<256x32xf32, #tpu.memory_space<vmem>> -> memref<128x32xf32, #tpu.memory_space<vmem>>
      %dma_start3A_37 = arith.constant 128 : i32
      %dma_start3A_38 = tpu.memref_slice %arg8[%dma_start3A_37] : memref<256xi32, #tpu.memory_space<vmem>> -> memref<128xi32, #tpu.memory_space<vmem>>
      %dma_start3A_39 = arith.constant 0 : i32
      %dma_start3A_40 = arith.constant 0 : i32
      %dma_start3A_41 = tpu.memref_slice %arg5[%dma_start3A_39, %dma_start3A_40] : memref<51200x32xf32, #tpu.memory_space<hbm>> -> memref<51200x32xf32, #tpu.memory_space<hbm>>
      tpu.enqueue_indirect_dma source(%dma_start3A_41 : memref<51200x32xf32, #tpu.memory_space<hbm>>) target(%dma_start3A_36 : memref<128x32xf32, #tpu.memory_space<vmem>>) offsets(%dma_start3A_38 : memref<128xi32, #tpu.memory_space<vmem>>) semaphore(%arg13 : memref<!tpu.dma_semaphore, #tpu.memory_space<semaphore_mem>>)
      %dma_wait3A = arith.constant 0 : i32
      %dma_wait3A_42 = tpu.memref_slice %arg4[%multiple_of3A, %dma_wait3A] : memref<1638400x32xf32, #tpu.memory_space<hbm>> -> memref<256x32xf32, #tpu.memory_space<hbm>>
      %dma_wait3A_43 = arith.constant 0 : i32
      %dma_wait3A_44 = tpu.memref_slice %arg4[%multiple_of3A, %dma_wait3A_43] : memref<1638400x32xf32, #tpu.memory_space<hbm>> -> memref<256x32xf32, #tpu.memory_space<hbm>>
      tpu.wait_dma2 semaphore(%arg13 : memref<!tpu.dma_semaphore, #tpu.memory_space<semaphore_mem>>) src(%dma_wait3A_44 : memref<256x32xf32, #tpu.memory_space<hbm>>) dst(%arg11 : memref<256x32xf32, #tpu.memory_space<vmem>>)
      %dma_wait3A_45 = arith.constant 0 : i32
      %dma_wait3A_46 = arith.constant 0 : i32
      %dma_wait3A_47 = tpu.memref_slice %arg10[%dma_wait3A_45, %dma_wait3A_46] : memref<256x32xf32, #tpu.memory_space<vmem>> -> memref<128x32xf32, #tpu.memory_space<vmem>>
      %dma_wait3A_48 = arith.constant 0 : i32
      %dma_wait3A_49 = tpu.memref_slice %arg8[%dma_wait3A_48] : memref<256xi32, #tpu.memory_space<vmem>> -> memref<128xi32, #tpu.memory_space<vmem>>
      %dma_wait3A_50 = arith.constant 0 : i32
      %dma_wait3A_51 = arith.constant 0 : i32
      %dma_wait3A_52 = tpu.memref_slice %arg5[%dma_wait3A_50, %dma_wait3A_51] : memref<51200x32xf32, #tpu.memory_space<hbm>> -> memref<51200x32xf32, #tpu.memory_space<hbm>>
      tpu.wait_indirect_dma semaphore(%arg13 : memref<!tpu.dma_semaphore, #tpu.memory_space<semaphore_mem>>) src(%dma_wait3A_52 : memref<51200x32xf32, #tpu.memory_space<hbm>>) dst(%dma_wait3A_47 : memref<128x32xf32, #tpu.memory_space<vmem>>)
      %dma_wait3A_53 = arith.constant 128 : i32
      %dma_wait3A_54 = arith.constant 0 : i32
      %dma_wait3A_55 = tpu.memref_slice %arg10[%dma_wait3A_53, %dma_wait3A_54] : memref<256x32xf32, #tpu.memory_space<vmem>> -> memref<128x32xf32, #tpu.memory_space<vmem>>
      %dma_wait3A_56 = arith.constant 128 : i32
      %dma_wait3A_57 = tpu.memref_slice %arg8[%dma_wait3A_56] : memref<256xi32, #tpu.memory_space<vmem>> -> memref<128xi32, #tpu.memory_space<vmem>>
      %dma_wait3A_58 = arith.constant 0 : i32
      %dma_wait3A_59 = arith.constant 0 : i32
      %dma_wait3A_60 = tpu.memref_slice %arg5[%dma_wait3A_58, %dma_wait3A_59] : memref<51200x32xf32, #tpu.memory_space<hbm>> -> memref<51200x32xf32, #tpu.memory_space<hbm>>
      tpu.wait_indirect_dma semaphore(%arg13 : memref<!tpu.dma_semaphore, #tpu.memory_space<semaphore_mem>>) src(%dma_wait3A_60 : memref<51200x32xf32, #tpu.memory_space<hbm>>) dst(%dma_wait3A_55 : memref<128x32xf32, #tpu.memory_space<vmem>>)
      %dma_start3A_61 = arith.constant 0 : i32
      %dma_start3A_62 = arith.constant 0 : i32
      %dma_start3A_63 = tpu.memref_slice %arg10[%dma_start3A_61, %dma_start3A_62] : memref<256x32xf32, #tpu.memory_space<vmem>> -> memref<128x32xf32, #tpu.memory_space<vmem>>
      %dma_start3A_64 = arith.constant 0 : i32
      %dma_start3A_65 = tpu.memref_slice %arg9[%dma_start3A_64] : memref<256xi32, #tpu.memory_space<vmem>> -> memref<128xi32, #tpu.memory_space<vmem>>
      %dma_start3A_66 = arith.constant 0 : i32
      %dma_start3A_67 = arith.constant 0 : i32
      %dma_start3A_68 = tpu.memref_slice %arg12[%dma_start3A_66, %dma_start3A_67] : memref<51200x32xf32, #tpu.memory_space<vmem_shared>> -> memref<51200x32xf32, #tpu.memory_space<vmem_shared>>
      tpu.enqueue_indirect_dma source(%dma_start3A_63 : memref<128x32xf32, #tpu.memory_space<vmem>>) target(%dma_start3A_68 : memref<51200x32xf32, #tpu.memory_space<vmem_shared>>) offsets(%dma_start3A_65 : memref<128xi32, #tpu.memory_space<vmem>>) semaphore(%arg14 : memref<!tpu.dma_semaphore, #tpu.memory_space<semaphore_mem>>) {add = true}
      %dma_start3A_69 = arith.constant 128 : i32
      %dma_start3A_70 = arith.constant 0 : i32
      %dma_start3A_71 = tpu.memref_slice %arg10[%dma_start3A_69, %dma_start3A_70] : memref<256x32xf32, #tpu.memory_space<vmem>> -> memref<128x32xf32, #tpu.memory_space<vmem>>
      %dma_start3A_72 = arith.constant 128 : i32
      %dma_start3A_73 = tpu.memref_slice %arg9[%dma_start3A_72] : memref<256xi32, #tpu.memory_space<vmem>> -> memref<128xi32, #tpu.memory_space<vmem>>
      %dma_start3A_74 = arith.constant 0 : i32
      %dma_start3A_75 = arith.constant 0 : i32
      %dma_start3A_76 = tpu.memref_slice %arg12[%dma_start3A_74, %dma_start3A_75] : memref<51200x32xf32, #tpu.memory_space<vmem_shared>> -> memref<51200x32xf32, #tpu.memory_space<vmem_shared>>
      tpu.enqueue_indirect_dma source(%dma_start3A_71 : memref<128x32xf32, #tpu.memory_space<vmem>>) target(%dma_start3A_76 : memref<51200x32xf32, #tpu.memory_space<vmem_shared>>) offsets(%dma_start3A_73 : memref<128xi32, #tpu.memory_space<vmem>>) semaphore(%arg14 : memref<!tpu.dma_semaphore, #tpu.memory_space<semaphore_mem>>) {add = true}
      %dma_start3A_77 = arith.constant 0 : i32
      %dma_start3A_78 = arith.constant 0 : i32
      %dma_start3A_79 = tpu.memref_slice %arg11[%dma_start3A_77, %dma_start3A_78] : memref<256x32xf32, #tpu.memory_space<vmem>> -> memref<128x32xf32, #tpu.memory_space<vmem>>
      %dma_start3A_80 = arith.constant 0 : i32
      %dma_start3A_81 = tpu.memref_slice %arg9[%dma_start3A_80] : memref<256xi32, #tpu.memory_space<vmem>> -> memref<128xi32, #tpu.memory_space<vmem>>
      %dma_start3A_82 = arith.constant 0 : i32
      %dma_start3A_83 = arith.constant 0 : i32
      %dma_start3A_84 = tpu.memref_slice %arg12[%dma_start3A_82, %dma_start3A_83] : memref<51200x32xf32, #tpu.memory_space<vmem_shared>> -> memref<51200x32xf32, #tpu.memory_space<vmem_shared>>
      tpu.enqueue_indirect_dma source(%dma_start3A_79 : memref<128x32xf32, #tpu.memory_space<vmem>>) target(%dma_start3A_84 : memref<51200x32xf32, #tpu.memory_space<vmem_shared>>) offsets(%dma_start3A_81 : memref<128xi32, #tpu.memory_space<vmem>>) semaphore(%arg14 : memref<!tpu.dma_semaphore, #tpu.memory_space<semaphore_mem>>) {add = true}
      %dma_start3A_85 = arith.constant 128 : i32
      %dma_start3A_86 = arith.constant 0 : i32
      %dma_start3A_87 = tpu.memref_slice %arg11[%dma_start3A_85, %dma_start3A_86] : memref<256x32xf32, #tpu.memory_space<vmem>> -> memref<128x32xf32, #tpu.memory_space<vmem>>
      %dma_start3A_88 = arith.constant 128 : i32
      %dma_start3A_89 = tpu.memref_slice %arg9[%dma_start3A_88] : memref<256xi32, #tpu.memory_space<vmem>> -> memref<128xi32, #tpu.memory_space<vmem>>
      %dma_start3A_90 = arith.constant 0 : i32
      %dma_start3A_91 = arith.constant 0 : i32
      %dma_start3A_92 = tpu.memref_slice %arg12[%dma_start3A_90, %dma_start3A_91] : memref<51200x32xf32, #tpu.memory_space<vmem_shared>> -> memref<51200x32xf32, #tpu.memory_space<vmem_shared>>
      tpu.enqueue_indirect_dma source(%dma_start3A_87 : memref<128x32xf32, #tpu.memory_space<vmem>>) target(%dma_start3A_92 : memref<51200x32xf32, #tpu.memory_space<vmem_shared>>) offsets(%dma_start3A_89 : memref<128xi32, #tpu.memory_space<vmem>>) semaphore(%arg14 : memref<!tpu.dma_semaphore, #tpu.memory_space<semaphore_mem>>) {add = true}
      %dma_wait3A_93 = arith.constant 0 : i32
      %dma_wait3A_94 = arith.constant 0 : i32
      %dma_wait3A_95 = tpu.memref_slice %arg10[%dma_wait3A_93, %dma_wait3A_94] : memref<256x32xf32, #tpu.memory_space<vmem>> -> memref<128x32xf32, #tpu.memory_space<vmem>>
      %dma_wait3A_96 = arith.constant 0 : i32
      %dma_wait3A_97 = tpu.memref_slice %arg9[%dma_wait3A_96] : memref<256xi32, #tpu.memory_space<vmem>> -> memref<128xi32, #tpu.memory_space<vmem>>
      %dma_wait3A_98 = arith.constant 0 : i32
      %dma_wait3A_99 = arith.constant 0 : i32
      %dma_wait3A_100 = tpu.memref_slice %arg12[%dma_wait3A_98, %dma_wait3A_99] : memref<51200x32xf32, #tpu.memory_space<vmem_shared>> -> memref<51200x32xf32, #tpu.memory_space<vmem_shared>>
      tpu.wait_indirect_dma semaphore(%arg14 : memref<!tpu.dma_semaphore, #tpu.memory_space<semaphore_mem>>) src(%dma_wait3A_95 : memref<128x32xf32, #tpu.memory_space<vmem>>) dst(%dma_wait3A_100 : memref<51200x32xf32, #tpu.memory_space<vmem_shared>>)
      %dma_wait3A_101 = arith.constant 128 : i32
      %dma_wait3A_102 = arith.constant 0 : i32
      %dma_wait3A_103 = tpu.memref_slice %arg10[%dma_wait3A_101, %dma_wait3A_102] : memref<256x32xf32, #tpu.memory_space<vmem>> -> memref<128x32xf32, #tpu.memory_space<vmem>>
      %dma_wait3A_104 = arith.constant 128 : i32
      %dma_wait3A_105 = tpu.memref_slice %arg9[%dma_wait3A_104] : memref<256xi32, #tpu.memory_space<vmem>> -> memref<128xi32, #tpu.memory_space<vmem>>
      %dma_wait3A_106 = arith.constant 0 : i32
      %dma_wait3A_107 = arith.constant 0 : i32
      %dma_wait3A_108 = tpu.memref_slice %arg12[%dma_wait3A_106, %dma_wait3A_107] : memref<51200x32xf32, #tpu.memory_space<vmem_shared>> -> memref<51200x32xf32, #tpu.memory_space<vmem_shared>>
      tpu.wait_indirect_dma semaphore(%arg14 : memref<!tpu.dma_semaphore, #tpu.memory_space<semaphore_mem>>) src(%dma_wait3A_103 : memref<128x32xf32, #tpu.memory_space<vmem>>) dst(%dma_wait3A_108 : memref<51200x32xf32, #tpu.memory_space<vmem_shared>>)
      %dma_wait3A_109 = arith.constant 0 : i32
      %dma_wait3A_110 = arith.constant 0 : i32
      %dma_wait3A_111 = tpu.memref_slice %arg11[%dma_wait3A_109, %dma_wait3A_110] : memref<256x32xf32, #tpu.memory_space<vmem>> -> memref<128x32xf32, #tpu.memory_space<vmem>>
      %dma_wait3A_112 = arith.constant 0 : i32
      %dma_wait3A_113 = tpu.memref_slice %arg9[%dma_wait3A_112] : memref<256xi32, #tpu.memory_space<vmem>> -> memref<128xi32, #tpu.memory_space<vmem>>
      %dma_wait3A_114 = arith.constant 0 : i32
      %dma_wait3A_115 = arith.constant 0 : i32
      %dma_wait3A_116 = tpu.memref_slice %arg12[%dma_wait3A_114, %dma_wait3A_115] : memref<51200x32xf32, #tpu.memory_space<vmem_shared>> -> memref<51200x32xf32, #tpu.memory_space<vmem_shared>>
      tpu.wait_indirect_dma semaphore(%arg14 : memref<!tpu.dma_semaphore, #tpu.memory_space<semaphore_mem>>) src(%dma_wait3A_111 : memref<128x32xf32, #tpu.memory_space<vmem>>) dst(%dma_wait3A_116 : memref<51200x32xf32, #tpu.memory_space<vmem_shared>>)
      %dma_wait3A_117 = arith.constant 128 : i32
      %dma_wait3A_118 = arith.constant 0 : i32
      %dma_wait3A_119 = tpu.memref_slice %arg11[%dma_wait3A_117, %dma_wait3A_118] : memref<256x32xf32, #tpu.memory_space<vmem>> -> memref<128x32xf32, #tpu.memory_space<vmem>>
      %dma_wait3A_120 = arith.constant 128 : i32
      %dma_wait3A_121 = tpu.memref_slice %arg9[%dma_wait3A_120] : memref<256xi32, #tpu.memory_space<vmem>> -> memref<128xi32, #tpu.memory_space<vmem>>
      %dma_wait3A_122 = arith.constant 0 : i32
      %dma_wait3A_123 = arith.constant 0 : i32
      %dma_wait3A_124 = tpu.memref_slice %arg12[%dma_wait3A_122, %dma_wait3A_123] : memref<51200x32xf32, #tpu.memory_space<vmem_shared>> -> memref<51200x32xf32, #tpu.memory_space<vmem_shared>>
      tpu.wait_indirect_dma semaphore(%arg14 : memref<!tpu.dma_semaphore, #tpu.memory_space<semaphore_mem>>) src(%dma_wait3A_119 : memref<128x32xf32, #tpu.memory_space<vmem>>) dst(%dma_wait3A_124 : memref<51200x32xf32, #tpu.memory_space<vmem_shared>>)
      %scan3A_125 = arith.constant 0 : i32
      scf.yield %scan3A_125 : i32
    }
    %scan3A_12 = arith.constant 200 : i32
    %barrier3A_13 = arith.constant 0 : index
    tpu.barrier barrier_id(%barrier3A_13)
    %mul3A_14 = arith.constant 3200 : i32
    %mul3A_15 = arith.muli %arg1, %mul3A_14 : i32
    %mul3A_16 = arith.constant 3200 : i32
    %mul3A_17 = arith.muli %arg1, %mul3A_16 : i32
    "tpu.region"() ({
      %run_scoped3A = tpu.sem_alloc : memref<!tpu.dma_semaphore, #tpu.memory_space<semaphore_mem>>
      %dma_start3A = arith.constant 0 : i32
      %dma_start3A_18 = tpu.memref_slice %arg7[%arg0, %mul3A_17, %dma_start3A] : memref<2x51200x32xf32, #tpu.memory_space<hbm>> -> memref<1x3200x32xf32, #tpu.memory_space<hbm>>
      %dma_start3A_19 = tpu.memref_squeeze %dma_start3A_18 : memref<1x3200x32xf32, #tpu.memory_space<hbm>> -> memref<3200x32xf32, #tpu.memory_space<hbm>>
      %dma_start3A_20 = arith.constant 0 : i32
      %dma_start3A_21 = tpu.memref_slice %arg12[%mul3A_15, %dma_start3A_20] : memref<51200x32xf32, #tpu.memory_space<vmem_shared>> -> memref<3200x32xf32, #tpu.memory_space<vmem_shared>>
      tpu.enqueue_dma source(%dma_start3A_21 : memref<3200x32xf32, #tpu.memory_space<vmem_shared>>) target(%dma_start3A_19 : memref<3200x32xf32, #tpu.memory_space<hbm>>) target_semaphore(%run_scoped3A : memref<!tpu.dma_semaphore, #tpu.memory_space<semaphore_mem>>)
      %dma_wait3A = arith.constant 0 : i32
      %dma_wait3A_22 = tpu.memref_slice %arg7[%arg0, %mul3A_17, %dma_wait3A] : memref<2x51200x32xf32, #tpu.memory_space<hbm>> -> memref<1x3200x32xf32, #tpu.memory_space<hbm>>
      %dma_wait3A_23 = tpu.memref_squeeze %dma_wait3A_22 : memref<1x3200x32xf32, #tpu.memory_space<hbm>> -> memref<3200x32xf32, #tpu.memory_space<hbm>>
      %dma_wait3A_24 = arith.constant 0 : i32
      %dma_wait3A_25 = tpu.memref_slice %arg12[%mul3A_15, %dma_wait3A_24] : memref<51200x32xf32, #tpu.memory_space<vmem_shared>> -> memref<3200x32xf32, #tpu.memory_space<vmem_shared>>
      tpu.wait_dma2 semaphore(%run_scoped3A : memref<!tpu.dma_semaphore, #tpu.memory_space<semaphore_mem>>) src(%dma_wait3A_25 : memref<3200x32xf32, #tpu.memory_space<vmem_shared>>) dst(%dma_wait3A_23 : memref<3200x32xf32, #tpu.memory_space<hbm>>)
      tpu.yield
    }) : () -> ()
    return
  }
}

#map = affine_map<(d0, d1) -> (0)>
#map1 = affine_map<(d0, d1) -> (0, 0)>
#map2 = affine_map<(d0, d1) -> (0, 0, 0)>
module attributes {stable_mosaic.version = 14 : i64} {
  func.func @rgcn_sc_deg(%arg0: i32, %arg1: i32, %arg2: memref<1638400xi32, #tpu.memory_space<hbm>>, %arg3: memref<1638400xi32, #tpu.memory_space<hbm>>, %arg4: memref<1638400x32xf32, #tpu.memory_space<hbm>>, %arg5: memref<51200x32xf32, #tpu.memory_space<hbm>>, %arg6: memref<51200x32xf32, #tpu.memory_space<hbm>>, %arg7: memref<51200xf32, #tpu.memory_space<hbm>>, %arg8: memref<2x51200x32xf32, #tpu.memory_space<hbm>>, %arg9: memref<2x51200xf32, #tpu.memory_space<hbm>>, %arg10: memref<256xi32, #tpu.memory_space<vmem>>, %arg11: memref<256xi32, #tpu.memory_space<vmem>>, %arg12: memref<256x32xf32, #tpu.memory_space<vmem>>, %arg13: memref<256x32xf32, #tpu.memory_space<vmem>>, %arg14: memref<51200x32xf32, #tpu.memory_space<vmem_shared>>, %arg15: memref<!tpu.dma_semaphore, #tpu.memory_space<semaphore_mem>>, %arg16: memref<!tpu.dma_semaphore, #tpu.memory_space<semaphore_mem>>, %arg17: memref<128xf32, #tpu.memory_space<vmem>>, %arg18: memref<51200xf32, #tpu.memory_space<vmem_shared>>, %arg19: memref<!tpu.dma_semaphore, #tpu.memory_space<semaphore_mem>>) attributes {dimension_semantics = [#tpu.dimension_semantics<core_parallel>, #tpu.dimension_semantics<subcore_parallel>], iteration_bounds = array<i64: 2, 16>, scalar_prefetch = 0 : i64, scratch_operands = 10 : i64, tpu.core_type = #tpu.core_type<sc_vector_subcore>, window_params = [{transform_indices = #map}, {transform_indices = #map}, {transform_indices = #map1}, {transform_indices = #map1}, {transform_indices = #map1}, {transform_indices = #map}, {transform_indices = #map2}, {transform_indices = #map1}]} {
    %mul3A = arith.constant 2 : i32
    %mul3A_0 = arith.muli %arg1, %mul3A : i32
    %add3A = arith.addi %mul3A_0, %arg0 : i32
    %broadcast_in_dim3A = arith.constant 1.000000e+00 : f32
    %broadcast_in_dim3A_1 = vector.broadcast %broadcast_in_dim3A : f32 to vector<16xf32>
    %swap3A = arith.constant 0 : index
    %swap3A_2 = tpu.vector_load %arg17[%swap3A] {strides = array<i32>} : memref<128xf32, #tpu.memory_space<vmem>>, vector<16xf32>,
    tpu.vector_store %arg17[%swap3A], %broadcast_in_dim3A_1 {strides = array<i32>} : memref<128xf32, #tpu.memory_space<vmem>>, vector<16xf32>,
    %broadcast_in_dim3A_3 = arith.constant 1.000000e+00 : f32
    %broadcast_in_dim3A_4 = vector.broadcast %broadcast_in_dim3A_3 : f32 to vector<16xf32>
    %swap3A_5 = arith.constant 16 : index
    %swap3A_6 = tpu.vector_load %arg17[%swap3A_5] {strides = array<i32>} : memref<128xf32, #tpu.memory_space<vmem>>, vector<16xf32>,
    tpu.vector_store %arg17[%swap3A_5], %broadcast_in_dim3A_4 {strides = array<i32>} : memref<128xf32, #tpu.memory_space<vmem>>, vector<16xf32>,
    %broadcast_in_dim3A_7 = arith.constant 1.000000e+00 : f32
    %broadcast_in_dim3A_8 = vector.broadcast %broadcast_in_dim3A_7 : f32 to vector<16xf32>
    %swap3A_9 = arith.constant 32 : index
    %swap3A_10 = tpu.vector_load %arg17[%swap3A_9] {strides = array<i32>} : memref<128xf32, #tpu.memory_space<vmem>>, vector<16xf32>,
    tpu.vector_store %arg17[%swap3A_9], %broadcast_in_dim3A_8 {strides = array<i32>} : memref<128xf32, #tpu.memory_space<vmem>>, vector<16xf32>,
    %broadcast_in_dim3A_11 = arith.constant 1.000000e+00 : f32
    %broadcast_in_dim3A_12 = vector.broadcast %broadcast_in_dim3A_11 : f32 to vector<16xf32>
    %swap3A_13 = arith.constant 48 : index
    %swap3A_14 = tpu.vector_load %arg17[%swap3A_13] {strides = array<i32>} : memref<128xf32, #tpu.memory_space<vmem>>, vector<16xf32>,
    tpu.vector_store %arg17[%swap3A_13], %broadcast_in_dim3A_12 {strides = array<i32>} : memref<128xf32, #tpu.memory_space<vmem>>, vector<16xf32>,
    %broadcast_in_dim3A_15 = arith.constant 1.000000e+00 : f32
    %broadcast_in_dim3A_16 = vector.broadcast %broadcast_in_dim3A_15 : f32 to vector<16xf32>
    %swap3A_17 = arith.constant 64 : index
    %swap3A_18 = tpu.vector_load %arg17[%swap3A_17] {strides = array<i32>} : memref<128xf32, #tpu.memory_space<vmem>>, vector<16xf32>,
    tpu.vector_store %arg17[%swap3A_17], %broadcast_in_dim3A_16 {strides = array<i32>} : memref<128xf32, #tpu.memory_space<vmem>>, vector<16xf32>,
    %broadcast_in_dim3A_19 = arith.constant 1.000000e+00 : f32
    %broadcast_in_dim3A_20 = vector.broadcast %broadcast_in_dim3A_19 : f32 to vector<16xf32>
    %swap3A_21 = arith.constant 80 : index
    %swap3A_22 = tpu.vector_load %arg17[%swap3A_21] {strides = array<i32>} : memref<128xf32, #tpu.memory_space<vmem>>, vector<16xf32>,
    tpu.vector_store %arg17[%swap3A_21], %broadcast_in_dim3A_20 {strides = array<i32>} : memref<128xf32, #tpu.memory_space<vmem>>, vector<16xf32>,
    %broadcast_in_dim3A_23 = arith.constant 1.000000e+00 : f32
    %broadcast_in_dim3A_24 = vector.broadcast %broadcast_in_dim3A_23 : f32 to vector<16xf32>
    %swap3A_25 = arith.constant 96 : index
    %swap3A_26 = tpu.vector_load %arg17[%swap3A_25] {strides = array<i32>} : memref<128xf32, #tpu.memory_space<vmem>>, vector<16xf32>,
    tpu.vector_store %arg17[%swap3A_25], %broadcast_in_dim3A_24 {strides = array<i32>} : memref<128xf32, #tpu.memory_space<vmem>>, vector<16xf32>,
    %broadcast_in_dim3A_27 = arith.constant 1.000000e+00 : f32
    %broadcast_in_dim3A_28 = vector.broadcast %broadcast_in_dim3A_27 : f32 to vector<16xf32>
    %swap3A_29 = arith.constant 112 : index
    %swap3A_30 = tpu.vector_load %arg17[%swap3A_29] {strides = array<i32>} : memref<128xf32, #tpu.memory_space<vmem>>, vector<16xf32>,
    tpu.vector_store %arg17[%swap3A_29], %broadcast_in_dim3A_28 {strides = array<i32>} : memref<128xf32, #tpu.memory_space<vmem>>, vector<16xf32>,
    %mul3A_31 = arith.constant 3200 : i32
    %mul3A_32 = arith.muli %arg1, %mul3A_31 : i32
    %mul3A_33 = arith.constant 3200 : i32
    %mul3A_34 = arith.muli %arg1, %mul3A_33 : i32
    "tpu.region"() ({
      %run_scoped3A = tpu.sem_alloc : memref<!tpu.dma_semaphore, #tpu.memory_space<semaphore_mem>>
      %dma_start3A = arith.constant 0 : i32
      %dma_start3A_56 = tpu.memref_slice %arg14[%mul3A_34, %dma_start3A] : memref<51200x32xf32, #tpu.memory_space<vmem_shared>> -> memref<3200x32xf32, #tpu.memory_space<vmem_shared>>
      %dma_start3A_57 = arith.constant 0 : i32
      %dma_start3A_58 = tpu.memref_slice %arg6[%mul3A_32, %dma_start3A_57] : memref<51200x32xf32, #tpu.memory_space<hbm>> -> memref<3200x32xf32, #tpu.memory_space<hbm>>
      tpu.enqueue_dma source(%dma_start3A_58 : memref<3200x32xf32, #tpu.memory_space<hbm>>) target(%dma_start3A_56 : memref<3200x32xf32, #tpu.memory_space<vmem_shared>>) target_semaphore(%run_scoped3A : memref<!tpu.dma_semaphore, #tpu.memory_space<semaphore_mem>>)
      %dma_wait3A = arith.constant 0 : i32
      %dma_wait3A_59 = tpu.memref_slice %arg14[%mul3A_34, %dma_wait3A] : memref<51200x32xf32, #tpu.memory_space<vmem_shared>> -> memref<3200x32xf32, #tpu.memory_space<vmem_shared>>
      %dma_wait3A_60 = arith.constant 0 : i32
      %dma_wait3A_61 = tpu.memref_slice %arg6[%mul3A_32, %dma_wait3A_60] : memref<51200x32xf32, #tpu.memory_space<hbm>> -> memref<3200x32xf32, #tpu.memory_space<hbm>>
      tpu.wait_dma2 semaphore(%run_scoped3A : memref<!tpu.dma_semaphore, #tpu.memory_space<semaphore_mem>>) src(%dma_wait3A_61 : memref<3200x32xf32, #tpu.memory_space<hbm>>) dst(%dma_wait3A_59 : memref<3200x32xf32, #tpu.memory_space<vmem_shared>>)
      tpu.yield
    }) : () -> ()
    %mul3A_35 = arith.constant 3200 : i32
    %mul3A_36 = arith.muli %arg1, %mul3A_35 : i32
    %mul3A_37 = arith.constant 3200 : i32
    %mul3A_38 = arith.muli %arg1, %mul3A_37 : i32
    "tpu.region"() ({
      %run_scoped3A = tpu.sem_alloc : memref<!tpu.dma_semaphore, #tpu.memory_space<semaphore_mem>>
      %dma_start3A = tpu.memref_slice %arg18[%mul3A_38] : memref<51200xf32, #tpu.memory_space<vmem_shared>> -> memref<3200xf32, #tpu.memory_space<vmem_shared>>
      %dma_start3A_56 = tpu.memref_slice %arg7[%mul3A_36] : memref<51200xf32, #tpu.memory_space<hbm>> -> memref<3200xf32, #tpu.memory_space<hbm>>
      tpu.enqueue_dma source(%dma_start3A_56 : memref<3200xf32, #tpu.memory_space<hbm>>) target(%dma_start3A : memref<3200xf32, #tpu.memory_space<vmem_shared>>) target_semaphore(%run_scoped3A : memref<!tpu.dma_semaphore, #tpu.memory_space<semaphore_mem>>)
      %dma_wait3A = tpu.memref_slice %arg18[%mul3A_38] : memref<51200xf32, #tpu.memory_space<vmem_shared>> -> memref<3200xf32, #tpu.memory_space<vmem_shared>>
      %dma_wait3A_57 = tpu.memref_slice %arg7[%mul3A_36] : memref<51200xf32, #tpu.memory_space<hbm>> -> memref<3200xf32, #tpu.memory_space<hbm>>
      tpu.wait_dma2 semaphore(%run_scoped3A : memref<!tpu.dma_semaphore, #tpu.memory_space<semaphore_mem>>) src(%dma_wait3A_57 : memref<3200xf32, #tpu.memory_space<hbm>>) dst(%dma_wait3A : memref<3200xf32, #tpu.memory_space<vmem_shared>>)
      tpu.yield
    }) : () -> ()
    %barrier3A = arith.constant 0 : index
    tpu.barrier barrier_id(%barrier3A)
    %mul3A_39 = arith.constant 51200 : i32
    %mul3A_40 = arith.muli %add3A, %mul3A_39 : i32
    %scan3A = arith.constant 0 : i32
    %scan3A_41 = arith.constant 0 : i32
    %scan3A_42 = arith.constant 200 : i32
    %scan3A_43 = arith.addi %scan3A_41, %scan3A_42 : i32
    %scan3A_44 = arith.constant 1 : i32
    %scan3A_45 = scf.for %scan3A_56 = %scan3A_41 to %scan3A_43 step %scan3A_44 iter_args(%scan3A_57 = %scan3A) -> (i32)  : i32 {
      %mul3A_58 = arith.constant 256 : i32
      %mul3A_59 = arith.muli %scan3A_56, %mul3A_58 : i32
      %add3A_60 = arith.addi %mul3A_40, %mul3A_59 : i32
      %multiple_of3A = tpu.assume_multiple %add3A_60, 256 : i32
      "tpu.region"() ({
        %run_scoped3A = tpu.sem_alloc : memref<!tpu.dma_semaphore, #tpu.memory_space<semaphore_mem>>
        %dma_start3A_180 = tpu.memref_slice %arg2[%multiple_of3A] : memref<1638400xi32, #tpu.memory_space<hbm>> -> memref<256xi32, #tpu.memory_space<hbm>>
        %dma_start3A_181 = tpu.memref_slice %arg2[%multiple_of3A] : memref<1638400xi32, #tpu.memory_space<hbm>> -> memref<256xi32, #tpu.memory_space<hbm>>
        tpu.enqueue_dma source(%dma_start3A_181 : memref<256xi32, #tpu.memory_space<hbm>>) target(%arg10 : memref<256xi32, #tpu.memory_space<vmem>>) target_semaphore(%run_scoped3A : memref<!tpu.dma_semaphore, #tpu.memory_space<semaphore_mem>>)
        %dma_wait3A_182 = tpu.memref_slice %arg2[%multiple_of3A] : memref<1638400xi32, #tpu.memory_space<hbm>> -> memref<256xi32, #tpu.memory_space<hbm>>
        %dma_wait3A_183 = tpu.memref_slice %arg2[%multiple_of3A] : memref<1638400xi32, #tpu.memory_space<hbm>> -> memref<256xi32, #tpu.memory_space<hbm>>
        tpu.wait_dma2 semaphore(%run_scoped3A : memref<!tpu.dma_semaphore, #tpu.memory_space<semaphore_mem>>) src(%dma_wait3A_183 : memref<256xi32, #tpu.memory_space<hbm>>) dst(%arg10 : memref<256xi32, #tpu.memory_space<vmem>>)
        tpu.yield
      }) : () -> ()
      "tpu.region"() ({
        %run_scoped3A = tpu.sem_alloc : memref<!tpu.dma_semaphore, #tpu.memory_space<semaphore_mem>>
        %dma_start3A_180 = tpu.memref_slice %arg3[%multiple_of3A] : memref<1638400xi32, #tpu.memory_space<hbm>> -> memref<256xi32, #tpu.memory_space<hbm>>
        %dma_start3A_181 = tpu.memref_slice %arg3[%multiple_of3A] : memref<1638400xi32, #tpu.memory_space<hbm>> -> memref<256xi32, #tpu.memory_space<hbm>>
        tpu.enqueue_dma source(%dma_start3A_181 : memref<256xi32, #tpu.memory_space<hbm>>) target(%arg11 : memref<256xi32, #tpu.memory_space<vmem>>) target_semaphore(%run_scoped3A : memref<!tpu.dma_semaphore, #tpu.memory_space<semaphore_mem>>)
        %dma_wait3A_182 = tpu.memref_slice %arg3[%multiple_of3A] : memref<1638400xi32, #tpu.memory_space<hbm>> -> memref<256xi32, #tpu.memory_space<hbm>>
        %dma_wait3A_183 = tpu.memref_slice %arg3[%multiple_of3A] : memref<1638400xi32, #tpu.memory_space<hbm>> -> memref<256xi32, #tpu.memory_space<hbm>>
        tpu.wait_dma2 semaphore(%run_scoped3A : memref<!tpu.dma_semaphore, #tpu.memory_space<semaphore_mem>>) src(%dma_wait3A_183 : memref<256xi32, #tpu.memory_space<hbm>>) dst(%arg11 : memref<256xi32, #tpu.memory_space<vmem>>)
        tpu.yield
      }) : () -> ()
      %dma_start3A = arith.constant 0 : i32
      %dma_start3A_61 = tpu.memref_slice %arg4[%multiple_of3A, %dma_start3A] : memref<1638400x32xf32, #tpu.memory_space<hbm>> -> memref<256x32xf32, #tpu.memory_space<hbm>>
      %dma_start3A_62 = arith.constant 0 : i32
      %dma_start3A_63 = tpu.memref_slice %arg4[%multiple_of3A, %dma_start3A_62] : memref<1638400x32xf32, #tpu.memory_space<hbm>> -> memref<256x32xf32, #tpu.memory_space<hbm>>
      tpu.enqueue_dma source(%dma_start3A_63 : memref<256x32xf32, #tpu.memory_space<hbm>>) target(%arg13 : memref<256x32xf32, #tpu.memory_space<vmem>>) target_semaphore(%arg15 : memref<!tpu.dma_semaphore, #tpu.memory_space<semaphore_mem>>)
      %dma_start3A_64 = arith.constant 0 : i32
      %dma_start3A_65 = arith.constant 0 : i32
      %dma_start3A_66 = tpu.memref_slice %arg12[%dma_start3A_64, %dma_start3A_65] : memref<256x32xf32, #tpu.memory_space<vmem>> -> memref<128x32xf32, #tpu.memory_space<vmem>>
      %dma_start3A_67 = arith.constant 0 : i32
      %dma_start3A_68 = tpu.memref_slice %arg10[%dma_start3A_67] : memref<256xi32, #tpu.memory_space<vmem>> -> memref<128xi32, #tpu.memory_space<vmem>>
      %dma_start3A_69 = arith.constant 0 : i32
      %dma_start3A_70 = arith.constant 0 : i32
      %dma_start3A_71 = tpu.memref_slice %arg5[%dma_start3A_69, %dma_start3A_70] : memref<51200x32xf32, #tpu.memory_space<hbm>> -> memref<51200x32xf32, #tpu.memory_space<hbm>>
      tpu.enqueue_indirect_dma source(%dma_start3A_71 : memref<51200x32xf32, #tpu.memory_space<hbm>>) target(%dma_start3A_66 : memref<128x32xf32, #tpu.memory_space<vmem>>) offsets(%dma_start3A_68 : memref<128xi32, #tpu.memory_space<vmem>>) semaphore(%arg15 : memref<!tpu.dma_semaphore, #tpu.memory_space<semaphore_mem>>)
      %dma_start3A_72 = arith.constant 128 : i32
      %dma_start3A_73 = arith.constant 0 : i32
      %dma_start3A_74 = tpu.memref_slice %arg12[%dma_start3A_72, %dma_start3A_73] : memref<256x32xf32, #tpu.memory_space<vmem>> -> memref<128x32xf32, #tpu.memory_space<vmem>>
      %dma_start3A_75 = arith.constant 128 : i32
      %dma_start3A_76 = tpu.memref_slice %arg10[%dma_start3A_75] : memref<256xi32, #tpu.memory_space<vmem>> -> memref<128xi32, #tpu.memory_space<vmem>>
      %dma_start3A_77 = arith.constant 0 : i32
      %dma_start3A_78 = arith.constant 0 : i32
      %dma_start3A_79 = tpu.memref_slice %arg5[%dma_start3A_77, %dma_start3A_78] : memref<51200x32xf32, #tpu.memory_space<hbm>> -> memref<51200x32xf32, #tpu.memory_space<hbm>>
      tpu.enqueue_indirect_dma source(%dma_start3A_79 : memref<51200x32xf32, #tpu.memory_space<hbm>>) target(%dma_start3A_74 : memref<128x32xf32, #tpu.memory_space<vmem>>) offsets(%dma_start3A_76 : memref<128xi32, #tpu.memory_space<vmem>>) semaphore(%arg15 : memref<!tpu.dma_semaphore, #tpu.memory_space<semaphore_mem>>)
      %dma_wait3A = arith.constant 0 : i32
      %dma_wait3A_80 = tpu.memref_slice %arg4[%multiple_of3A, %dma_wait3A] : memref<1638400x32xf32, #tpu.memory_space<hbm>> -> memref<256x32xf32, #tpu.memory_space<hbm>>
      %dma_wait3A_81 = arith.constant 0 : i32
      %dma_wait3A_82 = tpu.memref_slice %arg4[%multiple_of3A, %dma_wait3A_81] : memref<1638400x32xf32, #tpu.memory_space<hbm>> -> memref<256x32xf32, #tpu.memory_space<hbm>>
      tpu.wait_dma2 semaphore(%arg15 : memref<!tpu.dma_semaphore, #tpu.memory_space<semaphore_mem>>) src(%dma_wait3A_82 : memref<256x32xf32, #tpu.memory_space<hbm>>) dst(%arg13 : memref<256x32xf32, #tpu.memory_space<vmem>>)
      %dma_wait3A_83 = arith.constant 0 : i32
      %dma_wait3A_84 = arith.constant 0 : i32
      %dma_wait3A_85 = tpu.memref_slice %arg12[%dma_wait3A_83, %dma_wait3A_84] : memref<256x32xf32, #tpu.memory_space<vmem>> -> memref<128x32xf32, #tpu.memory_space<vmem>>
      %dma_wait3A_86 = arith.constant 0 : i32
      %dma_wait3A_87 = tpu.memref_slice %arg10[%dma_wait3A_86] : memref<256xi32, #tpu.memory_space<vmem>> -> memref<128xi32, #tpu.memory_space<vmem>>
      %dma_wait3A_88 = arith.constant 0 : i32
      %dma_wait3A_89 = arith.constant 0 : i32
      %dma_wait3A_90 = tpu.memref_slice %arg5[%dma_wait3A_88, %dma_wait3A_89] : memref<51200x32xf32, #tpu.memory_space<hbm>> -> memref<51200x32xf32, #tpu.memory_space<hbm>>
      tpu.wait_indirect_dma semaphore(%arg15 : memref<!tpu.dma_semaphore, #tpu.memory_space<semaphore_mem>>) src(%dma_wait3A_90 : memref<51200x32xf32, #tpu.memory_space<hbm>>) dst(%dma_wait3A_85 : memref<128x32xf32, #tpu.memory_space<vmem>>)
      %dma_wait3A_91 = arith.constant 128 : i32
      %dma_wait3A_92 = arith.constant 0 : i32
      %dma_wait3A_93 = tpu.memref_slice %arg12[%dma_wait3A_91, %dma_wait3A_92] : memref<256x32xf32, #tpu.memory_space<vmem>> -> memref<128x32xf32, #tpu.memory_space<vmem>>
      %dma_wait3A_94 = arith.constant 128 : i32
      %dma_wait3A_95 = tpu.memref_slice %arg10[%dma_wait3A_94] : memref<256xi32, #tpu.memory_space<vmem>> -> memref<128xi32, #tpu.memory_space<vmem>>
      %dma_wait3A_96 = arith.constant 0 : i32
      %dma_wait3A_97 = arith.constant 0 : i32
      %dma_wait3A_98 = tpu.memref_slice %arg5[%dma_wait3A_96, %dma_wait3A_97] : memref<51200x32xf32, #tpu.memory_space<hbm>> -> memref<51200x32xf32, #tpu.memory_space<hbm>>
      tpu.wait_indirect_dma semaphore(%arg15 : memref<!tpu.dma_semaphore, #tpu.memory_space<semaphore_mem>>) src(%dma_wait3A_98 : memref<51200x32xf32, #tpu.memory_space<hbm>>) dst(%dma_wait3A_93 : memref<128x32xf32, #tpu.memory_space<vmem>>)
      %dma_start3A_99 = arith.constant 0 : i32
      %dma_start3A_100 = arith.constant 0 : i32
      %dma_start3A_101 = tpu.memref_slice %arg12[%dma_start3A_99, %dma_start3A_100] : memref<256x32xf32, #tpu.memory_space<vmem>> -> memref<128x32xf32, #tpu.memory_space<vmem>>
      %dma_start3A_102 = arith.constant 0 : i32
      %dma_start3A_103 = tpu.memref_slice %arg11[%dma_start3A_102] : memref<256xi32, #tpu.memory_space<vmem>> -> memref<128xi32, #tpu.memory_space<vmem>>
      %dma_start3A_104 = arith.constant 0 : i32
      %dma_start3A_105 = arith.constant 0 : i32
      %dma_start3A_106 = tpu.memref_slice %arg14[%dma_start3A_104, %dma_start3A_105] : memref<51200x32xf32, #tpu.memory_space<vmem_shared>> -> memref<51200x32xf32, #tpu.memory_space<vmem_shared>>
      tpu.enqueue_indirect_dma source(%dma_start3A_101 : memref<128x32xf32, #tpu.memory_space<vmem>>) target(%dma_start3A_106 : memref<51200x32xf32, #tpu.memory_space<vmem_shared>>) offsets(%dma_start3A_103 : memref<128xi32, #tpu.memory_space<vmem>>) semaphore(%arg16 : memref<!tpu.dma_semaphore, #tpu.memory_space<semaphore_mem>>) {add = true}
      %dma_start3A_107 = arith.constant 128 : i32
      %dma_start3A_108 = arith.constant 0 : i32
      %dma_start3A_109 = tpu.memref_slice %arg12[%dma_start3A_107, %dma_start3A_108] : memref<256x32xf32, #tpu.memory_space<vmem>> -> memref<128x32xf32, #tpu.memory_space<vmem>>
      %dma_start3A_110 = arith.constant 128 : i32
      %dma_start3A_111 = tpu.memref_slice %arg11[%dma_start3A_110] : memref<256xi32, #tpu.memory_space<vmem>> -> memref<128xi32, #tpu.memory_space<vmem>>
      %dma_start3A_112 = arith.constant 0 : i32
      %dma_start3A_113 = arith.constant 0 : i32
      %dma_start3A_114 = tpu.memref_slice %arg14[%dma_start3A_112, %dma_start3A_113] : memref<51200x32xf32, #tpu.memory_space<vmem_shared>> -> memref<51200x32xf32, #tpu.memory_space<vmem_shared>>
      tpu.enqueue_indirect_dma source(%dma_start3A_109 : memref<128x32xf32, #tpu.memory_space<vmem>>) target(%dma_start3A_114 : memref<51200x32xf32, #tpu.memory_space<vmem_shared>>) offsets(%dma_start3A_111 : memref<128xi32, #tpu.memory_space<vmem>>) semaphore(%arg16 : memref<!tpu.dma_semaphore, #tpu.memory_space<semaphore_mem>>) {add = true}
      %dma_start3A_115 = arith.constant 0 : i32
      %dma_start3A_116 = arith.constant 0 : i32
      %dma_start3A_117 = tpu.memref_slice %arg13[%dma_start3A_115, %dma_start3A_116] : memref<256x32xf32, #tpu.memory_space<vmem>> -> memref<128x32xf32, #tpu.memory_space<vmem>>
      %dma_start3A_118 = arith.constant 0 : i32
      %dma_start3A_119 = tpu.memref_slice %arg11[%dma_start3A_118] : memref<256xi32, #tpu.memory_space<vmem>> -> memref<128xi32, #tpu.memory_space<vmem>>
      %dma_start3A_120 = arith.constant 0 : i32
      %dma_start3A_121 = arith.constant 0 : i32
      %dma_start3A_122 = tpu.memref_slice %arg14[%dma_start3A_120, %dma_start3A_121] : memref<51200x32xf32, #tpu.memory_space<vmem_shared>> -> memref<51200x32xf32, #tpu.memory_space<vmem_shared>>
      tpu.enqueue_indirect_dma source(%dma_start3A_117 : memref<128x32xf32, #tpu.memory_space<vmem>>) target(%dma_start3A_122 : memref<51200x32xf32, #tpu.memory_space<vmem_shared>>) offsets(%dma_start3A_119 : memref<128xi32, #tpu.memory_space<vmem>>) semaphore(%arg16 : memref<!tpu.dma_semaphore, #tpu.memory_space<semaphore_mem>>) {add = true}
      %dma_start3A_123 = arith.constant 128 : i32
      %dma_start3A_124 = arith.constant 0 : i32
      %dma_start3A_125 = tpu.memref_slice %arg13[%dma_start3A_123, %dma_start3A_124] : memref<256x32xf32, #tpu.memory_space<vmem>> -> memref<128x32xf32, #tpu.memory_space<vmem>>
      %dma_start3A_126 = arith.constant 128 : i32
      %dma_start3A_127 = tpu.memref_slice %arg11[%dma_start3A_126] : memref<256xi32, #tpu.memory_space<vmem>> -> memref<128xi32, #tpu.memory_space<vmem>>
      %dma_start3A_128 = arith.constant 0 : i32
      %dma_start3A_129 = arith.constant 0 : i32
      %dma_start3A_130 = tpu.memref_slice %arg14[%dma_start3A_128, %dma_start3A_129] : memref<51200x32xf32, #tpu.memory_space<vmem_shared>> -> memref<51200x32xf32, #tpu.memory_space<vmem_shared>>
      tpu.enqueue_indirect_dma source(%dma_start3A_125 : memref<128x32xf32, #tpu.memory_space<vmem>>) target(%dma_start3A_130 : memref<51200x32xf32, #tpu.memory_space<vmem_shared>>) offsets(%dma_start3A_127 : memref<128xi32, #tpu.memory_space<vmem>>) semaphore(%arg16 : memref<!tpu.dma_semaphore, #tpu.memory_space<semaphore_mem>>) {add = true}
      %dma_wait3A_131 = arith.constant 0 : i32
      %dma_wait3A_132 = arith.constant 0 : i32
      %dma_wait3A_133 = tpu.memref_slice %arg12[%dma_wait3A_131, %dma_wait3A_132] : memref<256x32xf32, #tpu.memory_space<vmem>> -> memref<128x32xf32, #tpu.memory_space<vmem>>
      %dma_wait3A_134 = arith.constant 0 : i32
      %dma_wait3A_135 = tpu.memref_slice %arg11[%dma_wait3A_134] : memref<256xi32, #tpu.memory_space<vmem>> -> memref<128xi32, #tpu.memory_space<vmem>>
      %dma_wait3A_136 = arith.constant 0 : i32
      %dma_wait3A_137 = arith.constant 0 : i32
      %dma_wait3A_138 = tpu.memref_slice %arg14[%dma_wait3A_136, %dma_wait3A_137] : memref<51200x32xf32, #tpu.memory_space<vmem_shared>> -> memref<51200x32xf32, #tpu.memory_space<vmem_shared>>
      tpu.wait_indirect_dma semaphore(%arg16 : memref<!tpu.dma_semaphore, #tpu.memory_space<semaphore_mem>>) src(%dma_wait3A_133 : memref<128x32xf32, #tpu.memory_space<vmem>>) dst(%dma_wait3A_138 : memref<51200x32xf32, #tpu.memory_space<vmem_shared>>)
      %dma_wait3A_139 = arith.constant 128 : i32
      %dma_wait3A_140 = arith.constant 0 : i32
      %dma_wait3A_141 = tpu.memref_slice %arg12[%dma_wait3A_139, %dma_wait3A_140] : memref<256x32xf32, #tpu.memory_space<vmem>> -> memref<128x32xf32, #tpu.memory_space<vmem>>
      %dma_wait3A_142 = arith.constant 128 : i32
      %dma_wait3A_143 = tpu.memref_slice %arg11[%dma_wait3A_142] : memref<256xi32, #tpu.memory_space<vmem>> -> memref<128xi32, #tpu.memory_space<vmem>>
      %dma_wait3A_144 = arith.constant 0 : i32
      %dma_wait3A_145 = arith.constant 0 : i32
      %dma_wait3A_146 = tpu.memref_slice %arg14[%dma_wait3A_144, %dma_wait3A_145] : memref<51200x32xf32, #tpu.memory_space<vmem_shared>> -> memref<51200x32xf32, #tpu.memory_space<vmem_shared>>
      tpu.wait_indirect_dma semaphore(%arg16 : memref<!tpu.dma_semaphore, #tpu.memory_space<semaphore_mem>>) src(%dma_wait3A_141 : memref<128x32xf32, #tpu.memory_space<vmem>>) dst(%dma_wait3A_146 : memref<51200x32xf32, #tpu.memory_space<vmem_shared>>)
      %dma_wait3A_147 = arith.constant 0 : i32
      %dma_wait3A_148 = arith.constant 0 : i32
      %dma_wait3A_149 = tpu.memref_slice %arg13[%dma_wait3A_147, %dma_wait3A_148] : memref<256x32xf32, #tpu.memory_space<vmem>> -> memref<128x32xf32, #tpu.memory_space<vmem>>
      %dma_wait3A_150 = arith.constant 0 : i32
      %dma_wait3A_151 = tpu.memref_slice %arg11[%dma_wait3A_150] : memref<256xi32, #tpu.memory_space<vmem>> -> memref<128xi32, #tpu.memory_space<vmem>>
      %dma_wait3A_152 = arith.constant 0 : i32
      %dma_wait3A_153 = arith.constant 0 : i32
      %dma_wait3A_154 = tpu.memref_slice %arg14[%dma_wait3A_152, %dma_wait3A_153] : memref<51200x32xf32, #tpu.memory_space<vmem_shared>> -> memref<51200x32xf32, #tpu.memory_space<vmem_shared>>
      tpu.wait_indirect_dma semaphore(%arg16 : memref<!tpu.dma_semaphore, #tpu.memory_space<semaphore_mem>>) src(%dma_wait3A_149 : memref<128x32xf32, #tpu.memory_space<vmem>>) dst(%dma_wait3A_154 : memref<51200x32xf32, #tpu.memory_space<vmem_shared>>)
      %dma_wait3A_155 = arith.constant 128 : i32
      %dma_wait3A_156 = arith.constant 0 : i32
      %dma_wait3A_157 = tpu.memref_slice %arg13[%dma_wait3A_155, %dma_wait3A_156] : memref<256x32xf32, #tpu.memory_space<vmem>> -> memref<128x32xf32, #tpu.memory_space<vmem>>
      %dma_wait3A_158 = arith.constant 128 : i32
      %dma_wait3A_159 = tpu.memref_slice %arg11[%dma_wait3A_158] : memref<256xi32, #tpu.memory_space<vmem>> -> memref<128xi32, #tpu.memory_space<vmem>>
      %dma_wait3A_160 = arith.constant 0 : i32
      %dma_wait3A_161 = arith.constant 0 : i32
      %dma_wait3A_162 = tpu.memref_slice %arg14[%dma_wait3A_160, %dma_wait3A_161] : memref<51200x32xf32, #tpu.memory_space<vmem_shared>> -> memref<51200x32xf32, #tpu.memory_space<vmem_shared>>
      tpu.wait_indirect_dma semaphore(%arg16 : memref<!tpu.dma_semaphore, #tpu.memory_space<semaphore_mem>>) src(%dma_wait3A_157 : memref<128x32xf32, #tpu.memory_space<vmem>>) dst(%dma_wait3A_162 : memref<51200x32xf32, #tpu.memory_space<vmem_shared>>)
      %dma_start3A_163 = arith.constant 0 : i32
      %dma_start3A_164 = tpu.memref_slice %arg11[%dma_start3A_163] : memref<256xi32, #tpu.memory_space<vmem>> -> memref<128xi32, #tpu.memory_space<vmem>>
      %dma_start3A_165 = arith.constant 0 : i32
      %dma_start3A_166 = tpu.memref_slice %arg18[%dma_start3A_165] : memref<51200xf32, #tpu.memory_space<vmem_shared>> -> memref<51200xf32, #tpu.memory_space<vmem_shared>>
      tpu.enqueue_indirect_dma source(%arg17 : memref<128xf32, #tpu.memory_space<vmem>>) target(%dma_start3A_166 : memref<51200xf32, #tpu.memory_space<vmem_shared>>) offsets(%dma_start3A_164 : memref<128xi32, #tpu.memory_space<vmem>>) semaphore(%arg19 : memref<!tpu.dma_semaphore, #tpu.memory_space<semaphore_mem>>) {add = true}
      %dma_start3A_167 = arith.constant 128 : i32
      %dma_start3A_168 = tpu.memref_slice %arg11[%dma_start3A_167] : memref<256xi32, #tpu.memory_space<vmem>> -> memref<128xi32, #tpu.memory_space<vmem>>
      %dma_start3A_169 = arith.constant 0 : i32
      %dma_start3A_170 = tpu.memref_slice %arg18[%dma_start3A_169] : memref<51200xf32, #tpu.memory_space<vmem_shared>> -> memref<51200xf32, #tpu.memory_space<vmem_shared>>
      tpu.enqueue_indirect_dma source(%arg17 : memref<128xf32, #tpu.memory_space<vmem>>) target(%dma_start3A_170 : memref<51200xf32, #tpu.memory_space<vmem_shared>>) offsets(%dma_start3A_168 : memref<128xi32, #tpu.memory_space<vmem>>) semaphore(%arg19 : memref<!tpu.dma_semaphore, #tpu.memory_space<semaphore_mem>>) {add = true}
      %dma_wait3A_171 = arith.constant 0 : i32
      %dma_wait3A_172 = tpu.memref_slice %arg11[%dma_wait3A_171] : memref<256xi32, #tpu.memory_space<vmem>> -> memref<128xi32, #tpu.memory_space<vmem>>
      %dma_wait3A_173 = arith.constant 0 : i32
      %dma_wait3A_174 = tpu.memref_slice %arg18[%dma_wait3A_173] : memref<51200xf32, #tpu.memory_space<vmem_shared>> -> memref<51200xf32, #tpu.memory_space<vmem_shared>>
      tpu.wait_indirect_dma semaphore(%arg19 : memref<!tpu.dma_semaphore, #tpu.memory_space<semaphore_mem>>) src(%arg17 : memref<128xf32, #tpu.memory_space<vmem>>) dst(%dma_wait3A_174 : memref<51200xf32, #tpu.memory_space<vmem_shared>>)
      %dma_wait3A_175 = arith.constant 128 : i32
      %dma_wait3A_176 = tpu.memref_slice %arg11[%dma_wait3A_175] : memref<256xi32, #tpu.memory_space<vmem>> -> memref<128xi32, #tpu.memory_space<vmem>>
      %dma_wait3A_177 = arith.constant 0 : i32
      %dma_wait3A_178 = tpu.memref_slice %arg18[%dma_wait3A_177] : memref<51200xf32, #tpu.memory_space<vmem_shared>> -> memref<51200xf32, #tpu.memory_space<vmem_shared>>
      tpu.wait_indirect_dma semaphore(%arg19 : memref<!tpu.dma_semaphore, #tpu.memory_space<semaphore_mem>>) src(%arg17 : memref<128xf32, #tpu.memory_space<vmem>>) dst(%dma_wait3A_178 : memref<51200xf32, #tpu.memory_space<vmem_shared>>)
      %scan3A_179 = arith.constant 0 : i32
      scf.yield %scan3A_179 : i32
    }
    %scan3A_46 = arith.constant 200 : i32
    %barrier3A_47 = arith.constant 0 : index
    tpu.barrier barrier_id(%barrier3A_47)
    %mul3A_48 = arith.constant 3200 : i32
    %mul3A_49 = arith.muli %arg1, %mul3A_48 : i32
    %mul3A_50 = arith.constant 3200 : i32
    %mul3A_51 = arith.muli %arg1, %mul3A_50 : i32
    "tpu.region"() ({
      %run_scoped3A = tpu.sem_alloc : memref<!tpu.dma_semaphore, #tpu.memory_space<semaphore_mem>>
      %dma_start3A = arith.constant 0 : i32
      %dma_start3A_56 = tpu.memref_slice %arg8[%arg0, %mul3A_51, %dma_start3A] : memref<2x51200x32xf32, #tpu.memory_space<hbm>> -> memref<1x3200x32xf32, #tpu.memory_space<hbm>>
      %dma_start3A_57 = tpu.memref_squeeze %dma_start3A_56 : memref<1x3200x32xf32, #tpu.memory_space<hbm>> -> memref<3200x32xf32, #tpu.memory_space<hbm>>
      %dma_start3A_58 = arith.constant 0 : i32
      %dma_start3A_59 = tpu.memref_slice %arg14[%mul3A_49, %dma_start3A_58] : memref<51200x32xf32, #tpu.memory_space<vmem_shared>> -> memref<3200x32xf32, #tpu.memory_space<vmem_shared>>
      tpu.enqueue_dma source(%dma_start3A_59 : memref<3200x32xf32, #tpu.memory_space<vmem_shared>>) target(%dma_start3A_57 : memref<3200x32xf32, #tpu.memory_space<hbm>>) target_semaphore(%run_scoped3A : memref<!tpu.dma_semaphore, #tpu.memory_space<semaphore_mem>>)
      %dma_wait3A = arith.constant 0 : i32
      %dma_wait3A_60 = tpu.memref_slice %arg8[%arg0, %mul3A_51, %dma_wait3A] : memref<2x51200x32xf32, #tpu.memory_space<hbm>> -> memref<1x3200x32xf32, #tpu.memory_space<hbm>>
      %dma_wait3A_61 = tpu.memref_squeeze %dma_wait3A_60 : memref<1x3200x32xf32, #tpu.memory_space<hbm>> -> memref<3200x32xf32, #tpu.memory_space<hbm>>
      %dma_wait3A_62 = arith.constant 0 : i32
      %dma_wait3A_63 = tpu.memref_slice %arg14[%mul3A_49, %dma_wait3A_62] : memref<51200x32xf32, #tpu.memory_space<vmem_shared>> -> memref<3200x32xf32, #tpu.memory_space<vmem_shared>>
      tpu.wait_dma2 semaphore(%run_scoped3A : memref<!tpu.dma_semaphore, #tpu.memory_space<semaphore_mem>>) src(%dma_wait3A_63 : memref<3200x32xf32, #tpu.memory_space<vmem_shared>>) dst(%dma_wait3A_61 : memref<3200x32xf32, #tpu.memory_space<hbm>>)
      tpu.yield
    }) : () -> ()
    %mul3A_52 = arith.constant 3200 : i32
    %mul3A_53 = arith.muli %arg1, %mul3A_52 : i32
    %mul3A_54 = arith.constant 3200 : i32
    %mul3A_55 = arith.muli %arg1, %mul3A_54 : i32
    "tpu.region"() ({
      %run_scoped3A = tpu.sem_alloc : memref<!tpu.dma_semaphore, #tpu.memory_space<semaphore_mem>>
      %dma_start3A = tpu.memref_slice %arg9[%arg0, %mul3A_55] : memref<2x51200xf32, #tpu.memory_space<hbm>> -> memref<1x3200xf32, #tpu.memory_space<hbm>>
      %dma_start3A_56 = tpu.memref_squeeze %dma_start3A : memref<1x3200xf32, #tpu.memory_space<hbm>> -> memref<3200xf32, #tpu.memory_space<hbm>>
      %dma_start3A_57 = tpu.memref_slice %arg18[%mul3A_53] : memref<51200xf32, #tpu.memory_space<vmem_shared>> -> memref<3200xf32, #tpu.memory_space<vmem_shared>>
      tpu.enqueue_dma source(%dma_start3A_57 : memref<3200xf32, #tpu.memory_space<vmem_shared>>) target(%dma_start3A_56 : memref<3200xf32, #tpu.memory_space<hbm>>) target_semaphore(%run_scoped3A : memref<!tpu.dma_semaphore, #tpu.memory_space<semaphore_mem>>)
      %dma_wait3A = tpu.memref_slice %arg9[%arg0, %mul3A_55] : memref<2x51200xf32, #tpu.memory_space<hbm>> -> memref<1x3200xf32, #tpu.memory_space<hbm>>
      %dma_wait3A_58 = tpu.memref_squeeze %dma_wait3A : memref<1x3200xf32, #tpu.memory_space<hbm>> -> memref<3200xf32, #tpu.memory_space<hbm>>
      %dma_wait3A_59 = tpu.memref_slice %arg18[%mul3A_53] : memref<51200xf32, #tpu.memory_space<vmem_shared>> -> memref<3200xf32, #tpu.memory_space<vmem_shared>>
      tpu.wait_dma2 semaphore(%run_scoped3A : memref<!tpu.dma_semaphore, #tpu.memory_space<semaphore_mem>>) src(%dma_wait3A_59 : memref<3200xf32, #tpu.memory_space<vmem_shared>>) dst(%dma_wait3A_58 : memref<3200xf32, #tpu.memory_space<hbm>>)
      tpu.yield
    }) : () -> ()
    return
  }
}

module attributes {stable_mosaic.version = 14 : i64} {
  func.func @_tc_et_body(%arg0: i32, %arg1: memref<64x128xf32, #tpu.memory_space<vmem>>, %arg2: memref<64x128xf32, #tpu.memory_space<vmem>>, %arg3: memref<32x1xf32, #tpu.memory_space<vmem>>, %arg4: memref<32x1xf32, #tpu.memory_space<vmem>>, %arg5: memref<32x1xf32, #tpu.memory_space<vmem>>, %arg6: memref<8192x32xf32, #tpu.memory_space<vmem>>) attributes {dimension_semantics = [#tpu.dimension_semantics<arbitrary>], iteration_bounds = array<i64: 200>, scalar_prefetch = 0 : i64, scratch_operands = 0 : i64, tpu.core_type = #tpu.core_type<tc>, window_params = [{transform_indices = @transform_0, window_bounds = array<i64: 64, 128>}, {transform_indices = @transform_1, window_bounds = array<i64: 64, 128>}, {pipeline_mode = #tpu.pipeline_mode<synchronous>, transform_indices = @transform_2, window_bounds = array<i64: 32, 1>}, {pipeline_mode = #tpu.pipeline_mode<synchronous>, transform_indices = @transform_3, window_bounds = array<i64: 32, 1>}, {pipeline_mode = #tpu.pipeline_mode<synchronous>, transform_indices = @transform_4, window_bounds = array<i64: 32, 1>}, {transform_indices = @transform_5, window_bounds = array<i64: 8192, 32>}]} {
    %get3A = arith.constant 0 : index
    %get3A_0 = arith.constant 0 : index
    %get3A_1 = vector.load %arg3[%get3A, %get3A_0] : memref<32x1xf32, #tpu.memory_space<vmem>>, vector<32x1xf32>
    %get3A_2 = arith.constant 0 : index
    %get3A_3 = arith.constant 0 : index
    %get3A_4 = vector.load %arg4[%get3A_2, %get3A_3] : memref<32x1xf32, #tpu.memory_space<vmem>>, vector<32x1xf32>
    %get3A_5 = arith.constant 0 : index
    %get3A_6 = arith.constant 0 : index
    %get3A_7 = vector.load %arg5[%get3A_5, %get3A_6] : memref<32x1xf32, #tpu.memory_space<vmem>>, vector<32x1xf32>
    %get3A_8 = arith.constant 0 : index
    %get3A_9 = arith.constant 0 : index
    %get3A_10 = vector.load %arg1[%get3A_8, %get3A_9] : memref<64x128xf32, #tpu.memory_space<vmem>>, vector<1x128xf32>
    %get3A_11 = arith.constant 0 : index
    %get3A_12 = arith.constant 0 : index
    %get3A_13 = vector.load %arg2[%get3A_11, %get3A_12] : memref<64x128xf32, #tpu.memory_space<vmem>>, vector<1x128xf32>
    %mul3A = vector.broadcast %get3A_10 : vector<1x128xf32> to vector<32x128xf32>
    %mul3A_14 = vector.broadcast %get3A_1 : vector<32x1xf32> to vector<32x128xf32>
    %mul3A_15 = arith.mulf %mul3A, %mul3A_14 : vector<32x128xf32>
    %mul3A_16 = vector.broadcast %get3A_13 : vector<1x128xf32> to vector<32x128xf32>
    %mul3A_17 = vector.broadcast %get3A_4 : vector<32x1xf32> to vector<32x128xf32>
    %mul3A_18 = arith.mulf %mul3A_16, %mul3A_17 : vector<32x128xf32>
    %add3A = arith.addf %mul3A_15, %mul3A_18 : vector<32x128xf32>
    %add3A_19 = vector.broadcast %get3A_7 : vector<32x1xf32> to vector<32x128xf32>
    %add3A_20 = arith.addf %add3A, %add3A_19 : vector<32x128xf32>
    %max3A = arith.constant 0.000000e+00 : f32
    %max3A_21 = vector.broadcast %max3A : f32 to vector<32x128xf32>
    %max3A_22 = arith.maximumf %add3A_20, %max3A_21 : vector<32x128xf32>
    %transpose3A = tpu.transpose %max3A_22, [1, 0] : vector<32x128xf32> -> vector<128x32xf32>
    %swap3A = arith.constant 0 : index
    %swap3A_23 = arith.constant 0 : index
    %swap3A_24 = vector.load %arg6[%swap3A, %swap3A_23] : memref<8192x32xf32, #tpu.memory_space<vmem>>, vector<128x32xf32>
    tpu.vector_store %arg6[%swap3A, %swap3A_23], %transpose3A {strides = array<i32>} : memref<8192x32xf32, #tpu.memory_space<vmem>>, vector<128x32xf32>,
    %get3A_25 = arith.constant 1 : index
    %get3A_26 = arith.constant 0 : index
    %get3A_27 = vector.load %arg1[%get3A_25, %get3A_26] : memref<64x128xf32, #tpu.memory_space<vmem>>, vector<1x128xf32>
    %get3A_28 = arith.constant 1 : index
    %get3A_29 = arith.constant 0 : index
    %get3A_30 = vector.load %arg2[%get3A_28, %get3A_29] : memref<64x128xf32, #tpu.memory_space<vmem>>, vector<1x128xf32>
    %mul3A_31 = vector.broadcast %get3A_27 : vector<1x128xf32> to vector<32x128xf32>
    %mul3A_32 = vector.broadcast %get3A_1 : vector<32x1xf32> to vector<32x128xf32>
    %mul3A_33 = arith.mulf %mul3A_31, %mul3A_32 : vector<32x128xf32>
    %mul3A_34 = vector.broadcast %get3A_30 : vector<1x128xf32> to vector<32x128xf32>
    %mul3A_35 = vector.broadcast %get3A_4 : vector<32x1xf32> to vector<32x128xf32>
    %mul3A_36 = arith.mulf %mul3A_34, %mul3A_35 : vector<32x128xf32>
    %add3A_37 = arith.addf %mul3A_33, %mul3A_36 : vector<32x128xf32>
    %add3A_38 = vector.broadcast %get3A_7 : vector<32x1xf32> to vector<32x128xf32>
    %add3A_39 = arith.addf %add3A_37, %add3A_38 : vector<32x128xf32>
    %max3A_40 = arith.constant 0.000000e+00 : f32
    %max3A_41 = vector.broadcast %max3A_40 : f32 to vector<32x128xf32>
    %max3A_42 = arith.maximumf %add3A_39, %max3A_41 : vector<32x128xf32>
    %transpose3A_43 = tpu.transpose %max3A_42, [1, 0] : vector<32x128xf32> -> vector<128x32xf32>
    %swap3A_44 = arith.constant 128 : index
    %swap3A_45 = arith.constant 0 : index
    %swap3A_46 = vector.load %arg6[%swap3A_44, %swap3A_45] : memref<8192x32xf32, #tpu.memory_space<vmem>>, vector<128x32xf32>
    tpu.vector_store %arg6[%swap3A_44, %swap3A_45], %transpose3A_43 {strides = array<i32>} : memref<8192x32xf32, #tpu.memory_space<vmem>>, vector<128x32xf32>,
    %get3A_47 = arith.constant 2 : index
    %get3A_48 = arith.constant 0 : index
    %get3A_49 = vector.load %arg1[%get3A_47, %get3A_48] : memref<64x128xf32, #tpu.memory_space<vmem>>, vector<1x128xf32>
    %get3A_50 = arith.constant 2 : index
    %get3A_51 = arith.constant 0 : index
    %get3A_52 = vector.load %arg2[%get3A_50, %get3A_51] : memref<64x128xf32, #tpu.memory_space<vmem>>, vector<1x128xf32>
    %mul3A_53 = vector.broadcast %get3A_49 : vector<1x128xf32> to vector<32x128xf32>
    %mul3A_54 = vector.broadcast %get3A_1 : vector<32x1xf32> to vector<32x128xf32>
    %mul3A_55 = arith.mulf %mul3A_53, %mul3A_54 : vector<32x128xf32>
    %mul3A_56 = vector.broadcast %get3A_52 : vector<1x128xf32> to vector<32x128xf32>
    %mul3A_57 = vector.broadcast %get3A_4 : vector<32x1xf32> to vector<32x128xf32>
    %mul3A_58 = arith.mulf %mul3A_56, %mul3A_57 : vector<32x128xf32>
    %add3A_59 = arith.addf %mul3A_55, %mul3A_58 : vector<32x128xf32>
    %add3A_60 = vector.broadcast %get3A_7 : vector<32x1xf32> to vector<32x128xf32>
    %add3A_61 = arith.addf %add3A_59, %add3A_60 : vector<32x128xf32>
    %max3A_62 = arith.constant 0.000000e+00 : f32
    %max3A_63 = vector.broadcast %max3A_62 : f32 to vector<32x128xf32>
    %max3A_64 = arith.maximumf %add3A_61, %max3A_63 : vector<32x128xf32>
    %transpose3A_65 = tpu.transpose %max3A_64, [1, 0] : vector<32x128xf32> -> vector<128x32xf32>
    %swap3A_66 = arith.constant 256 : index
    %swap3A_67 = arith.constant 0 : index
    %swap3A_68 = vector.load %arg6[%swap3A_66, %swap3A_67] : memref<8192x32xf32, #tpu.memory_space<vmem>>, vector<128x32xf32>
    tpu.vector_store %arg6[%swap3A_66, %swap3A_67], %transpose3A_65 {strides = array<i32>} : memref<8192x32xf32, #tpu.memory_space<vmem>>, vector<128x32xf32>,
    %get3A_69 = arith.constant 3 : index
    %get3A_70 = arith.constant 0 : index
    %get3A_71 = vector.load %arg1[%get3A_69, %get3A_70] : memref<64x128xf32, #tpu.memory_space<vmem>>, vector<1x128xf32>
    %get3A_72 = arith.constant 3 : index
    %get3A_73 = arith.constant 0 : index
    %get3A_74 = vector.load %arg2[%get3A_72, %get3A_73] : memref<64x128xf32, #tpu.memory_space<vmem>>, vector<1x128xf32>
    %mul3A_75 = vector.broadcast %get3A_71 : vector<1x128xf32> to vector<32x128xf32>
    %mul3A_76 = vector.broadcast %get3A_1 : vector<32x1xf32> to vector<32x128xf32>
    %mul3A_77 = arith.mulf %mul3A_75, %mul3A_76 : vector<32x128xf32>
    %mul3A_78 = vector.broadcast %get3A_74 : vector<1x128xf32> to vector<32x128xf32>
    %mul3A_79 = vector.broadcast %get3A_4 : vector<32x1xf32> to vector<32x128xf32>
    %mul3A_80 = arith.mulf %mul3A_78, %mul3A_79 : vector<32x128xf32>
    %add3A_81 = arith.addf %mul3A_77, %mul3A_80 : vector<32x128xf32>
    %add3A_82 = vector.broadcast %get3A_7 : vector<32x1xf32> to vector<32x128xf32>
    %add3A_83 = arith.addf %add3A_81, %add3A_82 : vector<32x128xf32>
    %max3A_84 = arith.constant 0.000000e+00 : f32
    %max3A_85 = vector.broadcast %max3A_84 : f32 to vector<32x128xf32>
    %max3A_86 = arith.maximumf %add3A_83, %max3A_85 : vector<32x128xf32>
    %transpose3A_87 = tpu.transpose %max3A_86, [1, 0] : vector<32x128xf32> -> vector<128x32xf32>
    %swap3A_88 = arith.constant 384 : index
    %swap3A_89 = arith.constant 0 : index
    %swap3A_90 = vector.load %arg6[%swap3A_88, %swap3A_89] : memref<8192x32xf32, #tpu.memory_space<vmem>>, vector<128x32xf32>
    tpu.vector_store %arg6[%swap3A_88, %swap3A_89], %transpose3A_87 {strides = array<i32>} : memref<8192x32xf32, #tpu.memory_space<vmem>>, vector<128x32xf32>,
    %get3A_91 = arith.constant 4 : index
    %get3A_92 = arith.constant 0 : index
    %get3A_93 = vector.load %arg1[%get3A_91, %get3A_92] : memref<64x128xf32, #tpu.memory_space<vmem>>, vector<1x128xf32>
    %get3A_94 = arith.constant 4 : index
    %get3A_95 = arith.constant 0 : index
    %get3A_96 = vector.load %arg2[%get3A_94, %get3A_95] : memref<64x128xf32, #tpu.memory_space<vmem>>, vector<1x128xf32>
    %mul3A_97 = vector.broadcast %get3A_93 : vector<1x128xf32> to vector<32x128xf32>
    %mul3A_98 = vector.broadcast %get3A_1 : vector<32x1xf32> to vector<32x128xf32>
    %mul3A_99 = arith.mulf %mul3A_97, %mul3A_98 : vector<32x128xf32>
    %mul3A_100 = vector.broadcast %get3A_96 : vector<1x128xf32> to vector<32x128xf32>
    %mul3A_101 = vector.broadcast %get3A_4 : vector<32x1xf32> to vector<32x128xf32>
    %mul3A_102 = arith.mulf %mul3A_100, %mul3A_101 : vector<32x128xf32>
    %add3A_103 = arith.addf %mul3A_99, %mul3A_102 : vector<32x128xf32>
    %add3A_104 = vector.broadcast %get3A_7 : vector<32x1xf32> to vector<32x128xf32>
    %add3A_105 = arith.addf %add3A_103, %add3A_104 : vector<32x128xf32>
    %max3A_106 = arith.constant 0.000000e+00 : f32
    %max3A_107 = vector.broadcast %max3A_106 : f32 to vector<32x128xf32>
    %max3A_108 = arith.maximumf %add3A_105, %max3A_107 : vector<32x128xf32>
    %transpose3A_109 = tpu.transpose %max3A_108, [1, 0] : vector<32x128xf32> -> vector<128x32xf32>
    %swap3A_110 = arith.constant 512 : index
    %swap3A_111 = arith.constant 0 : index
    %swap3A_112 = vector.load %arg6[%swap3A_110, %swap3A_111] : memref<8192x32xf32, #tpu.memory_space<vmem>>, vector<128x32xf32>
    tpu.vector_store %arg6[%swap3A_110, %swap3A_111], %transpose3A_109 {strides = array<i32>} : memref<8192x32xf32, #tpu.memory_space<vmem>>, vector<128x32xf32>,
    %get3A_113 = arith.constant 5 : index
    %get3A_114 = arith.constant 0 : index
    %get3A_115 = vector.load %arg1[%get3A_113, %get3A_114] : memref<64x128xf32, #tpu.memory_space<vmem>>, vector<1x128xf32>
    %get3A_116 = arith.constant 5 : index
    %get3A_117 = arith.constant 0 : index
    %get3A_118 = vector.load %arg2[%get3A_116, %get3A_117] : memref<64x128xf32, #tpu.memory_space<vmem>>, vector<1x128xf32>
    %mul3A_119 = vector.broadcast %get3A_115 : vector<1x128xf32> to vector<32x128xf32>
    %mul3A_120 = vector.broadcast %get3A_1 : vector<32x1xf32> to vector<32x128xf32>
    %mul3A_121 = arith.mulf %mul3A_119, %mul3A_120 : vector<32x128xf32>
    %mul3A_122 = vector.broadcast %get3A_118 : vector<1x128xf32> to vector<32x128xf32>
    %mul3A_123 = vector.broadcast %get3A_4 : vector<32x1xf32> to vector<32x128xf32>
    %mul3A_124 = arith.mulf %mul3A_122, %mul3A_123 : vector<32x128xf32>
    %add3A_125 = arith.addf %mul3A_121, %mul3A_124 : vector<32x128xf32>
    %add3A_126 = vector.broadcast %get3A_7 : vector<32x1xf32> to vector<32x128xf32>
    %add3A_127 = arith.addf %add3A_125, %add3A_126 : vector<32x128xf32>
    %max3A_128 = arith.constant 0.000000e+00 : f32
    %max3A_129 = vector.broadcast %max3A_128 : f32 to vector<32x128xf32>
    %max3A_130 = arith.maximumf %add3A_127, %max3A_129 : vector<32x128xf32>
    %transpose3A_131 = tpu.transpose %max3A_130, [1, 0] : vector<32x128xf32> -> vector<128x32xf32>
    %swap3A_132 = arith.constant 640 : index
    %swap3A_133 = arith.constant 0 : index
    %swap3A_134 = vector.load %arg6[%swap3A_132, %swap3A_133] : memref<8192x32xf32, #tpu.memory_space<vmem>>, vector<128x32xf32>
    tpu.vector_store %arg6[%swap3A_132, %swap3A_133], %transpose3A_131 {strides = array<i32>} : memref<8192x32xf32, #tpu.memory_space<vmem>>, vector<128x32xf32>,
    %get3A_135 = arith.constant 6 : index
    %get3A_136 = arith.constant 0 : index
    %get3A_137 = vector.load %arg1[%get3A_135, %get3A_136] : memref<64x128xf32, #tpu.memory_space<vmem>>, vector<1x128xf32>
    %get3A_138 = arith.constant 6 : index
    %get3A_139 = arith.constant 0 : index
    %get3A_140 = vector.load %arg2[%get3A_138, %get3A_139] : memref<64x128xf32, #tpu.memory_space<vmem>>, vector<1x128xf32>
    %mul3A_141 = vector.broadcast %get3A_137 : vector<1x128xf32> to vector<32x128xf32>
    %mul3A_142 = vector.broadcast %get3A_1 : vector<32x1xf32> to vector<32x128xf32>
    %mul3A_143 = arith.mulf %mul3A_141, %mul3A_142 : vector<32x128xf32>
    %mul3A_144 = vector.broadcast %get3A_140 : vector<1x128xf32> to vector<32x128xf32>
    %mul3A_145 = vector.broadcast %get3A_4 : vector<32x1xf32> to vector<32x128xf32>
    %mul3A_146 = arith.mulf %mul3A_144, %mul3A_145 : vector<32x128xf32>
    %add3A_147 = arith.addf %mul3A_143, %mul3A_146 : vector<32x128xf32>
    %add3A_148 = vector.broadcast %get3A_7 : vector<32x1xf32> to vector<32x128xf32>
    %add3A_149 = arith.addf %add3A_147, %add3A_148 : vector<32x128xf32>
    %max3A_150 = arith.constant 0.000000e+00 : f32
    %max3A_151 = vector.broadcast %max3A_150 : f32 to vector<32x128xf32>
    %max3A_152 = arith.maximumf %add3A_149, %max3A_151 : vector<32x128xf32>
    %transpose3A_153 = tpu.transpose %max3A_152, [1, 0] : vector<32x128xf32> -> vector<128x32xf32>
    %swap3A_154 = arith.constant 768 : index
    %swap3A_155 = arith.constant 0 : index
    %swap3A_156 = vector.load %arg6[%swap3A_154, %swap3A_155] : memref<8192x32xf32, #tpu.memory_space<vmem>>, vector<128x32xf32>
    tpu.vector_store %arg6[%swap3A_154, %swap3A_155], %transpose3A_153 {strides = array<i32>} : memref<8192x32xf32, #tpu.memory_space<vmem>>, vector<128x32xf32>,
    %get3A_157 = arith.constant 7 : index
    %get3A_158 = arith.constant 0 : index
    %get3A_159 = vector.load %arg1[%get3A_157, %get3A_158] : memref<64x128xf32, #tpu.memory_space<vmem>>, vector<1x128xf32>
    %get3A_160 = arith.constant 7 : index
    %get3A_161 = arith.constant 0 : index
    %get3A_162 = vector.load %arg2[%get3A_160, %get3A_161] : memref<64x128xf32, #tpu.memory_space<vmem>>, vector<1x128xf32>
    %mul3A_163 = vector.broadcast %get3A_159 : vector<1x128xf32> to vector<32x128xf32>
    %mul3A_164 = vector.broadcast %get3A_1 : vector<32x1xf32> to vector<32x128xf32>
    %mul3A_165 = arith.mulf %mul3A_163, %mul3A_164 : vector<32x128xf32>
    %mul3A_166 = vector.broadcast %get3A_162 : vector<1x128xf32> to vector<32x128xf32>
    %mul3A_167 = vector.broadcast %get3A_4 : vector<32x1xf32> to vector<32x128xf32>
    %mul3A_168 = arith.mulf %mul3A_166, %mul3A_167 : vector<32x128xf32>
    %add3A_169 = arith.addf %mul3A_165, %mul3A_168 : vector<32x128xf32>
    %add3A_170 = vector.broadcast %get3A_7 : vector<32x1xf32> to vector<32x128xf32>
    %add3A_171 = arith.addf %add3A_169, %add3A_170 : vector<32x128xf32>
    %max3A_172 = arith.constant 0.000000e+00 : f32
    %max3A_173 = vector.broadcast %max3A_172 : f32 to vector<32x128xf32>
    %max3A_174 = arith.maximumf %add3A_171, %max3A_173 : vector<32x128xf32>
    %transpose3A_175 = tpu.transpose %max3A_174, [1, 0] : vector<32x128xf32> -> vector<128x32xf32>
    %swap3A_176 = arith.constant 896 : index
    %swap3A_177 = arith.constant 0 : index
    %swap3A_178 = vector.load %arg6[%swap3A_176, %swap3A_177] : memref<8192x32xf32, #tpu.memory_space<vmem>>, vector<128x32xf32>
    tpu.vector_store %arg6[%swap3A_176, %swap3A_177], %transpose3A_175 {strides = array<i32>} : memref<8192x32xf32, #tpu.memory_space<vmem>>, vector<128x32xf32>,
    %get3A_179 = arith.constant 8 : index
    %get3A_180 = arith.constant 0 : index
    %get3A_181 = vector.load %arg1[%get3A_179, %get3A_180] : memref<64x128xf32, #tpu.memory_space<vmem>>, vector<1x128xf32>
    %get3A_182 = arith.constant 8 : index
    %get3A_183 = arith.constant 0 : index
    %get3A_184 = vector.load %arg2[%get3A_182, %get3A_183] : memref<64x128xf32, #tpu.memory_space<vmem>>, vector<1x128xf32>
    %mul3A_185 = vector.broadcast %get3A_181 : vector<1x128xf32> to vector<32x128xf32>
    %mul3A_186 = vector.broadcast %get3A_1 : vector<32x1xf32> to vector<32x128xf32>
    %mul3A_187 = arith.mulf %mul3A_185, %mul3A_186 : vector<32x128xf32>
    %mul3A_188 = vector.broadcast %get3A_184 : vector<1x128xf32> to vector<32x128xf32>
    %mul3A_189 = vector.broadcast %get3A_4 : vector<32x1xf32> to vector<32x128xf32>
    %mul3A_190 = arith.mulf %mul3A_188, %mul3A_189 : vector<32x128xf32>
    %add3A_191 = arith.addf %mul3A_187, %mul3A_190 : vector<32x128xf32>
    %add3A_192 = vector.broadcast %get3A_7 : vector<32x1xf32> to vector<32x128xf32>
    %add3A_193 = arith.addf %add3A_191, %add3A_192 : vector<32x128xf32>
    %max3A_194 = arith.constant 0.000000e+00 : f32
    %max3A_195 = vector.broadcast %max3A_194 : f32 to vector<32x128xf32>
    %max3A_196 = arith.maximumf %add3A_193, %max3A_195 : vector<32x128xf32>
    %transpose3A_197 = tpu.transpose %max3A_196, [1, 0] : vector<32x128xf32> -> vector<128x32xf32>
    %swap3A_198 = arith.constant 1024 : index
    %swap3A_199 = arith.constant 0 : index
    %swap3A_200 = vector.load %arg6[%swap3A_198, %swap3A_199] : memref<8192x32xf32, #tpu.memory_space<vmem>>, vector<128x32xf32>
    tpu.vector_store %arg6[%swap3A_198, %swap3A_199], %transpose3A_197 {strides = array<i32>} : memref<8192x32xf32, #tpu.memory_space<vmem>>, vector<128x32xf32>,
    %get3A_201 = arith.constant 9 : index
    %get3A_202 = arith.constant 0 : index
    %get3A_203 = vector.load %arg1[%get3A_201, %get3A_202] : memref<64x128xf32, #tpu.memory_space<vmem>>, vector<1x128xf32>
    %get3A_204 = arith.constant 9 : index
    %get3A_205 = arith.constant 0 : index
    %get3A_206 = vector.load %arg2[%get3A_204, %get3A_205] : memref<64x128xf32, #tpu.memory_space<vmem>>, vector<1x128xf32>
    %mul3A_207 = vector.broadcast %get3A_203 : vector<1x128xf32> to vector<32x128xf32>
    %mul3A_208 = vector.broadcast %get3A_1 : vector<32x1xf32> to vector<32x128xf32>
    %mul3A_209 = arith.mulf %mul3A_207, %mul3A_208 : vector<32x128xf32>
    %mul3A_210 = vector.broadcast %get3A_206 : vector<1x128xf32> to vector<32x128xf32>
    %mul3A_211 = vector.broadcast %get3A_4 : vector<32x1xf32> to vector<32x128xf32>
    %mul3A_212 = arith.mulf %mul3A_210, %mul3A_211 : vector<32x128xf32>
    %add3A_213 = arith.addf %mul3A_209, %mul3A_212 : vector<32x128xf32>
    %add3A_214 = vector.broadcast %get3A_7 : vector<32x1xf32> to vector<32x128xf32>
    %add3A_215 = arith.addf %add3A_213, %add3A_214 : vector<32x128xf32>
    %max3A_216 = arith.constant 0.000000e+00 : f32
    %max3A_217 = vector.broadcast %max3A_216 : f32 to vector<32x128xf32>
    %max3A_218 = arith.maximumf %add3A_215, %max3A_217 : vector<32x128xf32>
    %transpose3A_219 = tpu.transpose %max3A_218, [1, 0] : vector<32x128xf32> -> vector<128x32xf32>
    %swap3A_220 = arith.constant 1152 : index
    %swap3A_221 = arith.constant 0 : index
    %swap3A_222 = vector.load %arg6[%swap3A_220, %swap3A_221] : memref<8192x32xf32, #tpu.memory_space<vmem>>, vector<128x32xf32>
    tpu.vector_store %arg6[%swap3A_220, %swap3A_221], %transpose3A_219 {strides = array<i32>} : memref<8192x32xf32, #tpu.memory_space<vmem>>, vector<128x32xf32>,
    %get3A_223 = arith.constant 10 : index
    %get3A_224 = arith.constant 0 : index
    %get3A_225 = vector.load %arg1[%get3A_223, %get3A_224] : memref<64x128xf32, #tpu.memory_space<vmem>>, vector<1x128xf32>
    %get3A_226 = arith.constant 10 : index
    %get3A_227 = arith.constant 0 : index
    %get3A_228 = vector.load %arg2[%get3A_226, %get3A_227] : memref<64x128xf32, #tpu.memory_space<vmem>>, vector<1x128xf32>
    %mul3A_229 = vector.broadcast %get3A_225 : vector<1x128xf32> to vector<32x128xf32>
    %mul3A_230 = vector.broadcast %get3A_1 : vector<32x1xf32> to vector<32x128xf32>
    %mul3A_231 = arith.mulf %mul3A_229, %mul3A_230 : vector<32x128xf32>
    %mul3A_232 = vector.broadcast %get3A_228 : vector<1x128xf32> to vector<32x128xf32>
    %mul3A_233 = vector.broadcast %get3A_4 : vector<32x1xf32> to vector<32x128xf32>
    %mul3A_234 = arith.mulf %mul3A_232, %mul3A_233 : vector<32x128xf32>
    %add3A_235 = arith.addf %mul3A_231, %mul3A_234 : vector<32x128xf32>
    %add3A_236 = vector.broadcast %get3A_7 : vector<32x1xf32> to vector<32x128xf32>
    %add3A_237 = arith.addf %add3A_235, %add3A_236 : vector<32x128xf32>
    %max3A_238 = arith.constant 0.000000e+00 : f32
    %max3A_239 = vector.broadcast %max3A_238 : f32 to vector<32x128xf32>
    %max3A_240 = arith.maximumf %add3A_237, %max3A_239 : vector<32x128xf32>
    %transpose3A_241 = tpu.transpose %max3A_240, [1, 0] : vector<32x128xf32> -> vector<128x32xf32>
    %swap3A_242 = arith.constant 1280 : index
    %swap3A_243 = arith.constant 0 : index
    %swap3A_244 = vector.load %arg6[%swap3A_242, %swap3A_243] : memref<8192x32xf32, #tpu.memory_space<vmem>>, vector<128x32xf32>
    tpu.vector_store %arg6[%swap3A_242, %swap3A_243], %transpose3A_241 {strides = array<i32>} : memref<8192x32xf32, #tpu.memory_space<vmem>>, vector<128x32xf32>,
    %get3A_245 = arith.constant 11 : index
    %get3A_246 = arith.constant 0 : index
    %get3A_247 = vector.load %arg1[%get3A_245, %get3A_246] : memref<64x128xf32, #tpu.memory_space<vmem>>, vector<1x128xf32>
    %get3A_248 = arith.constant 11 : index
    %get3A_249 = arith.constant 0 : index
    %get3A_250 = vector.load %arg2[%get3A_248, %get3A_249] : memref<64x128xf32, #tpu.memory_space<vmem>>, vector<1x128xf32>
    %mul3A_251 = vector.broadcast %get3A_247 : vector<1x128xf32> to vector<32x128xf32>
    %mul3A_252 = vector.broadcast %get3A_1 : vector<32x1xf32> to vector<32x128xf32>
    %mul3A_253 = arith.mulf %mul3A_251, %mul3A_252 : vector<32x128xf32>
    %mul3A_254 = vector.broadcast %get3A_250 : vector<1x128xf32> to vector<32x128xf32>
    %mul3A_255 = vector.broadcast %get3A_4 : vector<32x1xf32> to vector<32x128xf32>
    %mul3A_256 = arith.mulf %mul3A_254, %mul3A_255 : vector<32x128xf32>
    %add3A_257 = arith.addf %mul3A_253, %mul3A_256 : vector<32x128xf32>
    %add3A_258 = vector.broadcast %get3A_7 : vector<32x1xf32> to vector<32x128xf32>
    %add3A_259 = arith.addf %add3A_257, %add3A_258 : vector<32x128xf32>
    %max3A_260 = arith.constant 0.000000e+00 : f32
    %max3A_261 = vector.broadcast %max3A_260 : f32 to vector<32x128xf32>
    %max3A_262 = arith.maximumf %add3A_259, %max3A_261 : vector<32x128xf32>
    %transpose3A_263 = tpu.transpose %max3A_262, [1, 0] : vector<32x128xf32> -> vector<128x32xf32>
    %swap3A_264 = arith.constant 1408 : index
    %swap3A_265 = arith.constant 0 : index
    %swap3A_266 = vector.load %arg6[%swap3A_264, %swap3A_265] : memref<8192x32xf32, #tpu.memory_space<vmem>>, vector<128x32xf32>
    tpu.vector_store %arg6[%swap3A_264, %swap3A_265], %transpose3A_263 {strides = array<i32>} : memref<8192x32xf32, #tpu.memory_space<vmem>>, vector<128x32xf32>,
    %get3A_267 = arith.constant 12 : index
    %get3A_268 = arith.constant 0 : index
    %get3A_269 = vector.load %arg1[%get3A_267, %get3A_268] : memref<64x128xf32, #tpu.memory_space<vmem>>, vector<1x128xf32>
    %get3A_270 = arith.constant 12 : index
    %get3A_271 = arith.constant 0 : index
    %get3A_272 = vector.load %arg2[%get3A_270, %get3A_271] : memref<64x128xf32, #tpu.memory_space<vmem>>, vector<1x128xf32>
    %mul3A_273 = vector.broadcast %get3A_269 : vector<1x128xf32> to vector<32x128xf32>
    %mul3A_274 = vector.broadcast %get3A_1 : vector<32x1xf32> to vector<32x128xf32>
    %mul3A_275 = arith.mulf %mul3A_273, %mul3A_274 : vector<32x128xf32>
    %mul3A_276 = vector.broadcast %get3A_272 : vector<1x128xf32> to vector<32x128xf32>
    %mul3A_277 = vector.broadcast %get3A_4 : vector<32x1xf32> to vector<32x128xf32>
    %mul3A_278 = arith.mulf %mul3A_276, %mul3A_277 : vector<32x128xf32>
    %add3A_279 = arith.addf %mul3A_275, %mul3A_278 : vector<32x128xf32>
    %add3A_280 = vector.broadcast %get3A_7 : vector<32x1xf32> to vector<32x128xf32>
    %add3A_281 = arith.addf %add3A_279, %add3A_280 : vector<32x128xf32>
    %max3A_282 = arith.constant 0.000000e+00 : f32
    %max3A_283 = vector.broadcast %max3A_282 : f32 to vector<32x128xf32>
    %max3A_284 = arith.maximumf %add3A_281, %max3A_283 : vector<32x128xf32>
    %transpose3A_285 = tpu.transpose %max3A_284, [1, 0] : vector<32x128xf32> -> vector<128x32xf32>
    %swap3A_286 = arith.constant 1536 : index
    %swap3A_287 = arith.constant 0 : index
    %swap3A_288 = vector.load %arg6[%swap3A_286, %swap3A_287] : memref<8192x32xf32, #tpu.memory_space<vmem>>, vector<128x32xf32>
    tpu.vector_store %arg6[%swap3A_286, %swap3A_287], %transpose3A_285 {strides = array<i32>} : memref<8192x32xf32, #tpu.memory_space<vmem>>, vector<128x32xf32>,
    %get3A_289 = arith.constant 13 : index
    %get3A_290 = arith.constant 0 : index
    %get3A_291 = vector.load %arg1[%get3A_289, %get3A_290] : memref<64x128xf32, #tpu.memory_space<vmem>>, vector<1x128xf32>
    %get3A_292 = arith.constant 13 : index
    %get3A_293 = arith.constant 0 : index
    %get3A_294 = vector.load %arg2[%get3A_292, %get3A_293] : memref<64x128xf32, #tpu.memory_space<vmem>>, vector<1x128xf32>
    %mul3A_295 = vector.broadcast %get3A_291 : vector<1x128xf32> to vector<32x128xf32>
    %mul3A_296 = vector.broadcast %get3A_1 : vector<32x1xf32> to vector<32x128xf32>
    %mul3A_297 = arith.mulf %mul3A_295, %mul3A_296 : vector<32x128xf32>
    %mul3A_298 = vector.broadcast %get3A_294 : vector<1x128xf32> to vector<32x128xf32>
    %mul3A_299 = vector.broadcast %get3A_4 : vector<32x1xf32> to vector<32x128xf32>
    %mul3A_300 = arith.mulf %mul3A_298, %mul3A_299 : vector<32x128xf32>
    %add3A_301 = arith.addf %mul3A_297, %mul3A_300 : vector<32x128xf32>
    %add3A_302 = vector.broadcast %get3A_7 : vector<32x1xf32> to vector<32x128xf32>
    %add3A_303 = arith.addf %add3A_301, %add3A_302 : vector<32x128xf32>
    %max3A_304 = arith.constant 0.000000e+00 : f32
    %max3A_305 = vector.broadcast %max3A_304 : f32 to vector<32x128xf32>
    %max3A_306 = arith.maximumf %add3A_303, %max3A_305 : vector<32x128xf32>
    %transpose3A_307 = tpu.transpose %max3A_306, [1, 0] : vector<32x128xf32> -> vector<128x32xf32>
    %swap3A_308 = arith.constant 1664 : index
    %swap3A_309 = arith.constant 0 : index
    %swap3A_310 = vector.load %arg6[%swap3A_308, %swap3A_309] : memref<8192x32xf32, #tpu.memory_space<vmem>>, vector<128x32xf32>
    tpu.vector_store %arg6[%swap3A_308, %swap3A_309], %transpose3A_307 {strides = array<i32>} : memref<8192x32xf32, #tpu.memory_space<vmem>>, vector<128x32xf32>,
    %get3A_311 = arith.constant 14 : index
    %get3A_312 = arith.constant 0 : index
    %get3A_313 = vector.load %arg1[%get3A_311, %get3A_312] : memref<64x128xf32, #tpu.memory_space<vmem>>, vector<1x128xf32>
    %get3A_314 = arith.constant 14 : index
    %get3A_315 = arith.constant 0 : index
    %get3A_316 = vector.load %arg2[%get3A_314, %get3A_315] : memref<64x128xf32, #tpu.memory_space<vmem>>, vector<1x128xf32>
    %mul3A_317 = vector.broadcast %get3A_313 : vector<1x128xf32> to vector<32x128xf32>
    %mul3A_318 = vector.broadcast %get3A_1 : vector<32x1xf32> to vector<32x128xf32>
    %mul3A_319 = arith.mulf %mul3A_317, %mul3A_318 : vector<32x128xf32>
    %mul3A_320 = vector.broadcast %get3A_316 : vector<1x128xf32> to vector<32x128xf32>
    %mul3A_321 = vector.broadcast %get3A_4 : vector<32x1xf32> to vector<32x128xf32>
    %mul3A_322 = arith.mulf %mul3A_320, %mul3A_321 : vector<32x128xf32>
    %add3A_323 = arith.addf %mul3A_319, %mul3A_322 : vector<32x128xf32>
    %add3A_324 = vector.broadcast %get3A_7 : vector<32x1xf32> to vector<32x128xf32>
    %add3A_325 = arith.addf %add3A_323, %add3A_324 : vector<32x128xf32>
    %max3A_326 = arith.constant 0.000000e+00 : f32
    %max3A_327 = vector.broadcast %max3A_326 : f32 to vector<32x128xf32>
    %max3A_328 = arith.maximumf %add3A_325, %max3A_327 : vector<32x128xf32>
    %transpose3A_329 = tpu.transpose %max3A_328, [1, 0] : vector<32x128xf32> -> vector<128x32xf32>
    %swap3A_330 = arith.constant 1792 : index
    %swap3A_331 = arith.constant 0 : index
    %swap3A_332 = vector.load %arg6[%swap3A_330, %swap3A_331] : memref<8192x32xf32, #tpu.memory_space<vmem>>, vector<128x32xf32>
    tpu.vector_store %arg6[%swap3A_330, %swap3A_331], %transpose3A_329 {strides = array<i32>} : memref<8192x32xf32, #tpu.memory_space<vmem>>, vector<128x32xf32>,
    %get3A_333 = arith.constant 15 : index
    %get3A_334 = arith.constant 0 : index
    %get3A_335 = vector.load %arg1[%get3A_333, %get3A_334] : memref<64x128xf32, #tpu.memory_space<vmem>>, vector<1x128xf32>
    %get3A_336 = arith.constant 15 : index
    %get3A_337 = arith.constant 0 : index
    %get3A_338 = vector.load %arg2[%get3A_336, %get3A_337] : memref<64x128xf32, #tpu.memory_space<vmem>>, vector<1x128xf32>
    %mul3A_339 = vector.broadcast %get3A_335 : vector<1x128xf32> to vector<32x128xf32>
    %mul3A_340 = vector.broadcast %get3A_1 : vector<32x1xf32> to vector<32x128xf32>
    %mul3A_341 = arith.mulf %mul3A_339, %mul3A_340 : vector<32x128xf32>
    %mul3A_342 = vector.broadcast %get3A_338 : vector<1x128xf32> to vector<32x128xf32>
    %mul3A_343 = vector.broadcast %get3A_4 : vector<32x1xf32> to vector<32x128xf32>
    %mul3A_344 = arith.mulf %mul3A_342, %mul3A_343 : vector<32x128xf32>
    %add3A_345 = arith.addf %mul3A_341, %mul3A_344 : vector<32x128xf32>
    %add3A_346 = vector.broadcast %get3A_7 : vector<32x1xf32> to vector<32x128xf32>
    %add3A_347 = arith.addf %add3A_345, %add3A_346 : vector<32x128xf32>
    %max3A_348 = arith.constant 0.000000e+00 : f32
    %max3A_349 = vector.broadcast %max3A_348 : f32 to vector<32x128xf32>
    %max3A_350 = arith.maximumf %add3A_347, %max3A_349 : vector<32x128xf32>
    %transpose3A_351 = tpu.transpose %max3A_350, [1, 0] : vector<32x128xf32> -> vector<128x32xf32>
    %swap3A_352 = arith.constant 1920 : index
    %swap3A_353 = arith.constant 0 : index
    %swap3A_354 = vector.load %arg6[%swap3A_352, %swap3A_353] : memref<8192x32xf32, #tpu.memory_space<vmem>>, vector<128x32xf32>
    tpu.vector_store %arg6[%swap3A_352, %swap3A_353], %transpose3A_351 {strides = array<i32>} : memref<8192x32xf32, #tpu.memory_space<vmem>>, vector<128x32xf32>,
    %get3A_355 = arith.constant 16 : index
    %get3A_356 = arith.constant 0 : index
    %get3A_357 = vector.load %arg1[%get3A_355, %get3A_356] : memref<64x128xf32, #tpu.memory_space<vmem>>, vector<1x128xf32>
    %get3A_358 = arith.constant 16 : index
    %get3A_359 = arith.constant 0 : index
    %get3A_360 = vector.load %arg2[%get3A_358, %get3A_359] : memref<64x128xf32, #tpu.memory_space<vmem>>, vector<1x128xf32>
    %mul3A_361 = vector.broadcast %get3A_357 : vector<1x128xf32> to vector<32x128xf32>
    %mul3A_362 = vector.broadcast %get3A_1 : vector<32x1xf32> to vector<32x128xf32>
    %mul3A_363 = arith.mulf %mul3A_361, %mul3A_362 : vector<32x128xf32>
    %mul3A_364 = vector.broadcast %get3A_360 : vector<1x128xf32> to vector<32x128xf32>
    %mul3A_365 = vector.broadcast %get3A_4 : vector<32x1xf32> to vector<32x128xf32>
    %mul3A_366 = arith.mulf %mul3A_364, %mul3A_365 : vector<32x128xf32>
    %add3A_367 = arith.addf %mul3A_363, %mul3A_366 : vector<32x128xf32>
    %add3A_368 = vector.broadcast %get3A_7 : vector<32x1xf32> to vector<32x128xf32>
    %add3A_369 = arith.addf %add3A_367, %add3A_368 : vector<32x128xf32>
    %max3A_370 = arith.constant 0.000000e+00 : f32
    %max3A_371 = vector.broadcast %max3A_370 : f32 to vector<32x128xf32>
    %max3A_372 = arith.maximumf %add3A_369, %max3A_371 : vector<32x128xf32>
    %transpose3A_373 = tpu.transpose %max3A_372, [1, 0] : vector<32x128xf32> -> vector<128x32xf32>
    %swap3A_374 = arith.constant 2048 : index
    %swap3A_375 = arith.constant 0 : index
    %swap3A_376 = vector.load %arg6[%swap3A_374, %swap3A_375] : memref<8192x32xf32, #tpu.memory_space<vmem>>, vector<128x32xf32>
    tpu.vector_store %arg6[%swap3A_374, %swap3A_375], %transpose3A_373 {strides = array<i32>} : memref<8192x32xf32, #tpu.memory_space<vmem>>, vector<128x32xf32>,
    %get3A_377 = arith.constant 17 : index
    %get3A_378 = arith.constant 0 : index
    %get3A_379 = vector.load %arg1[%get3A_377, %get3A_378] : memref<64x128xf32, #tpu.memory_space<vmem>>, vector<1x128xf32>
    %get3A_380 = arith.constant 17 : index
    %get3A_381 = arith.constant 0 : index
    %get3A_382 = vector.load %arg2[%get3A_380, %get3A_381] : memref<64x128xf32, #tpu.memory_space<vmem>>, vector<1x128xf32>
    %mul3A_383 = vector.broadcast %get3A_379 : vector<1x128xf32> to vector<32x128xf32>
    %mul3A_384 = vector.broadcast %get3A_1 : vector<32x1xf32> to vector<32x128xf32>
    %mul3A_385 = arith.mulf %mul3A_383, %mul3A_384 : vector<32x128xf32>
    %mul3A_386 = vector.broadcast %get3A_382 : vector<1x128xf32> to vector<32x128xf32>
    %mul3A_387 = vector.broadcast %get3A_4 : vector<32x1xf32> to vector<32x128xf32>
    %mul3A_388 = arith.mulf %mul3A_386, %mul3A_387 : vector<32x128xf32>
    %add3A_389 = arith.addf %mul3A_385, %mul3A_388 : vector<32x128xf32>
    %add3A_390 = vector.broadcast %get3A_7 : vector<32x1xf32> to vector<32x128xf32>
    %add3A_391 = arith.addf %add3A_389, %add3A_390 : vector<32x128xf32>
    %max3A_392 = arith.constant 0.000000e+00 : f32
    %max3A_393 = vector.broadcast %max3A_392 : f32 to vector<32x128xf32>
    %max3A_394 = arith.maximumf %add3A_391, %max3A_393 : vector<32x128xf32>
    %transpose3A_395 = tpu.transpose %max3A_394, [1, 0] : vector<32x128xf32> -> vector<128x32xf32>
    %swap3A_396 = arith.constant 2176 : index
    %swap3A_397 = arith.constant 0 : index
    %swap3A_398 = vector.load %arg6[%swap3A_396, %swap3A_397] : memref<8192x32xf32, #tpu.memory_space<vmem>>, vector<128x32xf32>
    tpu.vector_store %arg6[%swap3A_396, %swap3A_397], %transpose3A_395 {strides = array<i32>} : memref<8192x32xf32, #tpu.memory_space<vmem>>, vector<128x32xf32>,
    %get3A_399 = arith.constant 18 : index
    %get3A_400 = arith.constant 0 : index
    %get3A_401 = vector.load %arg1[%get3A_399, %get3A_400] : memref<64x128xf32, #tpu.memory_space<vmem>>, vector<1x128xf32>
    %get3A_402 = arith.constant 18 : index
    %get3A_403 = arith.constant 0 : index
    %get3A_404 = vector.load %arg2[%get3A_402, %get3A_403] : memref<64x128xf32, #tpu.memory_space<vmem>>, vector<1x128xf32>
    %mul3A_405 = vector.broadcast %get3A_401 : vector<1x128xf32> to vector<32x128xf32>
    %mul3A_406 = vector.broadcast %get3A_1 : vector<32x1xf32> to vector<32x128xf32>
    %mul3A_407 = arith.mulf %mul3A_405, %mul3A_406 : vector<32x128xf32>
    %mul3A_408 = vector.broadcast %get3A_404 : vector<1x128xf32> to vector<32x128xf32>
    %mul3A_409 = vector.broadcast %get3A_4 : vector<32x1xf32> to vector<32x128xf32>
    %mul3A_410 = arith.mulf %mul3A_408, %mul3A_409 : vector<32x128xf32>
    %add3A_411 = arith.addf %mul3A_407, %mul3A_410 : vector<32x128xf32>
    %add3A_412 = vector.broadcast %get3A_7 : vector<32x1xf32> to vector<32x128xf32>
    %add3A_413 = arith.addf %add3A_411, %add3A_412 : vector<32x128xf32>
    %max3A_414 = arith.constant 0.000000e+00 : f32
    %max3A_415 = vector.broadcast %max3A_414 : f32 to vector<32x128xf32>
    %max3A_416 = arith.maximumf %add3A_413, %max3A_415 : vector<32x128xf32>
    %transpose3A_417 = tpu.transpose %max3A_416, [1, 0] : vector<32x128xf32> -> vector<128x32xf32>
    %swap3A_418 = arith.constant 2304 : index
    %swap3A_419 = arith.constant 0 : index
    %swap3A_420 = vector.load %arg6[%swap3A_418, %swap3A_419] : memref<8192x32xf32, #tpu.memory_space<vmem>>, vector<128x32xf32>
    tpu.vector_store %arg6[%swap3A_418, %swap3A_419], %transpose3A_417 {strides = array<i32>} : memref<8192x32xf32, #tpu.memory_space<vmem>>, vector<128x32xf32>,
    %get3A_421 = arith.constant 19 : index
    %get3A_422 = arith.constant 0 : index
    %get3A_423 = vector.load %arg1[%get3A_421, %get3A_422] : memref<64x128xf32, #tpu.memory_space<vmem>>, vector<1x128xf32>
    %get3A_424 = arith.constant 19 : index
    %get3A_425 = arith.constant 0 : index
    %get3A_426 = vector.load %arg2[%get3A_424, %get3A_425] : memref<64x128xf32, #tpu.memory_space<vmem>>, vector<1x128xf32>
    %mul3A_427 = vector.broadcast %get3A_423 : vector<1x128xf32> to vector<32x128xf32>
    %mul3A_428 = vector.broadcast %get3A_1 : vector<32x1xf32> to vector<32x128xf32>
    %mul3A_429 = arith.mulf %mul3A_427, %mul3A_428 : vector<32x128xf32>
    %mul3A_430 = vector.broadcast %get3A_426 : vector<1x128xf32> to vector<32x128xf32>
    %mul3A_431 = vector.broadcast %get3A_4 : vector<32x1xf32> to vector<32x128xf32>
    %mul3A_432 = arith.mulf %mul3A_430, %mul3A_431 : vector<32x128xf32>
    %add3A_433 = arith.addf %mul3A_429, %mul3A_432 : vector<32x128xf32>
    %add3A_434 = vector.broadcast %get3A_7 : vector<32x1xf32> to vector<32x128xf32>
    %add3A_435 = arith.addf %add3A_433, %add3A_434 : vector<32x128xf32>
    %max3A_436 = arith.constant 0.000000e+00 : f32
    %max3A_437 = vector.broadcast %max3A_436 : f32 to vector<32x128xf32>
    %max3A_438 = arith.maximumf %add3A_435, %max3A_437 : vector<32x128xf32>
    %transpose3A_439 = tpu.transpose %max3A_438, [1, 0] : vector<32x128xf32> -> vector<128x32xf32>
    %swap3A_440 = arith.constant 2432 : index
    %swap3A_441 = arith.constant 0 : index
    %swap3A_442 = vector.load %arg6[%swap3A_440, %swap3A_441] : memref<8192x32xf32, #tpu.memory_space<vmem>>, vector<128x32xf32>
    tpu.vector_store %arg6[%swap3A_440, %swap3A_441], %transpose3A_439 {strides = array<i32>} : memref<8192x32xf32, #tpu.memory_space<vmem>>, vector<128x32xf32>,
    %get3A_443 = arith.constant 20 : index
    %get3A_444 = arith.constant 0 : index
    %get3A_445 = vector.load %arg1[%get3A_443, %get3A_444] : memref<64x128xf32, #tpu.memory_space<vmem>>, vector<1x128xf32>
    %get3A_446 = arith.constant 20 : index
    %get3A_447 = arith.constant 0 : index
    %get3A_448 = vector.load %arg2[%get3A_446, %get3A_447] : memref<64x128xf32, #tpu.memory_space<vmem>>, vector<1x128xf32>
    %mul3A_449 = vector.broadcast %get3A_445 : vector<1x128xf32> to vector<32x128xf32>
    %mul3A_450 = vector.broadcast %get3A_1 : vector<32x1xf32> to vector<32x128xf32>
    %mul3A_451 = arith.mulf %mul3A_449, %mul3A_450 : vector<32x128xf32>
    %mul3A_452 = vector.broadcast %get3A_448 : vector<1x128xf32> to vector<32x128xf32>
    %mul3A_453 = vector.broadcast %get3A_4 : vector<32x1xf32> to vector<32x128xf32>
    %mul3A_454 = arith.mulf %mul3A_452, %mul3A_453 : vector<32x128xf32>
    %add3A_455 = arith.addf %mul3A_451, %mul3A_454 : vector<32x128xf32>
    %add3A_456 = vector.broadcast %get3A_7 : vector<32x1xf32> to vector<32x128xf32>
    %add3A_457 = arith.addf %add3A_455, %add3A_456 : vector<32x128xf32>
    %max3A_458 = arith.constant 0.000000e+00 : f32
    %max3A_459 = vector.broadcast %max3A_458 : f32 to vector<32x128xf32>
    %max3A_460 = arith.maximumf %add3A_457, %max3A_459 : vector<32x128xf32>
    %transpose3A_461 = tpu.transpose %max3A_460, [1, 0] : vector<32x128xf32> -> vector<128x32xf32>
    %swap3A_462 = arith.constant 2560 : index
    %swap3A_463 = arith.constant 0 : index
    %swap3A_464 = vector.load %arg6[%swap3A_462, %swap3A_463] : memref<8192x32xf32, #tpu.memory_space<vmem>>, vector<128x32xf32>
    tpu.vector_store %arg6[%swap3A_462, %swap3A_463], %transpose3A_461 {strides = array<i32>} : memref<8192x32xf32, #tpu.memory_space<vmem>>, vector<128x32xf32>,
    %get3A_465 = arith.constant 21 : index
    %get3A_466 = arith.constant 0 : index
    %get3A_467 = vector.load %arg1[%get3A_465, %get3A_466] : memref<64x128xf32, #tpu.memory_space<vmem>>, vector<1x128xf32>
    %get3A_468 = arith.constant 21 : index
    %get3A_469 = arith.constant 0 : index
    %get3A_470 = vector.load %arg2[%get3A_468, %get3A_469] : memref<64x128xf32, #tpu.memory_space<vmem>>, vector<1x128xf32>
    %mul3A_471 = vector.broadcast %get3A_467 : vector<1x128xf32> to vector<32x128xf32>
    %mul3A_472 = vector.broadcast %get3A_1 : vector<32x1xf32> to vector<32x128xf32>
    %mul3A_473 = arith.mulf %mul3A_471, %mul3A_472 : vector<32x128xf32>
    %mul3A_474 = vector.broadcast %get3A_470 : vector<1x128xf32> to vector<32x128xf32>
    %mul3A_475 = vector.broadcast %get3A_4 : vector<32x1xf32> to vector<32x128xf32>
    %mul3A_476 = arith.mulf %mul3A_474, %mul3A_475 : vector<32x128xf32>
    %add3A_477 = arith.addf %mul3A_473, %mul3A_476 : vector<32x128xf32>
    %add3A_478 = vector.broadcast %get3A_7 : vector<32x1xf32> to vector<32x128xf32>
    %add3A_479 = arith.addf %add3A_477, %add3A_478 : vector<32x128xf32>
    %max3A_480 = arith.constant 0.000000e+00 : f32
    %max3A_481 = vector.broadcast %max3A_480 : f32 to vector<32x128xf32>
    %max3A_482 = arith.maximumf %add3A_479, %max3A_481 : vector<32x128xf32>
    %transpose3A_483 = tpu.transpose %max3A_482, [1, 0] : vector<32x128xf32> -> vector<128x32xf32>
    %swap3A_484 = arith.constant 2688 : index
    %swap3A_485 = arith.constant 0 : index
    %swap3A_486 = vector.load %arg6[%swap3A_484, %swap3A_485] : memref<8192x32xf32, #tpu.memory_space<vmem>>, vector<128x32xf32>
    tpu.vector_store %arg6[%swap3A_484, %swap3A_485], %transpose3A_483 {strides = array<i32>} : memref<8192x32xf32, #tpu.memory_space<vmem>>, vector<128x32xf32>,
    %get3A_487 = arith.constant 22 : index
    %get3A_488 = arith.constant 0 : index
    %get3A_489 = vector.load %arg1[%get3A_487, %get3A_488] : memref<64x128xf32, #tpu.memory_space<vmem>>, vector<1x128xf32>
    %get3A_490 = arith.constant 22 : index
    %get3A_491 = arith.constant 0 : index
    %get3A_492 = vector.load %arg2[%get3A_490, %get3A_491] : memref<64x128xf32, #tpu.memory_space<vmem>>, vector<1x128xf32>
    %mul3A_493 = vector.broadcast %get3A_489 : vector<1x128xf32> to vector<32x128xf32>
    %mul3A_494 = vector.broadcast %get3A_1 : vector<32x1xf32> to vector<32x128xf32>
    %mul3A_495 = arith.mulf %mul3A_493, %mul3A_494 : vector<32x128xf32>
    %mul3A_496 = vector.broadcast %get3A_492 : vector<1x128xf32> to vector<32x128xf32>
    %mul3A_497 = vector.broadcast %get3A_4 : vector<32x1xf32> to vector<32x128xf32>
    %mul3A_498 = arith.mulf %mul3A_496, %mul3A_497 : vector<32x128xf32>
    %add3A_499 = arith.addf %mul3A_495, %mul3A_498 : vector<32x128xf32>
    %add3A_500 = vector.broadcast %get3A_7 : vector<32x1xf32> to vector<32x128xf32>
    %add3A_501 = arith.addf %add3A_499, %add3A_500 : vector<32x128xf32>
    %max3A_502 = arith.constant 0.000000e+00 : f32
    %max3A_503 = vector.broadcast %max3A_502 : f32 to vector<32x128xf32>
    %max3A_504 = arith.maximumf %add3A_501, %max3A_503 : vector<32x128xf32>
    %transpose3A_505 = tpu.transpose %max3A_504, [1, 0] : vector<32x128xf32> -> vector<128x32xf32>
    %swap3A_506 = arith.constant 2816 : index
    %swap3A_507 = arith.constant 0 : index
    %swap3A_508 = vector.load %arg6[%swap3A_506, %swap3A_507] : memref<8192x32xf32, #tpu.memory_space<vmem>>, vector<128x32xf32>
    tpu.vector_store %arg6[%swap3A_506, %swap3A_507], %transpose3A_505 {strides = array<i32>} : memref<8192x32xf32, #tpu.memory_space<vmem>>, vector<128x32xf32>,
    %get3A_509 = arith.constant 23 : index
    %get3A_510 = arith.constant 0 : index
    %get3A_511 = vector.load %arg1[%get3A_509, %get3A_510] : memref<64x128xf32, #tpu.memory_space<vmem>>, vector<1x128xf32>
    %get3A_512 = arith.constant 23 : index
    %get3A_513 = arith.constant 0 : index
    %get3A_514 = vector.load %arg2[%get3A_512, %get3A_513] : memref<64x128xf32, #tpu.memory_space<vmem>>, vector<1x128xf32>
    %mul3A_515 = vector.broadcast %get3A_511 : vector<1x128xf32> to vector<32x128xf32>
    %mul3A_516 = vector.broadcast %get3A_1 : vector<32x1xf32> to vector<32x128xf32>
    %mul3A_517 = arith.mulf %mul3A_515, %mul3A_516 : vector<32x128xf32>
    %mul3A_518 = vector.broadcast %get3A_514 : vector<1x128xf32> to vector<32x128xf32>
    %mul3A_519 = vector.broadcast %get3A_4 : vector<32x1xf32> to vector<32x128xf32>
    %mul3A_520 = arith.mulf %mul3A_518, %mul3A_519 : vector<32x128xf32>
    %add3A_521 = arith.addf %mul3A_517, %mul3A_520 : vector<32x128xf32>
    %add3A_522 = vector.broadcast %get3A_7 : vector<32x1xf32> to vector<32x128xf32>
    %add3A_523 = arith.addf %add3A_521, %add3A_522 : vector<32x128xf32>
    %max3A_524 = arith.constant 0.000000e+00 : f32
    %max3A_525 = vector.broadcast %max3A_524 : f32 to vector<32x128xf32>
    %max3A_526 = arith.maximumf %add3A_523, %max3A_525 : vector<32x128xf32>
    %transpose3A_527 = tpu.transpose %max3A_526, [1, 0] : vector<32x128xf32> -> vector<128x32xf32>
    %swap3A_528 = arith.constant 2944 : index
    %swap3A_529 = arith.constant 0 : index
    %swap3A_530 = vector.load %arg6[%swap3A_528, %swap3A_529] : memref<8192x32xf32, #tpu.memory_space<vmem>>, vector<128x32xf32>
    tpu.vector_store %arg6[%swap3A_528, %swap3A_529], %transpose3A_527 {strides = array<i32>} : memref<8192x32xf32, #tpu.memory_space<vmem>>, vector<128x32xf32>,
    %get3A_531 = arith.constant 24 : index
    %get3A_532 = arith.constant 0 : index
    %get3A_533 = vector.load %arg1[%get3A_531, %get3A_532] : memref<64x128xf32, #tpu.memory_space<vmem>>, vector<1x128xf32>
    %get3A_534 = arith.constant 24 : index
    %get3A_535 = arith.constant 0 : index
    %get3A_536 = vector.load %arg2[%get3A_534, %get3A_535] : memref<64x128xf32, #tpu.memory_space<vmem>>, vector<1x128xf32>
    %mul3A_537 = vector.broadcast %get3A_533 : vector<1x128xf32> to vector<32x128xf32>
    %mul3A_538 = vector.broadcast %get3A_1 : vector<32x1xf32> to vector<32x128xf32>
    %mul3A_539 = arith.mulf %mul3A_537, %mul3A_538 : vector<32x128xf32>
    %mul3A_540 = vector.broadcast %get3A_536 : vector<1x128xf32> to vector<32x128xf32>
    %mul3A_541 = vector.broadcast %get3A_4 : vector<32x1xf32> to vector<32x128xf32>
    %mul3A_542 = arith.mulf %mul3A_540, %mul3A_541 : vector<32x128xf32>
    %add3A_543 = arith.addf %mul3A_539, %mul3A_542 : vector<32x128xf32>
    %add3A_544 = vector.broadcast %get3A_7 : vector<32x1xf32> to vector<32x128xf32>
    %add3A_545 = arith.addf %add3A_543, %add3A_544 : vector<32x128xf32>
    %max3A_546 = arith.constant 0.000000e+00 : f32
    %max3A_547 = vector.broadcast %max3A_546 : f32 to vector<32x128xf32>
    %max3A_548 = arith.maximumf %add3A_545, %max3A_547 : vector<32x128xf32>
    %transpose3A_549 = tpu.transpose %max3A_548, [1, 0] : vector<32x128xf32> -> vector<128x32xf32>
    %swap3A_550 = arith.constant 3072 : index
    %swap3A_551 = arith.constant 0 : index
    %swap3A_552 = vector.load %arg6[%swap3A_550, %swap3A_551] : memref<8192x32xf32, #tpu.memory_space<vmem>>, vector<128x32xf32>
    tpu.vector_store %arg6[%swap3A_550, %swap3A_551], %transpose3A_549 {strides = array<i32>} : memref<8192x32xf32, #tpu.memory_space<vmem>>, vector<128x32xf32>,
    %get3A_553 = arith.constant 25 : index
    %get3A_554 = arith.constant 0 : index
    %get3A_555 = vector.load %arg1[%get3A_553, %get3A_554] : memref<64x128xf32, #tpu.memory_space<vmem>>, vector<1x128xf32>
    %get3A_556 = arith.constant 25 : index
    %get3A_557 = arith.constant 0 : index
    %get3A_558 = vector.load %arg2[%get3A_556, %get3A_557] : memref<64x128xf32, #tpu.memory_space<vmem>>, vector<1x128xf32>
    %mul3A_559 = vector.broadcast %get3A_555 : vector<1x128xf32> to vector<32x128xf32>
    %mul3A_560 = vector.broadcast %get3A_1 : vector<32x1xf32> to vector<32x128xf32>
    %mul3A_561 = arith.mulf %mul3A_559, %mul3A_560 : vector<32x128xf32>
    %mul3A_562 = vector.broadcast %get3A_558 : vector<1x128xf32> to vector<32x128xf32>
    %mul3A_563 = vector.broadcast %get3A_4 : vector<32x1xf32> to vector<32x128xf32>
    %mul3A_564 = arith.mulf %mul3A_562, %mul3A_563 : vector<32x128xf32>
    %add3A_565 = arith.addf %mul3A_561, %mul3A_564 : vector<32x128xf32>
    %add3A_566 = vector.broadcast %get3A_7 : vector<32x1xf32> to vector<32x128xf32>
    %add3A_567 = arith.addf %add3A_565, %add3A_566 : vector<32x128xf32>
    %max3A_568 = arith.constant 0.000000e+00 : f32
    %max3A_569 = vector.broadcast %max3A_568 : f32 to vector<32x128xf32>
    %max3A_570 = arith.maximumf %add3A_567, %max3A_569 : vector<32x128xf32>
    %transpose3A_571 = tpu.transpose %max3A_570, [1, 0] : vector<32x128xf32> -> vector<128x32xf32>
    %swap3A_572 = arith.constant 3200 : index
    %swap3A_573 = arith.constant 0 : index
    %swap3A_574 = vector.load %arg6[%swap3A_572, %swap3A_573] : memref<8192x32xf32, #tpu.memory_space<vmem>>, vector<128x32xf32>
    tpu.vector_store %arg6[%swap3A_572, %swap3A_573], %transpose3A_571 {strides = array<i32>} : memref<8192x32xf32, #tpu.memory_space<vmem>>, vector<128x32xf32>,
    %get3A_575 = arith.constant 26 : index
    %get3A_576 = arith.constant 0 : index
    %get3A_577 = vector.load %arg1[%get3A_575, %get3A_576] : memref<64x128xf32, #tpu.memory_space<vmem>>, vector<1x128xf32>
    %get3A_578 = arith.constant 26 : index
    %get3A_579 = arith.constant 0 : index
    %get3A_580 = vector.load %arg2[%get3A_578, %get3A_579] : memref<64x128xf32, #tpu.memory_space<vmem>>, vector<1x128xf32>
    %mul3A_581 = vector.broadcast %get3A_577 : vector<1x128xf32> to vector<32x128xf32>
    %mul3A_582 = vector.broadcast %get3A_1 : vector<32x1xf32> to vector<32x128xf32>
    %mul3A_583 = arith.mulf %mul3A_581, %mul3A_582 : vector<32x128xf32>
    %mul3A_584 = vector.broadcast %get3A_580 : vector<1x128xf32> to vector<32x128xf32>
    %mul3A_585 = vector.broadcast %get3A_4 : vector<32x1xf32> to vector<32x128xf32>
    %mul3A_586 = arith.mulf %mul3A_584, %mul3A_585 : vector<32x128xf32>
    %add3A_587 = arith.addf %mul3A_583, %mul3A_586 : vector<32x128xf32>
    %add3A_588 = vector.broadcast %get3A_7 : vector<32x1xf32> to vector<32x128xf32>
    %add3A_589 = arith.addf %add3A_587, %add3A_588 : vector<32x128xf32>
    %max3A_590 = arith.constant 0.000000e+00 : f32
    %max3A_591 = vector.broadcast %max3A_590 : f32 to vector<32x128xf32>
    %max3A_592 = arith.maximumf %add3A_589, %max3A_591 : vector<32x128xf32>
    %transpose3A_593 = tpu.transpose %max3A_592, [1, 0] : vector<32x128xf32> -> vector<128x32xf32>
    %swap3A_594 = arith.constant 3328 : index
    %swap3A_595 = arith.constant 0 : index
    %swap3A_596 = vector.load %arg6[%swap3A_594, %swap3A_595] : memref<8192x32xf32, #tpu.memory_space<vmem>>, vector<128x32xf32>
    tpu.vector_store %arg6[%swap3A_594, %swap3A_595], %transpose3A_593 {strides = array<i32>} : memref<8192x32xf32, #tpu.memory_space<vmem>>, vector<128x32xf32>,
    %get3A_597 = arith.constant 27 : index
    %get3A_598 = arith.constant 0 : index
    %get3A_599 = vector.load %arg1[%get3A_597, %get3A_598] : memref<64x128xf32, #tpu.memory_space<vmem>>, vector<1x128xf32>
    %get3A_600 = arith.constant 27 : index
    %get3A_601 = arith.constant 0 : index
    %get3A_602 = vector.load %arg2[%get3A_600, %get3A_601] : memref<64x128xf32, #tpu.memory_space<vmem>>, vector<1x128xf32>
    %mul3A_603 = vector.broadcast %get3A_599 : vector<1x128xf32> to vector<32x128xf32>
    %mul3A_604 = vector.broadcast %get3A_1 : vector<32x1xf32> to vector<32x128xf32>
    %mul3A_605 = arith.mulf %mul3A_603, %mul3A_604 : vector<32x128xf32>
    %mul3A_606 = vector.broadcast %get3A_602 : vector<1x128xf32> to vector<32x128xf32>
    %mul3A_607 = vector.broadcast %get3A_4 : vector<32x1xf32> to vector<32x128xf32>
    %mul3A_608 = arith.mulf %mul3A_606, %mul3A_607 : vector<32x128xf32>
    %add3A_609 = arith.addf %mul3A_605, %mul3A_608 : vector<32x128xf32>
    %add3A_610 = vector.broadcast %get3A_7 : vector<32x1xf32> to vector<32x128xf32>
    %add3A_611 = arith.addf %add3A_609, %add3A_610 : vector<32x128xf32>
    %max3A_612 = arith.constant 0.000000e+00 : f32
    %max3A_613 = vector.broadcast %max3A_612 : f32 to vector<32x128xf32>
    %max3A_614 = arith.maximumf %add3A_611, %max3A_613 : vector<32x128xf32>
    %transpose3A_615 = tpu.transpose %max3A_614, [1, 0] : vector<32x128xf32> -> vector<128x32xf32>
    %swap3A_616 = arith.constant 3456 : index
    %swap3A_617 = arith.constant 0 : index
    %swap3A_618 = vector.load %arg6[%swap3A_616, %swap3A_617] : memref<8192x32xf32, #tpu.memory_space<vmem>>, vector<128x32xf32>
    tpu.vector_store %arg6[%swap3A_616, %swap3A_617], %transpose3A_615 {strides = array<i32>} : memref<8192x32xf32, #tpu.memory_space<vmem>>, vector<128x32xf32>,
    %get3A_619 = arith.constant 28 : index
    %get3A_620 = arith.constant 0 : index
    %get3A_621 = vector.load %arg1[%get3A_619, %get3A_620] : memref<64x128xf32, #tpu.memory_space<vmem>>, vector<1x128xf32>
    %get3A_622 = arith.constant 28 : index
    %get3A_623 = arith.constant 0 : index
    %get3A_624 = vector.load %arg2[%get3A_622, %get3A_623] : memref<64x128xf32, #tpu.memory_space<vmem>>, vector<1x128xf32>
    %mul3A_625 = vector.broadcast %get3A_621 : vector<1x128xf32> to vector<32x128xf32>
    %mul3A_626 = vector.broadcast %get3A_1 : vector<32x1xf32> to vector<32x128xf32>
    %mul3A_627 = arith.mulf %mul3A_625, %mul3A_626 : vector<32x128xf32>
    %mul3A_628 = vector.broadcast %get3A_624 : vector<1x128xf32> to vector<32x128xf32>
    %mul3A_629 = vector.broadcast %get3A_4 : vector<32x1xf32> to vector<32x128xf32>
    %mul3A_630 = arith.mulf %mul3A_628, %mul3A_629 : vector<32x128xf32>
    %add3A_631 = arith.addf %mul3A_627, %mul3A_630 : vector<32x128xf32>
    %add3A_632 = vector.broadcast %get3A_7 : vector<32x1xf32> to vector<32x128xf32>
    %add3A_633 = arith.addf %add3A_631, %add3A_632 : vector<32x128xf32>
    %max3A_634 = arith.constant 0.000000e+00 : f32
    %max3A_635 = vector.broadcast %max3A_634 : f32 to vector<32x128xf32>
    %max3A_636 = arith.maximumf %add3A_633, %max3A_635 : vector<32x128xf32>
    %transpose3A_637 = tpu.transpose %max3A_636, [1, 0] : vector<32x128xf32> -> vector<128x32xf32>
    %swap3A_638 = arith.constant 3584 : index
    %swap3A_639 = arith.constant 0 : index
    %swap3A_640 = vector.load %arg6[%swap3A_638, %swap3A_639] : memref<8192x32xf32, #tpu.memory_space<vmem>>, vector<128x32xf32>
    tpu.vector_store %arg6[%swap3A_638, %swap3A_639], %transpose3A_637 {strides = array<i32>} : memref<8192x32xf32, #tpu.memory_space<vmem>>, vector<128x32xf32>,
    %get3A_641 = arith.constant 29 : index
    %get3A_642 = arith.constant 0 : index
    %get3A_643 = vector.load %arg1[%get3A_641, %get3A_642] : memref<64x128xf32, #tpu.memory_space<vmem>>, vector<1x128xf32>
    %get3A_644 = arith.constant 29 : index
    %get3A_645 = arith.constant 0 : index
    %get3A_646 = vector.load %arg2[%get3A_644, %get3A_645] : memref<64x128xf32, #tpu.memory_space<vmem>>, vector<1x128xf32>
    %mul3A_647 = vector.broadcast %get3A_643 : vector<1x128xf32> to vector<32x128xf32>
    %mul3A_648 = vector.broadcast %get3A_1 : vector<32x1xf32> to vector<32x128xf32>
    %mul3A_649 = arith.mulf %mul3A_647, %mul3A_648 : vector<32x128xf32>
    %mul3A_650 = vector.broadcast %get3A_646 : vector<1x128xf32> to vector<32x128xf32>
    %mul3A_651 = vector.broadcast %get3A_4 : vector<32x1xf32> to vector<32x128xf32>
    %mul3A_652 = arith.mulf %mul3A_650, %mul3A_651 : vector<32x128xf32>
    %add3A_653 = arith.addf %mul3A_649, %mul3A_652 : vector<32x128xf32>
    %add3A_654 = vector.broadcast %get3A_7 : vector<32x1xf32> to vector<32x128xf32>
    %add3A_655 = arith.addf %add3A_653, %add3A_654 : vector<32x128xf32>
    %max3A_656 = arith.constant 0.000000e+00 : f32
    %max3A_657 = vector.broadcast %max3A_656 : f32 to vector<32x128xf32>
    %max3A_658 = arith.maximumf %add3A_655, %max3A_657 : vector<32x128xf32>
    %transpose3A_659 = tpu.transpose %max3A_658, [1, 0] : vector<32x128xf32> -> vector<128x32xf32>
    %swap3A_660 = arith.constant 3712 : index
    %swap3A_661 = arith.constant 0 : index
    %swap3A_662 = vector.load %arg6[%swap3A_660, %swap3A_661] : memref<8192x32xf32, #tpu.memory_space<vmem>>, vector<128x32xf32>
    tpu.vector_store %arg6[%swap3A_660, %swap3A_661], %transpose3A_659 {strides = array<i32>} : memref<8192x32xf32, #tpu.memory_space<vmem>>, vector<128x32xf32>,
    %get3A_663 = arith.constant 30 : index
    %get3A_664 = arith.constant 0 : index
    %get3A_665 = vector.load %arg1[%get3A_663, %get3A_664] : memref<64x128xf32, #tpu.memory_space<vmem>>, vector<1x128xf32>
    %get3A_666 = arith.constant 30 : index
    %get3A_667 = arith.constant 0 : index
    %get3A_668 = vector.load %arg2[%get3A_666, %get3A_667] : memref<64x128xf32, #tpu.memory_space<vmem>>, vector<1x128xf32>
    %mul3A_669 = vector.broadcast %get3A_665 : vector<1x128xf32> to vector<32x128xf32>
    %mul3A_670 = vector.broadcast %get3A_1 : vector<32x1xf32> to vector<32x128xf32>
    %mul3A_671 = arith.mulf %mul3A_669, %mul3A_670 : vector<32x128xf32>
    %mul3A_672 = vector.broadcast %get3A_668 : vector<1x128xf32> to vector<32x128xf32>
    %mul3A_673 = vector.broadcast %get3A_4 : vector<32x1xf32> to vector<32x128xf32>
    %mul3A_674 = arith.mulf %mul3A_672, %mul3A_673 : vector<32x128xf32>
    %add3A_675 = arith.addf %mul3A_671, %mul3A_674 : vector<32x128xf32>
    %add3A_676 = vector.broadcast %get3A_7 : vector<32x1xf32> to vector<32x128xf32>
    %add3A_677 = arith.addf %add3A_675, %add3A_676 : vector<32x128xf32>
    %max3A_678 = arith.constant 0.000000e+00 : f32
    %max3A_679 = vector.broadcast %max3A_678 : f32 to vector<32x128xf32>
    %max3A_680 = arith.maximumf %add3A_677, %max3A_679 : vector<32x128xf32>
    %transpose3A_681 = tpu.transpose %max3A_680, [1, 0] : vector<32x128xf32> -> vector<128x32xf32>
    %swap3A_682 = arith.constant 3840 : index
    %swap3A_683 = arith.constant 0 : index
    %swap3A_684 = vector.load %arg6[%swap3A_682, %swap3A_683] : memref<8192x32xf32, #tpu.memory_space<vmem>>, vector<128x32xf32>
    tpu.vector_store %arg6[%swap3A_682, %swap3A_683], %transpose3A_681 {strides = array<i32>} : memref<8192x32xf32, #tpu.memory_space<vmem>>, vector<128x32xf32>,
    %get3A_685 = arith.constant 31 : index
    %get3A_686 = arith.constant 0 : index
    %get3A_687 = vector.load %arg1[%get3A_685, %get3A_686] : memref<64x128xf32, #tpu.memory_space<vmem>>, vector<1x128xf32>
    %get3A_688 = arith.constant 31 : index
    %get3A_689 = arith.constant 0 : index
    %get3A_690 = vector.load %arg2[%get3A_688, %get3A_689] : memref<64x128xf32, #tpu.memory_space<vmem>>, vector<1x128xf32>
    %mul3A_691 = vector.broadcast %get3A_687 : vector<1x128xf32> to vector<32x128xf32>
    %mul3A_692 = vector.broadcast %get3A_1 : vector<32x1xf32> to vector<32x128xf32>
    %mul3A_693 = arith.mulf %mul3A_691, %mul3A_692 : vector<32x128xf32>
    %mul3A_694 = vector.broadcast %get3A_690 : vector<1x128xf32> to vector<32x128xf32>
    %mul3A_695 = vector.broadcast %get3A_4 : vector<32x1xf32> to vector<32x128xf32>
    %mul3A_696 = arith.mulf %mul3A_694, %mul3A_695 : vector<32x128xf32>
    %add3A_697 = arith.addf %mul3A_693, %mul3A_696 : vector<32x128xf32>
    %add3A_698 = vector.broadcast %get3A_7 : vector<32x1xf32> to vector<32x128xf32>
    %add3A_699 = arith.addf %add3A_697, %add3A_698 : vector<32x128xf32>
    %max3A_700 = arith.constant 0.000000e+00 : f32
    %max3A_701 = vector.broadcast %max3A_700 : f32 to vector<32x128xf32>
    %max3A_702 = arith.maximumf %add3A_699, %max3A_701 : vector<32x128xf32>
    %transpose3A_703 = tpu.transpose %max3A_702, [1, 0] : vector<32x128xf32> -> vector<128x32xf32>
    %swap3A_704 = arith.constant 3968 : index
    %swap3A_705 = arith.constant 0 : index
    %swap3A_706 = vector.load %arg6[%swap3A_704, %swap3A_705] : memref<8192x32xf32, #tpu.memory_space<vmem>>, vector<128x32xf32>
    tpu.vector_store %arg6[%swap3A_704, %swap3A_705], %transpose3A_703 {strides = array<i32>} : memref<8192x32xf32, #tpu.memory_space<vmem>>, vector<128x32xf32>,
    %get3A_707 = arith.constant 32 : index
    %get3A_708 = arith.constant 0 : index
    %get3A_709 = vector.load %arg1[%get3A_707, %get3A_708] : memref<64x128xf32, #tpu.memory_space<vmem>>, vector<1x128xf32>
    %get3A_710 = arith.constant 32 : index
    %get3A_711 = arith.constant 0 : index
    %get3A_712 = vector.load %arg2[%get3A_710, %get3A_711] : memref<64x128xf32, #tpu.memory_space<vmem>>, vector<1x128xf32>
    %mul3A_713 = vector.broadcast %get3A_709 : vector<1x128xf32> to vector<32x128xf32>
    %mul3A_714 = vector.broadcast %get3A_1 : vector<32x1xf32> to vector<32x128xf32>
    %mul3A_715 = arith.mulf %mul3A_713, %mul3A_714 : vector<32x128xf32>
    %mul3A_716 = vector.broadcast %get3A_712 : vector<1x128xf32> to vector<32x128xf32>
    %mul3A_717 = vector.broadcast %get3A_4 : vector<32x1xf32> to vector<32x128xf32>
    %mul3A_718 = arith.mulf %mul3A_716, %mul3A_717 : vector<32x128xf32>
    %add3A_719 = arith.addf %mul3A_715, %mul3A_718 : vector<32x128xf32>
    %add3A_720 = vector.broadcast %get3A_7 : vector<32x1xf32> to vector<32x128xf32>
    %add3A_721 = arith.addf %add3A_719, %add3A_720 : vector<32x128xf32>
    %max3A_722 = arith.constant 0.000000e+00 : f32
    %max3A_723 = vector.broadcast %max3A_722 : f32 to vector<32x128xf32>
    %max3A_724 = arith.maximumf %add3A_721, %max3A_723 : vector<32x128xf32>
    %transpose3A_725 = tpu.transpose %max3A_724, [1, 0] : vector<32x128xf32> -> vector<128x32xf32>
    %swap3A_726 = arith.constant 4096 : index
    %swap3A_727 = arith.constant 0 : index
    %swap3A_728 = vector.load %arg6[%swap3A_726, %swap3A_727] : memref<8192x32xf32, #tpu.memory_space<vmem>>, vector<128x32xf32>
    tpu.vector_store %arg6[%swap3A_726, %swap3A_727], %transpose3A_725 {strides = array<i32>} : memref<8192x32xf32, #tpu.memory_space<vmem>>, vector<128x32xf32>,
    %get3A_729 = arith.constant 33 : index
    %get3A_730 = arith.constant 0 : index
    %get3A_731 = vector.load %arg1[%get3A_729, %get3A_730] : memref<64x128xf32, #tpu.memory_space<vmem>>, vector<1x128xf32>
    %get3A_732 = arith.constant 33 : index
    %get3A_733 = arith.constant 0 : index
    %get3A_734 = vector.load %arg2[%get3A_732, %get3A_733] : memref<64x128xf32, #tpu.memory_space<vmem>>, vector<1x128xf32>
    %mul3A_735 = vector.broadcast %get3A_731 : vector<1x128xf32> to vector<32x128xf32>
    %mul3A_736 = vector.broadcast %get3A_1 : vector<32x1xf32> to vector<32x128xf32>
    %mul3A_737 = arith.mulf %mul3A_735, %mul3A_736 : vector<32x128xf32>
    %mul3A_738 = vector.broadcast %get3A_734 : vector<1x128xf32> to vector<32x128xf32>
    %mul3A_739 = vector.broadcast %get3A_4 : vector<32x1xf32> to vector<32x128xf32>
    %mul3A_740 = arith.mulf %mul3A_738, %mul3A_739 : vector<32x128xf32>
    %add3A_741 = arith.addf %mul3A_737, %mul3A_740 : vector<32x128xf32>
    %add3A_742 = vector.broadcast %get3A_7 : vector<32x1xf32> to vector<32x128xf32>
    %add3A_743 = arith.addf %add3A_741, %add3A_742 : vector<32x128xf32>
    %max3A_744 = arith.constant 0.000000e+00 : f32
    %max3A_745 = vector.broadcast %max3A_744 : f32 to vector<32x128xf32>
    %max3A_746 = arith.maximumf %add3A_743, %max3A_745 : vector<32x128xf32>
    %transpose3A_747 = tpu.transpose %max3A_746, [1, 0] : vector<32x128xf32> -> vector<128x32xf32>
    %swap3A_748 = arith.constant 4224 : index
    %swap3A_749 = arith.constant 0 : index
    %swap3A_750 = vector.load %arg6[%swap3A_748, %swap3A_749] : memref<8192x32xf32, #tpu.memory_space<vmem>>, vector<128x32xf32>
    tpu.vector_store %arg6[%swap3A_748, %swap3A_749], %transpose3A_747 {strides = array<i32>} : memref<8192x32xf32, #tpu.memory_space<vmem>>, vector<128x32xf32>,
    %get3A_751 = arith.constant 34 : index
    %get3A_752 = arith.constant 0 : index
    %get3A_753 = vector.load %arg1[%get3A_751, %get3A_752] : memref<64x128xf32, #tpu.memory_space<vmem>>, vector<1x128xf32>
    %get3A_754 = arith.constant 34 : index
    %get3A_755 = arith.constant 0 : index
    %get3A_756 = vector.load %arg2[%get3A_754, %get3A_755] : memref<64x128xf32, #tpu.memory_space<vmem>>, vector<1x128xf32>
    %mul3A_757 = vector.broadcast %get3A_753 : vector<1x128xf32> to vector<32x128xf32>
    %mul3A_758 = vector.broadcast %get3A_1 : vector<32x1xf32> to vector<32x128xf32>
    %mul3A_759 = arith.mulf %mul3A_757, %mul3A_758 : vector<32x128xf32>
    %mul3A_760 = vector.broadcast %get3A_756 : vector<1x128xf32> to vector<32x128xf32>
    %mul3A_761 = vector.broadcast %get3A_4 : vector<32x1xf32> to vector<32x128xf32>
    %mul3A_762 = arith.mulf %mul3A_760, %mul3A_761 : vector<32x128xf32>
    %add3A_763 = arith.addf %mul3A_759, %mul3A_762 : vector<32x128xf32>
    %add3A_764 = vector.broadcast %get3A_7 : vector<32x1xf32> to vector<32x128xf32>
    %add3A_765 = arith.addf %add3A_763, %add3A_764 : vector<32x128xf32>
    %max3A_766 = arith.constant 0.000000e+00 : f32
    %max3A_767 = vector.broadcast %max3A_766 : f32 to vector<32x128xf32>
    %max3A_768 = arith.maximumf %add3A_765, %max3A_767 : vector<32x128xf32>
    %transpose3A_769 = tpu.transpose %max3A_768, [1, 0] : vector<32x128xf32> -> vector<128x32xf32>
    %swap3A_770 = arith.constant 4352 : index
    %swap3A_771 = arith.constant 0 : index
    %swap3A_772 = vector.load %arg6[%swap3A_770, %swap3A_771] : memref<8192x32xf32, #tpu.memory_space<vmem>>, vector<128x32xf32>
    tpu.vector_store %arg6[%swap3A_770, %swap3A_771], %transpose3A_769 {strides = array<i32>} : memref<8192x32xf32, #tpu.memory_space<vmem>>, vector<128x32xf32>,
    %get3A_773 = arith.constant 35 : index
    %get3A_774 = arith.constant 0 : index
    %get3A_775 = vector.load %arg1[%get3A_773, %get3A_774] : memref<64x128xf32, #tpu.memory_space<vmem>>, vector<1x128xf32>
    %get3A_776 = arith.constant 35 : index
    %get3A_777 = arith.constant 0 : index
    %get3A_778 = vector.load %arg2[%get3A_776, %get3A_777] : memref<64x128xf32, #tpu.memory_space<vmem>>, vector<1x128xf32>
    %mul3A_779 = vector.broadcast %get3A_775 : vector<1x128xf32> to vector<32x128xf32>
    %mul3A_780 = vector.broadcast %get3A_1 : vector<32x1xf32> to vector<32x128xf32>
    %mul3A_781 = arith.mulf %mul3A_779, %mul3A_780 : vector<32x128xf32>
    %mul3A_782 = vector.broadcast %get3A_778 : vector<1x128xf32> to vector<32x128xf32>
    %mul3A_783 = vector.broadcast %get3A_4 : vector<32x1xf32> to vector<32x128xf32>
    %mul3A_784 = arith.mulf %mul3A_782, %mul3A_783 : vector<32x128xf32>
    %add3A_785 = arith.addf %mul3A_781, %mul3A_784 : vector<32x128xf32>
    %add3A_786 = vector.broadcast %get3A_7 : vector<32x1xf32> to vector<32x128xf32>
    %add3A_787 = arith.addf %add3A_785, %add3A_786 : vector<32x128xf32>
    %max3A_788 = arith.constant 0.000000e+00 : f32
    %max3A_789 = vector.broadcast %max3A_788 : f32 to vector<32x128xf32>
    %max3A_790 = arith.maximumf %add3A_787, %max3A_789 : vector<32x128xf32>
    %transpose3A_791 = tpu.transpose %max3A_790, [1, 0] : vector<32x128xf32> -> vector<128x32xf32>
    %swap3A_792 = arith.constant 4480 : index
    %swap3A_793 = arith.constant 0 : index
    %swap3A_794 = vector.load %arg6[%swap3A_792, %swap3A_793] : memref<8192x32xf32, #tpu.memory_space<vmem>>, vector<128x32xf32>
    tpu.vector_store %arg6[%swap3A_792, %swap3A_793], %transpose3A_791 {strides = array<i32>} : memref<8192x32xf32, #tpu.memory_space<vmem>>, vector<128x32xf32>,
    %get3A_795 = arith.constant 36 : index
    %get3A_796 = arith.constant 0 : index
    %get3A_797 = vector.load %arg1[%get3A_795, %get3A_796] : memref<64x128xf32, #tpu.memory_space<vmem>>, vector<1x128xf32>
    %get3A_798 = arith.constant 36 : index
    %get3A_799 = arith.constant 0 : index
    %get3A_800 = vector.load %arg2[%get3A_798, %get3A_799] : memref<64x128xf32, #tpu.memory_space<vmem>>, vector<1x128xf32>
    %mul3A_801 = vector.broadcast %get3A_797 : vector<1x128xf32> to vector<32x128xf32>
    %mul3A_802 = vector.broadcast %get3A_1 : vector<32x1xf32> to vector<32x128xf32>
    %mul3A_803 = arith.mulf %mul3A_801, %mul3A_802 : vector<32x128xf32>
    %mul3A_804 = vector.broadcast %get3A_800 : vector<1x128xf32> to vector<32x128xf32>
    %mul3A_805 = vector.broadcast %get3A_4 : vector<32x1xf32> to vector<32x128xf32>
    %mul3A_806 = arith.mulf %mul3A_804, %mul3A_805 : vector<32x128xf32>
    %add3A_807 = arith.addf %mul3A_803, %mul3A_806 : vector<32x128xf32>
    %add3A_808 = vector.broadcast %get3A_7 : vector<32x1xf32> to vector<32x128xf32>
    %add3A_809 = arith.addf %add3A_807, %add3A_808 : vector<32x128xf32>
    %max3A_810 = arith.constant 0.000000e+00 : f32
    %max3A_811 = vector.broadcast %max3A_810 : f32 to vector<32x128xf32>
    %max3A_812 = arith.maximumf %add3A_809, %max3A_811 : vector<32x128xf32>
    %transpose3A_813 = tpu.transpose %max3A_812, [1, 0] : vector<32x128xf32> -> vector<128x32xf32>
    %swap3A_814 = arith.constant 4608 : index
    %swap3A_815 = arith.constant 0 : index
    %swap3A_816 = vector.load %arg6[%swap3A_814, %swap3A_815] : memref<8192x32xf32, #tpu.memory_space<vmem>>, vector<128x32xf32>
    tpu.vector_store %arg6[%swap3A_814, %swap3A_815], %transpose3A_813 {strides = array<i32>} : memref<8192x32xf32, #tpu.memory_space<vmem>>, vector<128x32xf32>,
    %get3A_817 = arith.constant 37 : index
    %get3A_818 = arith.constant 0 : index
    %get3A_819 = vector.load %arg1[%get3A_817, %get3A_818] : memref<64x128xf32, #tpu.memory_space<vmem>>, vector<1x128xf32>
    %get3A_820 = arith.constant 37 : index
    %get3A_821 = arith.constant 0 : index
    %get3A_822 = vector.load %arg2[%get3A_820, %get3A_821] : memref<64x128xf32, #tpu.memory_space<vmem>>, vector<1x128xf32>
    %mul3A_823 = vector.broadcast %get3A_819 : vector<1x128xf32> to vector<32x128xf32>
    %mul3A_824 = vector.broadcast %get3A_1 : vector<32x1xf32> to vector<32x128xf32>
    %mul3A_825 = arith.mulf %mul3A_823, %mul3A_824 : vector<32x128xf32>
    %mul3A_826 = vector.broadcast %get3A_822 : vector<1x128xf32> to vector<32x128xf32>
    %mul3A_827 = vector.broadcast %get3A_4 : vector<32x1xf32> to vector<32x128xf32>
    %mul3A_828 = arith.mulf %mul3A_826, %mul3A_827 : vector<32x128xf32>
    %add3A_829 = arith.addf %mul3A_825, %mul3A_828 : vector<32x128xf32>
    %add3A_830 = vector.broadcast %get3A_7 : vector<32x1xf32> to vector<32x128xf32>
    %add3A_831 = arith.addf %add3A_829, %add3A_830 : vector<32x128xf32>
    %max3A_832 = arith.constant 0.000000e+00 : f32
    %max3A_833 = vector.broadcast %max3A_832 : f32 to vector<32x128xf32>
    %max3A_834 = arith.maximumf %add3A_831, %max3A_833 : vector<32x128xf32>
    %transpose3A_835 = tpu.transpose %max3A_834, [1, 0] : vector<32x128xf32> -> vector<128x32xf32>
    %swap3A_836 = arith.constant 4736 : index
    %swap3A_837 = arith.constant 0 : index
    %swap3A_838 = vector.load %arg6[%swap3A_836, %swap3A_837] : memref<8192x32xf32, #tpu.memory_space<vmem>>, vector<128x32xf32>
    tpu.vector_store %arg6[%swap3A_836, %swap3A_837], %transpose3A_835 {strides = array<i32>} : memref<8192x32xf32, #tpu.memory_space<vmem>>, vector<128x32xf32>,
    %get3A_839 = arith.constant 38 : index
    %get3A_840 = arith.constant 0 : index
    %get3A_841 = vector.load %arg1[%get3A_839, %get3A_840] : memref<64x128xf32, #tpu.memory_space<vmem>>, vector<1x128xf32>
    %get3A_842 = arith.constant 38 : index
    %get3A_843 = arith.constant 0 : index
    %get3A_844 = vector.load %arg2[%get3A_842, %get3A_843] : memref<64x128xf32, #tpu.memory_space<vmem>>, vector<1x128xf32>
    %mul3A_845 = vector.broadcast %get3A_841 : vector<1x128xf32> to vector<32x128xf32>
    %mul3A_846 = vector.broadcast %get3A_1 : vector<32x1xf32> to vector<32x128xf32>
    %mul3A_847 = arith.mulf %mul3A_845, %mul3A_846 : vector<32x128xf32>
    %mul3A_848 = vector.broadcast %get3A_844 : vector<1x128xf32> to vector<32x128xf32>
    %mul3A_849 = vector.broadcast %get3A_4 : vector<32x1xf32> to vector<32x128xf32>
    %mul3A_850 = arith.mulf %mul3A_848, %mul3A_849 : vector<32x128xf32>
    %add3A_851 = arith.addf %mul3A_847, %mul3A_850 : vector<32x128xf32>
    %add3A_852 = vector.broadcast %get3A_7 : vector<32x1xf32> to vector<32x128xf32>
    %add3A_853 = arith.addf %add3A_851, %add3A_852 : vector<32x128xf32>
    %max3A_854 = arith.constant 0.000000e+00 : f32
    %max3A_855 = vector.broadcast %max3A_854 : f32 to vector<32x128xf32>
    %max3A_856 = arith.maximumf %add3A_853, %max3A_855 : vector<32x128xf32>
    %transpose3A_857 = tpu.transpose %max3A_856, [1, 0] : vector<32x128xf32> -> vector<128x32xf32>
    %swap3A_858 = arith.constant 4864 : index
    %swap3A_859 = arith.constant 0 : index
    %swap3A_860 = vector.load %arg6[%swap3A_858, %swap3A_859] : memref<8192x32xf32, #tpu.memory_space<vmem>>, vector<128x32xf32>
    tpu.vector_store %arg6[%swap3A_858, %swap3A_859], %transpose3A_857 {strides = array<i32>} : memref<8192x32xf32, #tpu.memory_space<vmem>>, vector<128x32xf32>,
    %get3A_861 = arith.constant 39 : index
    %get3A_862 = arith.constant 0 : index
    %get3A_863 = vector.load %arg1[%get3A_861, %get3A_862] : memref<64x128xf32, #tpu.memory_space<vmem>>, vector<1x128xf32>
    %get3A_864 = arith.constant 39 : index
    %get3A_865 = arith.constant 0 : index
    %get3A_866 = vector.load %arg2[%get3A_864, %get3A_865] : memref<64x128xf32, #tpu.memory_space<vmem>>, vector<1x128xf32>
    %mul3A_867 = vector.broadcast %get3A_863 : vector<1x128xf32> to vector<32x128xf32>
    %mul3A_868 = vector.broadcast %get3A_1 : vector<32x1xf32> to vector<32x128xf32>
    %mul3A_869 = arith.mulf %mul3A_867, %mul3A_868 : vector<32x128xf32>
    %mul3A_870 = vector.broadcast %get3A_866 : vector<1x128xf32> to vector<32x128xf32>
    %mul3A_871 = vector.broadcast %get3A_4 : vector<32x1xf32> to vector<32x128xf32>
    %mul3A_872 = arith.mulf %mul3A_870, %mul3A_871 : vector<32x128xf32>
    %add3A_873 = arith.addf %mul3A_869, %mul3A_872 : vector<32x128xf32>
    %add3A_874 = vector.broadcast %get3A_7 : vector<32x1xf32> to vector<32x128xf32>
    %add3A_875 = arith.addf %add3A_873, %add3A_874 : vector<32x128xf32>
    %max3A_876 = arith.constant 0.000000e+00 : f32
    %max3A_877 = vector.broadcast %max3A_876 : f32 to vector<32x128xf32>
    %max3A_878 = arith.maximumf %add3A_875, %max3A_877 : vector<32x128xf32>
    %transpose3A_879 = tpu.transpose %max3A_878, [1, 0] : vector<32x128xf32> -> vector<128x32xf32>
    %swap3A_880 = arith.constant 4992 : index
    %swap3A_881 = arith.constant 0 : index
    %swap3A_882 = vector.load %arg6[%swap3A_880, %swap3A_881] : memref<8192x32xf32, #tpu.memory_space<vmem>>, vector<128x32xf32>
    tpu.vector_store %arg6[%swap3A_880, %swap3A_881], %transpose3A_879 {strides = array<i32>} : memref<8192x32xf32, #tpu.memory_space<vmem>>, vector<128x32xf32>,
    %get3A_883 = arith.constant 40 : index
    %get3A_884 = arith.constant 0 : index
    %get3A_885 = vector.load %arg1[%get3A_883, %get3A_884] : memref<64x128xf32, #tpu.memory_space<vmem>>, vector<1x128xf32>
    %get3A_886 = arith.constant 40 : index
    %get3A_887 = arith.constant 0 : index
    %get3A_888 = vector.load %arg2[%get3A_886, %get3A_887] : memref<64x128xf32, #tpu.memory_space<vmem>>, vector<1x128xf32>
    %mul3A_889 = vector.broadcast %get3A_885 : vector<1x128xf32> to vector<32x128xf32>
    %mul3A_890 = vector.broadcast %get3A_1 : vector<32x1xf32> to vector<32x128xf32>
    %mul3A_891 = arith.mulf %mul3A_889, %mul3A_890 : vector<32x128xf32>
    %mul3A_892 = vector.broadcast %get3A_888 : vector<1x128xf32> to vector<32x128xf32>
    %mul3A_893 = vector.broadcast %get3A_4 : vector<32x1xf32> to vector<32x128xf32>
    %mul3A_894 = arith.mulf %mul3A_892, %mul3A_893 : vector<32x128xf32>
    %add3A_895 = arith.addf %mul3A_891, %mul3A_894 : vector<32x128xf32>
    %add3A_896 = vector.broadcast %get3A_7 : vector<32x1xf32> to vector<32x128xf32>
    %add3A_897 = arith.addf %add3A_895, %add3A_896 : vector<32x128xf32>
    %max3A_898 = arith.constant 0.000000e+00 : f32
    %max3A_899 = vector.broadcast %max3A_898 : f32 to vector<32x128xf32>
    %max3A_900 = arith.maximumf %add3A_897, %max3A_899 : vector<32x128xf32>
    %transpose3A_901 = tpu.transpose %max3A_900, [1, 0] : vector<32x128xf32> -> vector<128x32xf32>
    %swap3A_902 = arith.constant 5120 : index
    %swap3A_903 = arith.constant 0 : index
    %swap3A_904 = vector.load %arg6[%swap3A_902, %swap3A_903] : memref<8192x32xf32, #tpu.memory_space<vmem>>, vector<128x32xf32>
    tpu.vector_store %arg6[%swap3A_902, %swap3A_903], %transpose3A_901 {strides = array<i32>} : memref<8192x32xf32, #tpu.memory_space<vmem>>, vector<128x32xf32>,
    %get3A_905 = arith.constant 41 : index
    %get3A_906 = arith.constant 0 : index
    %get3A_907 = vector.load %arg1[%get3A_905, %get3A_906] : memref<64x128xf32, #tpu.memory_space<vmem>>, vector<1x128xf32>
    %get3A_908 = arith.constant 41 : index
    %get3A_909 = arith.constant 0 : index
    %get3A_910 = vector.load %arg2[%get3A_908, %get3A_909] : memref<64x128xf32, #tpu.memory_space<vmem>>, vector<1x128xf32>
    %mul3A_911 = vector.broadcast %get3A_907 : vector<1x128xf32> to vector<32x128xf32>
    %mul3A_912 = vector.broadcast %get3A_1 : vector<32x1xf32> to vector<32x128xf32>
    %mul3A_913 = arith.mulf %mul3A_911, %mul3A_912 : vector<32x128xf32>
    %mul3A_914 = vector.broadcast %get3A_910 : vector<1x128xf32> to vector<32x128xf32>
    %mul3A_915 = vector.broadcast %get3A_4 : vector<32x1xf32> to vector<32x128xf32>
    %mul3A_916 = arith.mulf %mul3A_914, %mul3A_915 : vector<32x128xf32>
    %add3A_917 = arith.addf %mul3A_913, %mul3A_916 : vector<32x128xf32>
    %add3A_918 = vector.broadcast %get3A_7 : vector<32x1xf32> to vector<32x128xf32>
    %add3A_919 = arith.addf %add3A_917, %add3A_918 : vector<32x128xf32>
    %max3A_920 = arith.constant 0.000000e+00 : f32
    %max3A_921 = vector.broadcast %max3A_920 : f32 to vector<32x128xf32>
    %max3A_922 = arith.maximumf %add3A_919, %max3A_921 : vector<32x128xf32>
    %transpose3A_923 = tpu.transpose %max3A_922, [1, 0] : vector<32x128xf32> -> vector<128x32xf32>
    %swap3A_924 = arith.constant 5248 : index
    %swap3A_925 = arith.constant 0 : index
    %swap3A_926 = vector.load %arg6[%swap3A_924, %swap3A_925] : memref<8192x32xf32, #tpu.memory_space<vmem>>, vector<128x32xf32>
    tpu.vector_store %arg6[%swap3A_924, %swap3A_925], %transpose3A_923 {strides = array<i32>} : memref<8192x32xf32, #tpu.memory_space<vmem>>, vector<128x32xf32>,
    %get3A_927 = arith.constant 42 : index
    %get3A_928 = arith.constant 0 : index
    %get3A_929 = vector.load %arg1[%get3A_927, %get3A_928] : memref<64x128xf32, #tpu.memory_space<vmem>>, vector<1x128xf32>
    %get3A_930 = arith.constant 42 : index
    %get3A_931 = arith.constant 0 : index
    %get3A_932 = vector.load %arg2[%get3A_930, %get3A_931] : memref<64x128xf32, #tpu.memory_space<vmem>>, vector<1x128xf32>
    %mul3A_933 = vector.broadcast %get3A_929 : vector<1x128xf32> to vector<32x128xf32>
    %mul3A_934 = vector.broadcast %get3A_1 : vector<32x1xf32> to vector<32x128xf32>
    %mul3A_935 = arith.mulf %mul3A_933, %mul3A_934 : vector<32x128xf32>
    %mul3A_936 = vector.broadcast %get3A_932 : vector<1x128xf32> to vector<32x128xf32>
    %mul3A_937 = vector.broadcast %get3A_4 : vector<32x1xf32> to vector<32x128xf32>
    %mul3A_938 = arith.mulf %mul3A_936, %mul3A_937 : vector<32x128xf32>
    %add3A_939 = arith.addf %mul3A_935, %mul3A_938 : vector<32x128xf32>
    %add3A_940 = vector.broadcast %get3A_7 : vector<32x1xf32> to vector<32x128xf32>
    %add3A_941 = arith.addf %add3A_939, %add3A_940 : vector<32x128xf32>
    %max3A_942 = arith.constant 0.000000e+00 : f32
    %max3A_943 = vector.broadcast %max3A_942 : f32 to vector<32x128xf32>
    %max3A_944 = arith.maximumf %add3A_941, %max3A_943 : vector<32x128xf32>
    %transpose3A_945 = tpu.transpose %max3A_944, [1, 0] : vector<32x128xf32> -> vector<128x32xf32>
    %swap3A_946 = arith.constant 5376 : index
    %swap3A_947 = arith.constant 0 : index
    %swap3A_948 = vector.load %arg6[%swap3A_946, %swap3A_947] : memref<8192x32xf32, #tpu.memory_space<vmem>>, vector<128x32xf32>
    tpu.vector_store %arg6[%swap3A_946, %swap3A_947], %transpose3A_945 {strides = array<i32>} : memref<8192x32xf32, #tpu.memory_space<vmem>>, vector<128x32xf32>,
    %get3A_949 = arith.constant 43 : index
    %get3A_950 = arith.constant 0 : index
    %get3A_951 = vector.load %arg1[%get3A_949, %get3A_950] : memref<64x128xf32, #tpu.memory_space<vmem>>, vector<1x128xf32>
    %get3A_952 = arith.constant 43 : index
    %get3A_953 = arith.constant 0 : index
    %get3A_954 = vector.load %arg2[%get3A_952, %get3A_953] : memref<64x128xf32, #tpu.memory_space<vmem>>, vector<1x128xf32>
    %mul3A_955 = vector.broadcast %get3A_951 : vector<1x128xf32> to vector<32x128xf32>
    %mul3A_956 = vector.broadcast %get3A_1 : vector<32x1xf32> to vector<32x128xf32>
    %mul3A_957 = arith.mulf %mul3A_955, %mul3A_956 : vector<32x128xf32>
    %mul3A_958 = vector.broadcast %get3A_954 : vector<1x128xf32> to vector<32x128xf32>
    %mul3A_959 = vector.broadcast %get3A_4 : vector<32x1xf32> to vector<32x128xf32>
    %mul3A_960 = arith.mulf %mul3A_958, %mul3A_959 : vector<32x128xf32>
    %add3A_961 = arith.addf %mul3A_957, %mul3A_960 : vector<32x128xf32>
    %add3A_962 = vector.broadcast %get3A_7 : vector<32x1xf32> to vector<32x128xf32>
    %add3A_963 = arith.addf %add3A_961, %add3A_962 : vector<32x128xf32>
    %max3A_964 = arith.constant 0.000000e+00 : f32
    %max3A_965 = vector.broadcast %max3A_964 : f32 to vector<32x128xf32>
    %max3A_966 = arith.maximumf %add3A_963, %max3A_965 : vector<32x128xf32>
    %transpose3A_967 = tpu.transpose %max3A_966, [1, 0] : vector<32x128xf32> -> vector<128x32xf32>
    %swap3A_968 = arith.constant 5504 : index
    %swap3A_969 = arith.constant 0 : index
    %swap3A_970 = vector.load %arg6[%swap3A_968, %swap3A_969] : memref<8192x32xf32, #tpu.memory_space<vmem>>, vector<128x32xf32>
    tpu.vector_store %arg6[%swap3A_968, %swap3A_969], %transpose3A_967 {strides = array<i32>} : memref<8192x32xf32, #tpu.memory_space<vmem>>, vector<128x32xf32>,
    %get3A_971 = arith.constant 44 : index
    %get3A_972 = arith.constant 0 : index
    %get3A_973 = vector.load %arg1[%get3A_971, %get3A_972] : memref<64x128xf32, #tpu.memory_space<vmem>>, vector<1x128xf32>
    %get3A_974 = arith.constant 44 : index
    %get3A_975 = arith.constant 0 : index
    %get3A_976 = vector.load %arg2[%get3A_974, %get3A_975] : memref<64x128xf32, #tpu.memory_space<vmem>>, vector<1x128xf32>
    %mul3A_977 = vector.broadcast %get3A_973 : vector<1x128xf32> to vector<32x128xf32>
    %mul3A_978 = vector.broadcast %get3A_1 : vector<32x1xf32> to vector<32x128xf32>
    %mul3A_979 = arith.mulf %mul3A_977, %mul3A_978 : vector<32x128xf32>
    %mul3A_980 = vector.broadcast %get3A_976 : vector<1x128xf32> to vector<32x128xf32>
    %mul3A_981 = vector.broadcast %get3A_4 : vector<32x1xf32> to vector<32x128xf32>
    %mul3A_982 = arith.mulf %mul3A_980, %mul3A_981 : vector<32x128xf32>
    %add3A_983 = arith.addf %mul3A_979, %mul3A_982 : vector<32x128xf32>
    %add3A_984 = vector.broadcast %get3A_7 : vector<32x1xf32> to vector<32x128xf32>
    %add3A_985 = arith.addf %add3A_983, %add3A_984 : vector<32x128xf32>
    %max3A_986 = arith.constant 0.000000e+00 : f32
    %max3A_987 = vector.broadcast %max3A_986 : f32 to vector<32x128xf32>
    %max3A_988 = arith.maximumf %add3A_985, %max3A_987 : vector<32x128xf32>
    %transpose3A_989 = tpu.transpose %max3A_988, [1, 0] : vector<32x128xf32> -> vector<128x32xf32>
    %swap3A_990 = arith.constant 5632 : index
    %swap3A_991 = arith.constant 0 : index
    %swap3A_992 = vector.load %arg6[%swap3A_990, %swap3A_991] : memref<8192x32xf32, #tpu.memory_space<vmem>>, vector<128x32xf32>
    tpu.vector_store %arg6[%swap3A_990, %swap3A_991], %transpose3A_989 {strides = array<i32>} : memref<8192x32xf32, #tpu.memory_space<vmem>>, vector<128x32xf32>,
    %get3A_993 = arith.constant 45 : index
    %get3A_994 = arith.constant 0 : index
    %get3A_995 = vector.load %arg1[%get3A_993, %get3A_994] : memref<64x128xf32, #tpu.memory_space<vmem>>, vector<1x128xf32>
    %get3A_996 = arith.constant 45 : index
    %get3A_997 = arith.constant 0 : index
    %get3A_998 = vector.load %arg2[%get3A_996, %get3A_997] : memref<64x128xf32, #tpu.memory_space<vmem>>, vector<1x128xf32>
    %mul3A_999 = vector.broadcast %get3A_995 : vector<1x128xf32> to vector<32x128xf32>
    %mul3A_1000 = vector.broadcast %get3A_1 : vector<32x1xf32> to vector<32x128xf32>
    %mul3A_1001 = arith.mulf %mul3A_999, %mul3A_1000 : vector<32x128xf32>
    %mul3A_1002 = vector.broadcast %get3A_998 : vector<1x128xf32> to vector<32x128xf32>
    %mul3A_1003 = vector.broadcast %get3A_4 : vector<32x1xf32> to vector<32x128xf32>
    %mul3A_1004 = arith.mulf %mul3A_1002, %mul3A_1003 : vector<32x128xf32>
    %add3A_1005 = arith.addf %mul3A_1001, %mul3A_1004 : vector<32x128xf32>
    %add3A_1006 = vector.broadcast %get3A_7 : vector<32x1xf32> to vector<32x128xf32>
    %add3A_1007 = arith.addf %add3A_1005, %add3A_1006 : vector<32x128xf32>
    %max3A_1008 = arith.constant 0.000000e+00 : f32
    %max3A_1009 = vector.broadcast %max3A_1008 : f32 to vector<32x128xf32>
    %max3A_1010 = arith.maximumf %add3A_1007, %max3A_1009 : vector<32x128xf32>
    %transpose3A_1011 = tpu.transpose %max3A_1010, [1, 0] : vector<32x128xf32> -> vector<128x32xf32>
    %swap3A_1012 = arith.constant 5760 : index
    %swap3A_1013 = arith.constant 0 : index
    %swap3A_1014 = vector.load %arg6[%swap3A_1012, %swap3A_1013] : memref<8192x32xf32, #tpu.memory_space<vmem>>, vector<128x32xf32>
    tpu.vector_store %arg6[%swap3A_1012, %swap3A_1013], %transpose3A_1011 {strides = array<i32>} : memref<8192x32xf32, #tpu.memory_space<vmem>>, vector<128x32xf32>,
    %get3A_1015 = arith.constant 46 : index
    %get3A_1016 = arith.constant 0 : index
    %get3A_1017 = vector.load %arg1[%get3A_1015, %get3A_1016] : memref<64x128xf32, #tpu.memory_space<vmem>>, vector<1x128xf32>
    %get3A_1018 = arith.constant 46 : index
    %get3A_1019 = arith.constant 0 : index
    %get3A_1020 = vector.load %arg2[%get3A_1018, %get3A_1019] : memref<64x128xf32, #tpu.memory_space<vmem>>, vector<1x128xf32>
    %mul3A_1021 = vector.broadcast %get3A_1017 : vector<1x128xf32> to vector<32x128xf32>
    %mul3A_1022 = vector.broadcast %get3A_1 : vector<32x1xf32> to vector<32x128xf32>
    %mul3A_1023 = arith.mulf %mul3A_1021, %mul3A_1022 : vector<32x128xf32>
    %mul3A_1024 = vector.broadcast %get3A_1020 : vector<1x128xf32> to vector<32x128xf32>
    %mul3A_1025 = vector.broadcast %get3A_4 : vector<32x1xf32> to vector<32x128xf32>
    %mul3A_1026 = arith.mulf %mul3A_1024, %mul3A_1025 : vector<32x128xf32>
    %add3A_1027 = arith.addf %mul3A_1023, %mul3A_1026 : vector<32x128xf32>
    %add3A_1028 = vector.broadcast %get3A_7 : vector<32x1xf32> to vector<32x128xf32>
    %add3A_1029 = arith.addf %add3A_1027, %add3A_1028 : vector<32x128xf32>
    %max3A_1030 = arith.constant 0.000000e+00 : f32
    %max3A_1031 = vector.broadcast %max3A_1030 : f32 to vector<32x128xf32>
    %max3A_1032 = arith.maximumf %add3A_1029, %max3A_1031 : vector<32x128xf32>
    %transpose3A_1033 = tpu.transpose %max3A_1032, [1, 0] : vector<32x128xf32> -> vector<128x32xf32>
    %swap3A_1034 = arith.constant 5888 : index
    %swap3A_1035 = arith.constant 0 : index
    %swap3A_1036 = vector.load %arg6[%swap3A_1034, %swap3A_1035] : memref<8192x32xf32, #tpu.memory_space<vmem>>, vector<128x32xf32>
    tpu.vector_store %arg6[%swap3A_1034, %swap3A_1035], %transpose3A_1033 {strides = array<i32>} : memref<8192x32xf32, #tpu.memory_space<vmem>>, vector<128x32xf32>,
    %get3A_1037 = arith.constant 47 : index
    %get3A_1038 = arith.constant 0 : index
    %get3A_1039 = vector.load %arg1[%get3A_1037, %get3A_1038] : memref<64x128xf32, #tpu.memory_space<vmem>>, vector<1x128xf32>
    %get3A_1040 = arith.constant 47 : index
    %get3A_1041 = arith.constant 0 : index
    %get3A_1042 = vector.load %arg2[%get3A_1040, %get3A_1041] : memref<64x128xf32, #tpu.memory_space<vmem>>, vector<1x128xf32>
    %mul3A_1043 = vector.broadcast %get3A_1039 : vector<1x128xf32> to vector<32x128xf32>
    %mul3A_1044 = vector.broadcast %get3A_1 : vector<32x1xf32> to vector<32x128xf32>
    %mul3A_1045 = arith.mulf %mul3A_1043, %mul3A_1044 : vector<32x128xf32>
    %mul3A_1046 = vector.broadcast %get3A_1042 : vector<1x128xf32> to vector<32x128xf32>
    %mul3A_1047 = vector.broadcast %get3A_4 : vector<32x1xf32> to vector<32x128xf32>
    %mul3A_1048 = arith.mulf %mul3A_1046, %mul3A_1047 : vector<32x128xf32>
    %add3A_1049 = arith.addf %mul3A_1045, %mul3A_1048 : vector<32x128xf32>
    %add3A_1050 = vector.broadcast %get3A_7 : vector<32x1xf32> to vector<32x128xf32>
    %add3A_1051 = arith.addf %add3A_1049, %add3A_1050 : vector<32x128xf32>
    %max3A_1052 = arith.constant 0.000000e+00 : f32
    %max3A_1053 = vector.broadcast %max3A_1052 : f32 to vector<32x128xf32>
    %max3A_1054 = arith.maximumf %add3A_1051, %max3A_1053 : vector<32x128xf32>
    %transpose3A_1055 = tpu.transpose %max3A_1054, [1, 0] : vector<32x128xf32> -> vector<128x32xf32>
    %swap3A_1056 = arith.constant 6016 : index
    %swap3A_1057 = arith.constant 0 : index
    %swap3A_1058 = vector.load %arg6[%swap3A_1056, %swap3A_1057] : memref<8192x32xf32, #tpu.memory_space<vmem>>, vector<128x32xf32>
    tpu.vector_store %arg6[%swap3A_1056, %swap3A_1057], %transpose3A_1055 {strides = array<i32>} : memref<8192x32xf32, #tpu.memory_space<vmem>>, vector<128x32xf32>,
    %get3A_1059 = arith.constant 48 : index
    %get3A_1060 = arith.constant 0 : index
    %get3A_1061 = vector.load %arg1[%get3A_1059, %get3A_1060] : memref<64x128xf32, #tpu.memory_space<vmem>>, vector<1x128xf32>
    %get3A_1062 = arith.constant 48 : index
    %get3A_1063 = arith.constant 0 : index
    %get3A_1064 = vector.load %arg2[%get3A_1062, %get3A_1063] : memref<64x128xf32, #tpu.memory_space<vmem>>, vector<1x128xf32>
    %mul3A_1065 = vector.broadcast %get3A_1061 : vector<1x128xf32> to vector<32x128xf32>
    %mul3A_1066 = vector.broadcast %get3A_1 : vector<32x1xf32> to vector<32x128xf32>
    %mul3A_1067 = arith.mulf %mul3A_1065, %mul3A_1066 : vector<32x128xf32>
    %mul3A_1068 = vector.broadcast %get3A_1064 : vector<1x128xf32> to vector<32x128xf32>
    %mul3A_1069 = vector.broadcast %get3A_4 : vector<32x1xf32> to vector<32x128xf32>
    %mul3A_1070 = arith.mulf %mul3A_1068, %mul3A_1069 : vector<32x128xf32>
    %add3A_1071 = arith.addf %mul3A_1067, %mul3A_1070 : vector<32x128xf32>
    %add3A_1072 = vector.broadcast %get3A_7 : vector<32x1xf32> to vector<32x128xf32>
    %add3A_1073 = arith.addf %add3A_1071, %add3A_1072 : vector<32x128xf32>
    %max3A_1074 = arith.constant 0.000000e+00 : f32
    %max3A_1075 = vector.broadcast %max3A_1074 : f32 to vector<32x128xf32>
    %max3A_1076 = arith.maximumf %add3A_1073, %max3A_1075 : vector<32x128xf32>
    %transpose3A_1077 = tpu.transpose %max3A_1076, [1, 0] : vector<32x128xf32> -> vector<128x32xf32>
    %swap3A_1078 = arith.constant 6144 : index
    %swap3A_1079 = arith.constant 0 : index
    %swap3A_1080 = vector.load %arg6[%swap3A_1078, %swap3A_1079] : memref<8192x32xf32, #tpu.memory_space<vmem>>, vector<128x32xf32>
    tpu.vector_store %arg6[%swap3A_1078, %swap3A_1079], %transpose3A_1077 {strides = array<i32>} : memref<8192x32xf32, #tpu.memory_space<vmem>>, vector<128x32xf32>,
    %get3A_1081 = arith.constant 49 : index
    %get3A_1082 = arith.constant 0 : index
    %get3A_1083 = vector.load %arg1[%get3A_1081, %get3A_1082] : memref<64x128xf32, #tpu.memory_space<vmem>>, vector<1x128xf32>
    %get3A_1084 = arith.constant 49 : index
    %get3A_1085 = arith.constant 0 : index
    %get3A_1086 = vector.load %arg2[%get3A_1084, %get3A_1085] : memref<64x128xf32, #tpu.memory_space<vmem>>, vector<1x128xf32>
    %mul3A_1087 = vector.broadcast %get3A_1083 : vector<1x128xf32> to vector<32x128xf32>
    %mul3A_1088 = vector.broadcast %get3A_1 : vector<32x1xf32> to vector<32x128xf32>
    %mul3A_1089 = arith.mulf %mul3A_1087, %mul3A_1088 : vector<32x128xf32>
    %mul3A_1090 = vector.broadcast %get3A_1086 : vector<1x128xf32> to vector<32x128xf32>
    %mul3A_1091 = vector.broadcast %get3A_4 : vector<32x1xf32> to vector<32x128xf32>
    %mul3A_1092 = arith.mulf %mul3A_1090, %mul3A_1091 : vector<32x128xf32>
    %add3A_1093 = arith.addf %mul3A_1089, %mul3A_1092 : vector<32x128xf32>
    %add3A_1094 = vector.broadcast %get3A_7 : vector<32x1xf32> to vector<32x128xf32>
    %add3A_1095 = arith.addf %add3A_1093, %add3A_1094 : vector<32x128xf32>
    %max3A_1096 = arith.constant 0.000000e+00 : f32
    %max3A_1097 = vector.broadcast %max3A_1096 : f32 to vector<32x128xf32>
    %max3A_1098 = arith.maximumf %add3A_1095, %max3A_1097 : vector<32x128xf32>
    %transpose3A_1099 = tpu.transpose %max3A_1098, [1, 0] : vector<32x128xf32> -> vector<128x32xf32>
    %swap3A_1100 = arith.constant 6272 : index
    %swap3A_1101 = arith.constant 0 : index
    %swap3A_1102 = vector.load %arg6[%swap3A_1100, %swap3A_1101] : memref<8192x32xf32, #tpu.memory_space<vmem>>, vector<128x32xf32>
    tpu.vector_store %arg6[%swap3A_1100, %swap3A_1101], %transpose3A_1099 {strides = array<i32>} : memref<8192x32xf32, #tpu.memory_space<vmem>>, vector<128x32xf32>,
    %get3A_1103 = arith.constant 50 : index
    %get3A_1104 = arith.constant 0 : index
    %get3A_1105 = vector.load %arg1[%get3A_1103, %get3A_1104] : memref<64x128xf32, #tpu.memory_space<vmem>>, vector<1x128xf32>
    %get3A_1106 = arith.constant 50 : index
    %get3A_1107 = arith.constant 0 : index
    %get3A_1108 = vector.load %arg2[%get3A_1106, %get3A_1107] : memref<64x128xf32, #tpu.memory_space<vmem>>, vector<1x128xf32>
    %mul3A_1109 = vector.broadcast %get3A_1105 : vector<1x128xf32> to vector<32x128xf32>
    %mul3A_1110 = vector.broadcast %get3A_1 : vector<32x1xf32> to vector<32x128xf32>
    %mul3A_1111 = arith.mulf %mul3A_1109, %mul3A_1110 : vector<32x128xf32>
    %mul3A_1112 = vector.broadcast %get3A_1108 : vector<1x128xf32> to vector<32x128xf32>
    %mul3A_1113 = vector.broadcast %get3A_4 : vector<32x1xf32> to vector<32x128xf32>
    %mul3A_1114 = arith.mulf %mul3A_1112, %mul3A_1113 : vector<32x128xf32>
    %add3A_1115 = arith.addf %mul3A_1111, %mul3A_1114 : vector<32x128xf32>
    %add3A_1116 = vector.broadcast %get3A_7 : vector<32x1xf32> to vector<32x128xf32>
    %add3A_1117 = arith.addf %add3A_1115, %add3A_1116 : vector<32x128xf32>
    %max3A_1118 = arith.constant 0.000000e+00 : f32
    %max3A_1119 = vector.broadcast %max3A_1118 : f32 to vector<32x128xf32>
    %max3A_1120 = arith.maximumf %add3A_1117, %max3A_1119 : vector<32x128xf32>
    %transpose3A_1121 = tpu.transpose %max3A_1120, [1, 0] : vector<32x128xf32> -> vector<128x32xf32>
    %swap3A_1122 = arith.constant 6400 : index
    %swap3A_1123 = arith.constant 0 : index
    %swap3A_1124 = vector.load %arg6[%swap3A_1122, %swap3A_1123] : memref<8192x32xf32, #tpu.memory_space<vmem>>, vector<128x32xf32>
    tpu.vector_store %arg6[%swap3A_1122, %swap3A_1123], %transpose3A_1121 {strides = array<i32>} : memref<8192x32xf32, #tpu.memory_space<vmem>>, vector<128x32xf32>,
    %get3A_1125 = arith.constant 51 : index
    %get3A_1126 = arith.constant 0 : index
    %get3A_1127 = vector.load %arg1[%get3A_1125, %get3A_1126] : memref<64x128xf32, #tpu.memory_space<vmem>>, vector<1x128xf32>
    %get3A_1128 = arith.constant 51 : index
    %get3A_1129 = arith.constant 0 : index
    %get3A_1130 = vector.load %arg2[%get3A_1128, %get3A_1129] : memref<64x128xf32, #tpu.memory_space<vmem>>, vector<1x128xf32>
    %mul3A_1131 = vector.broadcast %get3A_1127 : vector<1x128xf32> to vector<32x128xf32>
    %mul3A_1132 = vector.broadcast %get3A_1 : vector<32x1xf32> to vector<32x128xf32>
    %mul3A_1133 = arith.mulf %mul3A_1131, %mul3A_1132 : vector<32x128xf32>
    %mul3A_1134 = vector.broadcast %get3A_1130 : vector<1x128xf32> to vector<32x128xf32>
    %mul3A_1135 = vector.broadcast %get3A_4 : vector<32x1xf32> to vector<32x128xf32>
    %mul3A_1136 = arith.mulf %mul3A_1134, %mul3A_1135 : vector<32x128xf32>
    %add3A_1137 = arith.addf %mul3A_1133, %mul3A_1136 : vector<32x128xf32>
    %add3A_1138 = vector.broadcast %get3A_7 : vector<32x1xf32> to vector<32x128xf32>
    %add3A_1139 = arith.addf %add3A_1137, %add3A_1138 : vector<32x128xf32>
    %max3A_1140 = arith.constant 0.000000e+00 : f32
    %max3A_1141 = vector.broadcast %max3A_1140 : f32 to vector<32x128xf32>
    %max3A_1142 = arith.maximumf %add3A_1139, %max3A_1141 : vector<32x128xf32>
    %transpose3A_1143 = tpu.transpose %max3A_1142, [1, 0] : vector<32x128xf32> -> vector<128x32xf32>
    %swap3A_1144 = arith.constant 6528 : index
    %swap3A_1145 = arith.constant 0 : index
    %swap3A_1146 = vector.load %arg6[%swap3A_1144, %swap3A_1145] : memref<8192x32xf32, #tpu.memory_space<vmem>>, vector<128x32xf32>
    tpu.vector_store %arg6[%swap3A_1144, %swap3A_1145], %transpose3A_1143 {strides = array<i32>} : memref<8192x32xf32, #tpu.memory_space<vmem>>, vector<128x32xf32>,
    %get3A_1147 = arith.constant 52 : index
    %get3A_1148 = arith.constant 0 : index
    %get3A_1149 = vector.load %arg1[%get3A_1147, %get3A_1148] : memref<64x128xf32, #tpu.memory_space<vmem>>, vector<1x128xf32>
    %get3A_1150 = arith.constant 52 : index
    %get3A_1151 = arith.constant 0 : index
    %get3A_1152 = vector.load %arg2[%get3A_1150, %get3A_1151] : memref<64x128xf32, #tpu.memory_space<vmem>>, vector<1x128xf32>
    %mul3A_1153 = vector.broadcast %get3A_1149 : vector<1x128xf32> to vector<32x128xf32>
    %mul3A_1154 = vector.broadcast %get3A_1 : vector<32x1xf32> to vector<32x128xf32>
    %mul3A_1155 = arith.mulf %mul3A_1153, %mul3A_1154 : vector<32x128xf32>
    %mul3A_1156 = vector.broadcast %get3A_1152 : vector<1x128xf32> to vector<32x128xf32>
    %mul3A_1157 = vector.broadcast %get3A_4 : vector<32x1xf32> to vector<32x128xf32>
    %mul3A_1158 = arith.mulf %mul3A_1156, %mul3A_1157 : vector<32x128xf32>
    %add3A_1159 = arith.addf %mul3A_1155, %mul3A_1158 : vector<32x128xf32>
    %add3A_1160 = vector.broadcast %get3A_7 : vector<32x1xf32> to vector<32x128xf32>
    %add3A_1161 = arith.addf %add3A_1159, %add3A_1160 : vector<32x128xf32>
    %max3A_1162 = arith.constant 0.000000e+00 : f32
    %max3A_1163 = vector.broadcast %max3A_1162 : f32 to vector<32x128xf32>
    %max3A_1164 = arith.maximumf %add3A_1161, %max3A_1163 : vector<32x128xf32>
    %transpose3A_1165 = tpu.transpose %max3A_1164, [1, 0] : vector<32x128xf32> -> vector<128x32xf32>
    %swap3A_1166 = arith.constant 6656 : index
    %swap3A_1167 = arith.constant 0 : index
    %swap3A_1168 = vector.load %arg6[%swap3A_1166, %swap3A_1167] : memref<8192x32xf32, #tpu.memory_space<vmem>>, vector<128x32xf32>
    tpu.vector_store %arg6[%swap3A_1166, %swap3A_1167], %transpose3A_1165 {strides = array<i32>} : memref<8192x32xf32, #tpu.memory_space<vmem>>, vector<128x32xf32>,
    %get3A_1169 = arith.constant 53 : index
    %get3A_1170 = arith.constant 0 : index
    %get3A_1171 = vector.load %arg1[%get3A_1169, %get3A_1170] : memref<64x128xf32, #tpu.memory_space<vmem>>, vector<1x128xf32>
    %get3A_1172 = arith.constant 53 : index
    %get3A_1173 = arith.constant 0 : index
    %get3A_1174 = vector.load %arg2[%get3A_1172, %get3A_1173] : memref<64x128xf32, #tpu.memory_space<vmem>>, vector<1x128xf32>
    %mul3A_1175 = vector.broadcast %get3A_1171 : vector<1x128xf32> to vector<32x128xf32>
    %mul3A_1176 = vector.broadcast %get3A_1 : vector<32x1xf32> to vector<32x128xf32>
    %mul3A_1177 = arith.mulf %mul3A_1175, %mul3A_1176 : vector<32x128xf32>
    %mul3A_1178 = vector.broadcast %get3A_1174 : vector<1x128xf32> to vector<32x128xf32>
    %mul3A_1179 = vector.broadcast %get3A_4 : vector<32x1xf32> to vector<32x128xf32>
    %mul3A_1180 = arith.mulf %mul3A_1178, %mul3A_1179 : vector<32x128xf32>
    %add3A_1181 = arith.addf %mul3A_1177, %mul3A_1180 : vector<32x128xf32>
    %add3A_1182 = vector.broadcast %get3A_7 : vector<32x1xf32> to vector<32x128xf32>
    %add3A_1183 = arith.addf %add3A_1181, %add3A_1182 : vector<32x128xf32>
    %max3A_1184 = arith.constant 0.000000e+00 : f32
    %max3A_1185 = vector.broadcast %max3A_1184 : f32 to vector<32x128xf32>
    %max3A_1186 = arith.maximumf %add3A_1183, %max3A_1185 : vector<32x128xf32>
    %transpose3A_1187 = tpu.transpose %max3A_1186, [1, 0] : vector<32x128xf32> -> vector<128x32xf32>
    %swap3A_1188 = arith.constant 6784 : index
    %swap3A_1189 = arith.constant 0 : index
    %swap3A_1190 = vector.load %arg6[%swap3A_1188, %swap3A_1189] : memref<8192x32xf32, #tpu.memory_space<vmem>>, vector<128x32xf32>
    tpu.vector_store %arg6[%swap3A_1188, %swap3A_1189], %transpose3A_1187 {strides = array<i32>} : memref<8192x32xf32, #tpu.memory_space<vmem>>, vector<128x32xf32>,
    %get3A_1191 = arith.constant 54 : index
    %get3A_1192 = arith.constant 0 : index
    %get3A_1193 = vector.load %arg1[%get3A_1191, %get3A_1192] : memref<64x128xf32, #tpu.memory_space<vmem>>, vector<1x128xf32>
    %get3A_1194 = arith.constant 54 : index
    %get3A_1195 = arith.constant 0 : index
    %get3A_1196 = vector.load %arg2[%get3A_1194, %get3A_1195] : memref<64x128xf32, #tpu.memory_space<vmem>>, vector<1x128xf32>
    %mul3A_1197 = vector.broadcast %get3A_1193 : vector<1x128xf32> to vector<32x128xf32>
    %mul3A_1198 = vector.broadcast %get3A_1 : vector<32x1xf32> to vector<32x128xf32>
    %mul3A_1199 = arith.mulf %mul3A_1197, %mul3A_1198 : vector<32x128xf32>
    %mul3A_1200 = vector.broadcast %get3A_1196 : vector<1x128xf32> to vector<32x128xf32>
    %mul3A_1201 = vector.broadcast %get3A_4 : vector<32x1xf32> to vector<32x128xf32>
    %mul3A_1202 = arith.mulf %mul3A_1200, %mul3A_1201 : vector<32x128xf32>
    %add3A_1203 = arith.addf %mul3A_1199, %mul3A_1202 : vector<32x128xf32>
    %add3A_1204 = vector.broadcast %get3A_7 : vector<32x1xf32> to vector<32x128xf32>
    %add3A_1205 = arith.addf %add3A_1203, %add3A_1204 : vector<32x128xf32>
    %max3A_1206 = arith.constant 0.000000e+00 : f32
    %max3A_1207 = vector.broadcast %max3A_1206 : f32 to vector<32x128xf32>
    %max3A_1208 = arith.maximumf %add3A_1205, %max3A_1207 : vector<32x128xf32>
    %transpose3A_1209 = tpu.transpose %max3A_1208, [1, 0] : vector<32x128xf32> -> vector<128x32xf32>
    %swap3A_1210 = arith.constant 6912 : index
    %swap3A_1211 = arith.constant 0 : index
    %swap3A_1212 = vector.load %arg6[%swap3A_1210, %swap3A_1211] : memref<8192x32xf32, #tpu.memory_space<vmem>>, vector<128x32xf32>
    tpu.vector_store %arg6[%swap3A_1210, %swap3A_1211], %transpose3A_1209 {strides = array<i32>} : memref<8192x32xf32, #tpu.memory_space<vmem>>, vector<128x32xf32>,
    %get3A_1213 = arith.constant 55 : index
    %get3A_1214 = arith.constant 0 : index
    %get3A_1215 = vector.load %arg1[%get3A_1213, %get3A_1214] : memref<64x128xf32, #tpu.memory_space<vmem>>, vector<1x128xf32>
    %get3A_1216 = arith.constant 55 : index
    %get3A_1217 = arith.constant 0 : index
    %get3A_1218 = vector.load %arg2[%get3A_1216, %get3A_1217] : memref<64x128xf32, #tpu.memory_space<vmem>>, vector<1x128xf32>
    %mul3A_1219 = vector.broadcast %get3A_1215 : vector<1x128xf32> to vector<32x128xf32>
    %mul3A_1220 = vector.broadcast %get3A_1 : vector<32x1xf32> to vector<32x128xf32>
    %mul3A_1221 = arith.mulf %mul3A_1219, %mul3A_1220 : vector<32x128xf32>
    %mul3A_1222 = vector.broadcast %get3A_1218 : vector<1x128xf32> to vector<32x128xf32>
    %mul3A_1223 = vector.broadcast %get3A_4 : vector<32x1xf32> to vector<32x128xf32>
    %mul3A_1224 = arith.mulf %mul3A_1222, %mul3A_1223 : vector<32x128xf32>
    %add3A_1225 = arith.addf %mul3A_1221, %mul3A_1224 : vector<32x128xf32>
    %add3A_1226 = vector.broadcast %get3A_7 : vector<32x1xf32> to vector<32x128xf32>
    %add3A_1227 = arith.addf %add3A_1225, %add3A_1226 : vector<32x128xf32>
    %max3A_1228 = arith.constant 0.000000e+00 : f32
    %max3A_1229 = vector.broadcast %max3A_1228 : f32 to vector<32x128xf32>
    %max3A_1230 = arith.maximumf %add3A_1227, %max3A_1229 : vector<32x128xf32>
    %transpose3A_1231 = tpu.transpose %max3A_1230, [1, 0] : vector<32x128xf32> -> vector<128x32xf32>
    %swap3A_1232 = arith.constant 7040 : index
    %swap3A_1233 = arith.constant 0 : index
    %swap3A_1234 = vector.load %arg6[%swap3A_1232, %swap3A_1233] : memref<8192x32xf32, #tpu.memory_space<vmem>>, vector<128x32xf32>
    tpu.vector_store %arg6[%swap3A_1232, %swap3A_1233], %transpose3A_1231 {strides = array<i32>} : memref<8192x32xf32, #tpu.memory_space<vmem>>, vector<128x32xf32>,
    %get3A_1235 = arith.constant 56 : index
    %get3A_1236 = arith.constant 0 : index
    %get3A_1237 = vector.load %arg1[%get3A_1235, %get3A_1236] : memref<64x128xf32, #tpu.memory_space<vmem>>, vector<1x128xf32>
    %get3A_1238 = arith.constant 56 : index
    %get3A_1239 = arith.constant 0 : index
    %get3A_1240 = vector.load %arg2[%get3A_1238, %get3A_1239] : memref<64x128xf32, #tpu.memory_space<vmem>>, vector<1x128xf32>
    %mul3A_1241 = vector.broadcast %get3A_1237 : vector<1x128xf32> to vector<32x128xf32>
    %mul3A_1242 = vector.broadcast %get3A_1 : vector<32x1xf32> to vector<32x128xf32>
    %mul3A_1243 = arith.mulf %mul3A_1241, %mul3A_1242 : vector<32x128xf32>
    %mul3A_1244 = vector.broadcast %get3A_1240 : vector<1x128xf32> to vector<32x128xf32>
    %mul3A_1245 = vector.broadcast %get3A_4 : vector<32x1xf32> to vector<32x128xf32>
    %mul3A_1246 = arith.mulf %mul3A_1244, %mul3A_1245 : vector<32x128xf32>
    %add3A_1247 = arith.addf %mul3A_1243, %mul3A_1246 : vector<32x128xf32>
    %add3A_1248 = vector.broadcast %get3A_7 : vector<32x1xf32> to vector<32x128xf32>
    %add3A_1249 = arith.addf %add3A_1247, %add3A_1248 : vector<32x128xf32>
    %max3A_1250 = arith.constant 0.000000e+00 : f32
    %max3A_1251 = vector.broadcast %max3A_1250 : f32 to vector<32x128xf32>
    %max3A_1252 = arith.maximumf %add3A_1249, %max3A_1251 : vector<32x128xf32>
    %transpose3A_1253 = tpu.transpose %max3A_1252, [1, 0] : vector<32x128xf32> -> vector<128x32xf32>
    %swap3A_1254 = arith.constant 7168 : index
    %swap3A_1255 = arith.constant 0 : index
    %swap3A_1256 = vector.load %arg6[%swap3A_1254, %swap3A_1255] : memref<8192x32xf32, #tpu.memory_space<vmem>>, vector<128x32xf32>
    tpu.vector_store %arg6[%swap3A_1254, %swap3A_1255], %transpose3A_1253 {strides = array<i32>} : memref<8192x32xf32, #tpu.memory_space<vmem>>, vector<128x32xf32>,
    %get3A_1257 = arith.constant 57 : index
    %get3A_1258 = arith.constant 0 : index
    %get3A_1259 = vector.load %arg1[%get3A_1257, %get3A_1258] : memref<64x128xf32, #tpu.memory_space<vmem>>, vector<1x128xf32>
    %get3A_1260 = arith.constant 57 : index
    %get3A_1261 = arith.constant 0 : index
    %get3A_1262 = vector.load %arg2[%get3A_1260, %get3A_1261] : memref<64x128xf32, #tpu.memory_space<vmem>>, vector<1x128xf32>
    %mul3A_1263 = vector.broadcast %get3A_1259 : vector<1x128xf32> to vector<32x128xf32>
    %mul3A_1264 = vector.broadcast %get3A_1 : vector<32x1xf32> to vector<32x128xf32>
    %mul3A_1265 = arith.mulf %mul3A_1263, %mul3A_1264 : vector<32x128xf32>
    %mul3A_1266 = vector.broadcast %get3A_1262 : vector<1x128xf32> to vector<32x128xf32>
    %mul3A_1267 = vector.broadcast %get3A_4 : vector<32x1xf32> to vector<32x128xf32>
    %mul3A_1268 = arith.mulf %mul3A_1266, %mul3A_1267 : vector<32x128xf32>
    %add3A_1269 = arith.addf %mul3A_1265, %mul3A_1268 : vector<32x128xf32>
    %add3A_1270 = vector.broadcast %get3A_7 : vector<32x1xf32> to vector<32x128xf32>
    %add3A_1271 = arith.addf %add3A_1269, %add3A_1270 : vector<32x128xf32>
    %max3A_1272 = arith.constant 0.000000e+00 : f32
    %max3A_1273 = vector.broadcast %max3A_1272 : f32 to vector<32x128xf32>
    %max3A_1274 = arith.maximumf %add3A_1271, %max3A_1273 : vector<32x128xf32>
    %transpose3A_1275 = tpu.transpose %max3A_1274, [1, 0] : vector<32x128xf32> -> vector<128x32xf32>
    %swap3A_1276 = arith.constant 7296 : index
    %swap3A_1277 = arith.constant 0 : index
    %swap3A_1278 = vector.load %arg6[%swap3A_1276, %swap3A_1277] : memref<8192x32xf32, #tpu.memory_space<vmem>>, vector<128x32xf32>
    tpu.vector_store %arg6[%swap3A_1276, %swap3A_1277], %transpose3A_1275 {strides = array<i32>} : memref<8192x32xf32, #tpu.memory_space<vmem>>, vector<128x32xf32>,
    %get3A_1279 = arith.constant 58 : index
    %get3A_1280 = arith.constant 0 : index
    %get3A_1281 = vector.load %arg1[%get3A_1279, %get3A_1280] : memref<64x128xf32, #tpu.memory_space<vmem>>, vector<1x128xf32>
    %get3A_1282 = arith.constant 58 : index
    %get3A_1283 = arith.constant 0 : index
    %get3A_1284 = vector.load %arg2[%get3A_1282, %get3A_1283] : memref<64x128xf32, #tpu.memory_space<vmem>>, vector<1x128xf32>
    %mul3A_1285 = vector.broadcast %get3A_1281 : vector<1x128xf32> to vector<32x128xf32>
    %mul3A_1286 = vector.broadcast %get3A_1 : vector<32x1xf32> to vector<32x128xf32>
    %mul3A_1287 = arith.mulf %mul3A_1285, %mul3A_1286 : vector<32x128xf32>
    %mul3A_1288 = vector.broadcast %get3A_1284 : vector<1x128xf32> to vector<32x128xf32>
    %mul3A_1289 = vector.broadcast %get3A_4 : vector<32x1xf32> to vector<32x128xf32>
    %mul3A_1290 = arith.mulf %mul3A_1288, %mul3A_1289 : vector<32x128xf32>
    %add3A_1291 = arith.addf %mul3A_1287, %mul3A_1290 : vector<32x128xf32>
    %add3A_1292 = vector.broadcast %get3A_7 : vector<32x1xf32> to vector<32x128xf32>
    %add3A_1293 = arith.addf %add3A_1291, %add3A_1292 : vector<32x128xf32>
    %max3A_1294 = arith.constant 0.000000e+00 : f32
    %max3A_1295 = vector.broadcast %max3A_1294 : f32 to vector<32x128xf32>
    %max3A_1296 = arith.maximumf %add3A_1293, %max3A_1295 : vector<32x128xf32>
    %transpose3A_1297 = tpu.transpose %max3A_1296, [1, 0] : vector<32x128xf32> -> vector<128x32xf32>
    %swap3A_1298 = arith.constant 7424 : index
    %swap3A_1299 = arith.constant 0 : index
    %swap3A_1300 = vector.load %arg6[%swap3A_1298, %swap3A_1299] : memref<8192x32xf32, #tpu.memory_space<vmem>>, vector<128x32xf32>
    tpu.vector_store %arg6[%swap3A_1298, %swap3A_1299], %transpose3A_1297 {strides = array<i32>} : memref<8192x32xf32, #tpu.memory_space<vmem>>, vector<128x32xf32>,
    %get3A_1301 = arith.constant 59 : index
    %get3A_1302 = arith.constant 0 : index
    %get3A_1303 = vector.load %arg1[%get3A_1301, %get3A_1302] : memref<64x128xf32, #tpu.memory_space<vmem>>, vector<1x128xf32>
    %get3A_1304 = arith.constant 59 : index
    %get3A_1305 = arith.constant 0 : index
    %get3A_1306 = vector.load %arg2[%get3A_1304, %get3A_1305] : memref<64x128xf32, #tpu.memory_space<vmem>>, vector<1x128xf32>
    %mul3A_1307 = vector.broadcast %get3A_1303 : vector<1x128xf32> to vector<32x128xf32>
    %mul3A_1308 = vector.broadcast %get3A_1 : vector<32x1xf32> to vector<32x128xf32>
    %mul3A_1309 = arith.mulf %mul3A_1307, %mul3A_1308 : vector<32x128xf32>
    %mul3A_1310 = vector.broadcast %get3A_1306 : vector<1x128xf32> to vector<32x128xf32>
    %mul3A_1311 = vector.broadcast %get3A_4 : vector<32x1xf32> to vector<32x128xf32>
    %mul3A_1312 = arith.mulf %mul3A_1310, %mul3A_1311 : vector<32x128xf32>
    %add3A_1313 = arith.addf %mul3A_1309, %mul3A_1312 : vector<32x128xf32>
    %add3A_1314 = vector.broadcast %get3A_7 : vector<32x1xf32> to vector<32x128xf32>
    %add3A_1315 = arith.addf %add3A_1313, %add3A_1314 : vector<32x128xf32>
    %max3A_1316 = arith.constant 0.000000e+00 : f32
    %max3A_1317 = vector.broadcast %max3A_1316 : f32 to vector<32x128xf32>
    %max3A_1318 = arith.maximumf %add3A_1315, %max3A_1317 : vector<32x128xf32>
    %transpose3A_1319 = tpu.transpose %max3A_1318, [1, 0] : vector<32x128xf32> -> vector<128x32xf32>
    %swap3A_1320 = arith.constant 7552 : index
    %swap3A_1321 = arith.constant 0 : index
    %swap3A_1322 = vector.load %arg6[%swap3A_1320, %swap3A_1321] : memref<8192x32xf32, #tpu.memory_space<vmem>>, vector<128x32xf32>
    tpu.vector_store %arg6[%swap3A_1320, %swap3A_1321], %transpose3A_1319 {strides = array<i32>} : memref<8192x32xf32, #tpu.memory_space<vmem>>, vector<128x32xf32>,
    %get3A_1323 = arith.constant 60 : index
    %get3A_1324 = arith.constant 0 : index
    %get3A_1325 = vector.load %arg1[%get3A_1323, %get3A_1324] : memref<64x128xf32, #tpu.memory_space<vmem>>, vector<1x128xf32>
    %get3A_1326 = arith.constant 60 : index
    %get3A_1327 = arith.constant 0 : index
    %get3A_1328 = vector.load %arg2[%get3A_1326, %get3A_1327] : memref<64x128xf32, #tpu.memory_space<vmem>>, vector<1x128xf32>
    %mul3A_1329 = vector.broadcast %get3A_1325 : vector<1x128xf32> to vector<32x128xf32>
    %mul3A_1330 = vector.broadcast %get3A_1 : vector<32x1xf32> to vector<32x128xf32>
    %mul3A_1331 = arith.mulf %mul3A_1329, %mul3A_1330 : vector<32x128xf32>
    %mul3A_1332 = vector.broadcast %get3A_1328 : vector<1x128xf32> to vector<32x128xf32>
    %mul3A_1333 = vector.broadcast %get3A_4 : vector<32x1xf32> to vector<32x128xf32>
    %mul3A_1334 = arith.mulf %mul3A_1332, %mul3A_1333 : vector<32x128xf32>
    %add3A_1335 = arith.addf %mul3A_1331, %mul3A_1334 : vector<32x128xf32>
    %add3A_1336 = vector.broadcast %get3A_7 : vector<32x1xf32> to vector<32x128xf32>
    %add3A_1337 = arith.addf %add3A_1335, %add3A_1336 : vector<32x128xf32>
    %max3A_1338 = arith.constant 0.000000e+00 : f32
    %max3A_1339 = vector.broadcast %max3A_1338 : f32 to vector<32x128xf32>
    %max3A_1340 = arith.maximumf %add3A_1337, %max3A_1339 : vector<32x128xf32>
    %transpose3A_1341 = tpu.transpose %max3A_1340, [1, 0] : vector<32x128xf32> -> vector<128x32xf32>
    %swap3A_1342 = arith.constant 7680 : index
    %swap3A_1343 = arith.constant 0 : index
    %swap3A_1344 = vector.load %arg6[%swap3A_1342, %swap3A_1343] : memref<8192x32xf32, #tpu.memory_space<vmem>>, vector<128x32xf32>
    tpu.vector_store %arg6[%swap3A_1342, %swap3A_1343], %transpose3A_1341 {strides = array<i32>} : memref<8192x32xf32, #tpu.memory_space<vmem>>, vector<128x32xf32>,
    %get3A_1345 = arith.constant 61 : index
    %get3A_1346 = arith.constant 0 : index
    %get3A_1347 = vector.load %arg1[%get3A_1345, %get3A_1346] : memref<64x128xf32, #tpu.memory_space<vmem>>, vector<1x128xf32>
    %get3A_1348 = arith.constant 61 : index
    %get3A_1349 = arith.constant 0 : index
    %get3A_1350 = vector.load %arg2[%get3A_1348, %get3A_1349] : memref<64x128xf32, #tpu.memory_space<vmem>>, vector<1x128xf32>
    %mul3A_1351 = vector.broadcast %get3A_1347 : vector<1x128xf32> to vector<32x128xf32>
    %mul3A_1352 = vector.broadcast %get3A_1 : vector<32x1xf32> to vector<32x128xf32>
    %mul3A_1353 = arith.mulf %mul3A_1351, %mul3A_1352 : vector<32x128xf32>
    %mul3A_1354 = vector.broadcast %get3A_1350 : vector<1x128xf32> to vector<32x128xf32>
    %mul3A_1355 = vector.broadcast %get3A_4 : vector<32x1xf32> to vector<32x128xf32>
    %mul3A_1356 = arith.mulf %mul3A_1354, %mul3A_1355 : vector<32x128xf32>
    %add3A_1357 = arith.addf %mul3A_1353, %mul3A_1356 : vector<32x128xf32>
    %add3A_1358 = vector.broadcast %get3A_7 : vector<32x1xf32> to vector<32x128xf32>
    %add3A_1359 = arith.addf %add3A_1357, %add3A_1358 : vector<32x128xf32>
    %max3A_1360 = arith.constant 0.000000e+00 : f32
    %max3A_1361 = vector.broadcast %max3A_1360 : f32 to vector<32x128xf32>
    %max3A_1362 = arith.maximumf %add3A_1359, %max3A_1361 : vector<32x128xf32>
    %transpose3A_1363 = tpu.transpose %max3A_1362, [1, 0] : vector<32x128xf32> -> vector<128x32xf32>
    %swap3A_1364 = arith.constant 7808 : index
    %swap3A_1365 = arith.constant 0 : index
    %swap3A_1366 = vector.load %arg6[%swap3A_1364, %swap3A_1365] : memref<8192x32xf32, #tpu.memory_space<vmem>>, vector<128x32xf32>
    tpu.vector_store %arg6[%swap3A_1364, %swap3A_1365], %transpose3A_1363 {strides = array<i32>} : memref<8192x32xf32, #tpu.memory_space<vmem>>, vector<128x32xf32>,
    %get3A_1367 = arith.constant 62 : index
    %get3A_1368 = arith.constant 0 : index
    %get3A_1369 = vector.load %arg1[%get3A_1367, %get3A_1368] : memref<64x128xf32, #tpu.memory_space<vmem>>, vector<1x128xf32>
    %get3A_1370 = arith.constant 62 : index
    %get3A_1371 = arith.constant 0 : index
    %get3A_1372 = vector.load %arg2[%get3A_1370, %get3A_1371] : memref<64x128xf32, #tpu.memory_space<vmem>>, vector<1x128xf32>
    %mul3A_1373 = vector.broadcast %get3A_1369 : vector<1x128xf32> to vector<32x128xf32>
    %mul3A_1374 = vector.broadcast %get3A_1 : vector<32x1xf32> to vector<32x128xf32>
    %mul3A_1375 = arith.mulf %mul3A_1373, %mul3A_1374 : vector<32x128xf32>
    %mul3A_1376 = vector.broadcast %get3A_1372 : vector<1x128xf32> to vector<32x128xf32>
    %mul3A_1377 = vector.broadcast %get3A_4 : vector<32x1xf32> to vector<32x128xf32>
    %mul3A_1378 = arith.mulf %mul3A_1376, %mul3A_1377 : vector<32x128xf32>
    %add3A_1379 = arith.addf %mul3A_1375, %mul3A_1378 : vector<32x128xf32>
    %add3A_1380 = vector.broadcast %get3A_7 : vector<32x1xf32> to vector<32x128xf32>
    %add3A_1381 = arith.addf %add3A_1379, %add3A_1380 : vector<32x128xf32>
    %max3A_1382 = arith.constant 0.000000e+00 : f32
    %max3A_1383 = vector.broadcast %max3A_1382 : f32 to vector<32x128xf32>
    %max3A_1384 = arith.maximumf %add3A_1381, %max3A_1383 : vector<32x128xf32>
    %transpose3A_1385 = tpu.transpose %max3A_1384, [1, 0] : vector<32x128xf32> -> vector<128x32xf32>
    %swap3A_1386 = arith.constant 7936 : index
    %swap3A_1387 = arith.constant 0 : index
    %swap3A_1388 = vector.load %arg6[%swap3A_1386, %swap3A_1387] : memref<8192x32xf32, #tpu.memory_space<vmem>>, vector<128x32xf32>
    tpu.vector_store %arg6[%swap3A_1386, %swap3A_1387], %transpose3A_1385 {strides = array<i32>} : memref<8192x32xf32, #tpu.memory_space<vmem>>, vector<128x32xf32>,
    %get3A_1389 = arith.constant 63 : index
    %get3A_1390 = arith.constant 0 : index
    %get3A_1391 = vector.load %arg1[%get3A_1389, %get3A_1390] : memref<64x128xf32, #tpu.memory_space<vmem>>, vector<1x128xf32>
    %get3A_1392 = arith.constant 63 : index
    %get3A_1393 = arith.constant 0 : index
    %get3A_1394 = vector.load %arg2[%get3A_1392, %get3A_1393] : memref<64x128xf32, #tpu.memory_space<vmem>>, vector<1x128xf32>
    %mul3A_1395 = vector.broadcast %get3A_1391 : vector<1x128xf32> to vector<32x128xf32>
    %mul3A_1396 = vector.broadcast %get3A_1 : vector<32x1xf32> to vector<32x128xf32>
    %mul3A_1397 = arith.mulf %mul3A_1395, %mul3A_1396 : vector<32x128xf32>
    %mul3A_1398 = vector.broadcast %get3A_1394 : vector<1x128xf32> to vector<32x128xf32>
    %mul3A_1399 = vector.broadcast %get3A_4 : vector<32x1xf32> to vector<32x128xf32>
    %mul3A_1400 = arith.mulf %mul3A_1398, %mul3A_1399 : vector<32x128xf32>
    %add3A_1401 = arith.addf %mul3A_1397, %mul3A_1400 : vector<32x128xf32>
    %add3A_1402 = vector.broadcast %get3A_7 : vector<32x1xf32> to vector<32x128xf32>
    %add3A_1403 = arith.addf %add3A_1401, %add3A_1402 : vector<32x128xf32>
    %max3A_1404 = arith.constant 0.000000e+00 : f32
    %max3A_1405 = vector.broadcast %max3A_1404 : f32 to vector<32x128xf32>
    %max3A_1406 = arith.maximumf %add3A_1403, %max3A_1405 : vector<32x128xf32>
    %transpose3A_1407 = tpu.transpose %max3A_1406, [1, 0] : vector<32x128xf32> -> vector<128x32xf32>
    %swap3A_1408 = arith.constant 8064 : index
    %swap3A_1409 = arith.constant 0 : index
    %swap3A_1410 = vector.load %arg6[%swap3A_1408, %swap3A_1409] : memref<8192x32xf32, #tpu.memory_space<vmem>>, vector<128x32xf32>
    tpu.vector_store %arg6[%swap3A_1408, %swap3A_1409], %transpose3A_1407 {strides = array<i32>} : memref<8192x32xf32, #tpu.memory_space<vmem>>, vector<128x32xf32>,
    return
  }
  func.func @transform_0(%arg0: i32) -> (i32, i32) {
    %c0_i32 = arith.constant 0 : i32
    %c0_i32_0 = arith.constant 0 : i32
    return %arg0, %c0_i32 : i32, i32
  }
  func.func @transform_1(%arg0: i32) -> (i32, i32) {
    %c0_i32 = arith.constant 0 : i32
    %c0_i32_0 = arith.constant 0 : i32
    return %arg0, %c0_i32 : i32, i32
  }
  func.func @transform_2(%arg0: i32) -> (i32, i32) {
    %c0_i32 = arith.constant 0 : i32
    %c0_i32_0 = arith.constant 0 : i32
    %c0_i32_1 = arith.constant 0 : i32
    return %c0_i32, %c0_i32_0 : i32, i32
  }
  func.func @transform_3(%arg0: i32) -> (i32, i32) {
    %c0_i32 = arith.constant 0 : i32
    %c0_i32_0 = arith.constant 0 : i32
    %c0_i32_1 = arith.constant 0 : i32
    return %c0_i32, %c0_i32_0 : i32, i32
  }
  func.func @transform_4(%arg0: i32) -> (i32, i32) {
    %c0_i32 = arith.constant 0 : i32
    %c0_i32_0 = arith.constant 0 : i32
    %c0_i32_1 = arith.constant 0 : i32
    return %c0_i32, %c0_i32_0 : i32, i32
  }
  func.func @transform_5(%arg0: i32) -> (i32, i32) {
    %c0_i32 = arith.constant 0 : i32
    %c0_i32_0 = arith.constant 0 : i32
    return %arg0, %c0_i32 : i32, i32
  }
}

module attributes {stable_mosaic.version = 14 : i64} {
  func.func @_tc_table_body(%arg0: i32, %arg1: memref<1600x2xf32, #tpu.memory_space<vmem>>, %arg2: memref<2x32xf32, #tpu.memory_space<vmem>>, %arg3: memref<1x32xf32, #tpu.memory_space<vmem>>, %arg4: memref<1600x32xf32, #tpu.memory_space<vmem>>) attributes {dimension_semantics = [#tpu.dimension_semantics<arbitrary>], iteration_bounds = array<i64: 32>, scalar_prefetch = 0 : i64, scratch_operands = 0 : i64, tpu.core_type = #tpu.core_type<tc>, window_params = [{transform_indices = @transform_0, window_bounds = array<i64: 1600, 2>}, {pipeline_mode = #tpu.pipeline_mode<synchronous>, transform_indices = @transform_1, window_bounds = array<i64: 2, 32>}, {pipeline_mode = #tpu.pipeline_mode<synchronous>, transform_indices = @transform_2, window_bounds = array<i64: 1, 32>}, {transform_indices = @transform_3, window_bounds = array<i64: 1600, 32>}]} {
    %get3A = arith.constant 0 : index
    %get3A_0 = arith.constant 0 : index
    %get3A_1 = vector.load %arg1[%get3A, %get3A_0] : memref<1600x2xf32, #tpu.memory_space<vmem>>, vector<1600x2xf32>
    %get3A_2 = arith.constant 0 : index
    %get3A_3 = arith.constant 0 : index
    %get3A_4 = vector.load %arg2[%get3A_2, %get3A_3] : memref<2x32xf32, #tpu.memory_space<vmem>>, vector<2x32xf32>
    %slice3A = vector.extract_strided_slice %get3A_1 {offsets = [0, 0], sizes = [1600, 1], strides = [1, 1]} : vector<1600x2xf32> to vector<1600x1xf32>
    %slice3A_5 = vector.extract_strided_slice %get3A_4 {offsets = [0, 0], sizes = [1, 32], strides = [1, 1]} : vector<2x32xf32> to vector<1x32xf32>
    %mul3A = vector.broadcast %slice3A : vector<1600x1xf32> to vector<1600x32xf32>
    %mul3A_6 = vector.broadcast %slice3A_5 : vector<1x32xf32> to vector<1600x32xf32>
    %mul3A_7 = arith.mulf %mul3A, %mul3A_6 : vector<1600x32xf32>
    %slice3A_8 = vector.extract_strided_slice %get3A_1 {offsets = [0, 1], sizes = [1600, 1], strides = [1, 1]} : vector<1600x2xf32> to vector<1600x1xf32>
    %slice3A_9 = vector.extract_strided_slice %get3A_4 {offsets = [1, 0], sizes = [1, 32], strides = [1, 1]} : vector<2x32xf32> to vector<1x32xf32>
    %mul3A_10 = vector.broadcast %slice3A_8 : vector<1600x1xf32> to vector<1600x32xf32>
    %mul3A_11 = vector.broadcast %slice3A_9 : vector<1x32xf32> to vector<1600x32xf32>
    %mul3A_12 = arith.mulf %mul3A_10, %mul3A_11 : vector<1600x32xf32>
    %add3A = arith.addf %mul3A_7, %mul3A_12 : vector<1600x32xf32>
    %get3A_13 = arith.constant 0 : index
    %get3A_14 = arith.constant 0 : index
    %get3A_15 = vector.load %arg3[%get3A_13, %get3A_14] : memref<1x32xf32, #tpu.memory_space<vmem>>, vector<1x32xf32>
    %add3A_16 = vector.broadcast %get3A_15 : vector<1x32xf32> to vector<1600x32xf32>
    %add3A_17 = arith.addf %add3A, %add3A_16 : vector<1600x32xf32>
    %max3A = arith.constant 0.000000e+00 : f32
    %max3A_18 = vector.broadcast %max3A : f32 to vector<1600x32xf32>
    %max3A_19 = arith.maximumf %add3A_17, %max3A_18 : vector<1600x32xf32>
    %swap3A = arith.constant 0 : index
    %swap3A_20 = arith.constant 0 : index
    %swap3A_21 = vector.load %arg4[%swap3A, %swap3A_20] : memref<1600x32xf32, #tpu.memory_space<vmem>>, vector<1600x32xf32>
    tpu.vector_store %arg4[%swap3A, %swap3A_20], %max3A_19 {strides = array<i32>} : memref<1600x32xf32, #tpu.memory_space<vmem>>, vector<1600x32xf32>,
    return
  }
  func.func @transform_0(%arg0: i32) -> (i32, i32) {
    %c0_i32 = arith.constant 0 : i32
    %c0_i32_0 = arith.constant 0 : i32
    return %arg0, %c0_i32 : i32, i32
  }
  func.func @transform_1(%arg0: i32) -> (i32, i32) {
    %c0_i32 = arith.constant 0 : i32
    %c0_i32_0 = arith.constant 0 : i32
    %c0_i32_1 = arith.constant 0 : i32
    return %c0_i32, %c0_i32_0 : i32, i32
  }
  func.func @transform_2(%arg0: i32) -> (i32, i32) {
    %c0_i32 = arith.constant 0 : i32
    %c0_i32_0 = arith.constant 0 : i32
    %c0_i32_1 = arith.constant 0 : i32
    return %c0_i32, %c0_i32_0 : i32, i32
  }
  func.func @transform_3(%arg0: i32) -> (i32, i32) {
    %c0_i32 = arith.constant 0 : i32
    %c0_i32_0 = arith.constant 0 : i32
    return %arg0, %c0_i32 : i32, i32
  }
}

module attributes {stable_mosaic.version = 14 : i64} {
  func.func @_tc_post_body(%arg0: i32, %arg1: memref<1600x2xf32, #tpu.memory_space<vmem>>, %arg2: memref<1600x32xf32, #tpu.memory_space<vmem>>, %arg3: memref<1600x32xf32, #tpu.memory_space<vmem>>, %arg4: memref<1600x32xf32, #tpu.memory_space<vmem>>, %arg5: memref<1600x1xf32, #tpu.memory_space<vmem>>, %arg6: memref<1600x1xf32, #tpu.memory_space<vmem>>, %arg7: memref<2x16xf32, #tpu.memory_space<vmem>>, %arg8: memref<32x16xf32, #tpu.memory_space<vmem>>, %arg9: memref<1x16xf32, #tpu.memory_space<vmem>>, %arg10: memref<1x16xf32, #tpu.memory_space<vmem>>, %arg11: memref<1x1xf32, #tpu.memory_space<vmem>>, %arg12: memref<2x32xf32, #tpu.memory_space<vmem>>, %arg13: memref<1x32xf32, #tpu.memory_space<vmem>>, %arg14: memref<1600x2xf32, #tpu.memory_space<vmem>>, %arg15: memref<1600x32xf32, #tpu.memory_space<vmem>>) attributes {dimension_semantics = [#tpu.dimension_semantics<arbitrary>], iteration_bounds = array<i64: 32>, scalar_prefetch = 0 : i64, scratch_operands = 0 : i64, tpu.core_type = #tpu.core_type<tc>, window_params = [{transform_indices = @transform_0, window_bounds = array<i64: 1600, 2>}, {transform_indices = @transform_1, window_bounds = array<i64: 1600, 32>}, {transform_indices = @transform_2, window_bounds = array<i64: 1600, 32>}, {transform_indices = @transform_3, window_bounds = array<i64: 1600, 32>}, {transform_indices = @transform_4, window_bounds = array<i64: 1600, 1>}, {transform_indices = @transform_5, window_bounds = array<i64: 1600, 1>}, {pipeline_mode = #tpu.pipeline_mode<synchronous>, transform_indices = @transform_6, window_bounds = array<i64: 2, 16>}, {pipeline_mode = #tpu.pipeline_mode<synchronous>, transform_indices = @transform_7, window_bounds = array<i64: 32, 16>}, {pipeline_mode = #tpu.pipeline_mode<synchronous>, transform_indices = @transform_8, window_bounds = array<i64: 1, 16>}, {pipeline_mode = #tpu.pipeline_mode<synchronous>, transform_indices = @transform_9, window_bounds = array<i64: 1, 16>}, {pipeline_mode = #tpu.pipeline_mode<synchronous>, transform_indices = @transform_10, window_bounds = array<i64: 1, 1>}, {pipeline_mode = #tpu.pipeline_mode<synchronous>, transform_indices = @transform_11, window_bounds = array<i64: 2, 32>}, {pipeline_mode = #tpu.pipeline_mode<synchronous>, transform_indices = @transform_12, window_bounds = array<i64: 1, 32>}, {transform_indices = @transform_13, window_bounds = array<i64: 1600, 2>}, {transform_indices = @transform_14, window_bounds = array<i64: 1600, 32>}]} {
    %get3A = arith.constant 0 : index
    %get3A_0 = arith.constant 0 : index
    %get3A_1 = vector.load %arg1[%get3A, %get3A_0] : memref<1600x2xf32, #tpu.memory_space<vmem>>, vector<1600x2xf32>
    %get3A_2 = arith.constant 0 : index
    %get3A_3 = arith.constant 0 : index
    %get3A_4 = vector.load %arg5[%get3A_2, %get3A_3] : memref<1600x1xf32, #tpu.memory_space<vmem>>, vector<1600x1xf32>
    %get3A_5 = arith.constant 0 : index
    %get3A_6 = arith.constant 0 : index
    %get3A_7 = vector.load %arg6[%get3A_5, %get3A_6] : memref<1600x1xf32, #tpu.memory_space<vmem>>, vector<1600x1xf32>
    %add3A = arith.addf %get3A_4, %get3A_7 : vector<1600x1xf32>
    %max3A = arith.constant 1.000000e+00 : f32
    %max3A_8 = vector.broadcast %max3A : f32 to vector<1600x1xf32>
    %max3A_9 = arith.maximumf %add3A, %max3A_8 : vector<1600x1xf32>
    %div3A = arith.constant 1.000000e+00 : f32
    %div3A_10 = vector.broadcast %div3A : f32 to vector<1600x1xf32>
    %div3A_11 = arith.divf %div3A_10, %max3A_9 : vector<1600x1xf32>
    %get3A_12 = arith.constant 0 : index
    %get3A_13 = arith.constant 0 : index
    %get3A_14 = vector.load %arg3[%get3A_12, %get3A_13] : memref<1600x32xf32, #tpu.memory_space<vmem>>, vector<1600x32xf32>
    %get3A_15 = arith.constant 0 : index
    %get3A_16 = arith.constant 0 : index
    %get3A_17 = vector.load %arg4[%get3A_15, %get3A_16] : memref<1600x32xf32, #tpu.memory_space<vmem>>, vector<1600x32xf32>
    %add3A_18 = arith.addf %get3A_14, %get3A_17 : vector<1600x32xf32>
    %mul3A = vector.broadcast %div3A_11 : vector<1600x1xf32> to vector<1600x32xf32>
    %mul3A_19 = arith.mulf %add3A_18, %mul3A : vector<1600x32xf32>
    %get3A_20 = arith.constant 0 : index
    %get3A_21 = arith.constant 0 : index
    %get3A_22 = vector.load %arg2[%get3A_20, %get3A_21] : memref<1600x32xf32, #tpu.memory_space<vmem>>, vector<1600x32xf32>
    %add3A_23 = arith.addf %mul3A_19, %get3A_22 : vector<1600x32xf32>
    %get3A_24 = arith.constant 0 : index
    %get3A_25 = arith.constant 0 : index
    %get3A_26 = vector.load %arg7[%get3A_24, %get3A_25] : memref<2x16xf32, #tpu.memory_space<vmem>>, vector<2x16xf32>
    %slice3A = vector.extract_strided_slice %get3A_1 {offsets = [0, 0], sizes = [1600, 1], strides = [1, 1]} : vector<1600x2xf32> to vector<1600x1xf32>
    %slice3A_27 = vector.extract_strided_slice %get3A_26 {offsets = [0, 0], sizes = [1, 16], strides = [1, 1]} : vector<2x16xf32> to vector<1x16xf32>
    %mul3A_28 = vector.broadcast %slice3A : vector<1600x1xf32> to vector<1600x16xf32>
    %mul3A_29 = vector.broadcast %slice3A_27 : vector<1x16xf32> to vector<1600x16xf32>
    %mul3A_30 = arith.mulf %mul3A_28, %mul3A_29 : vector<1600x16xf32>
    %slice3A_31 = vector.extract_strided_slice %get3A_1 {offsets = [0, 1], sizes = [1600, 1], strides = [1, 1]} : vector<1600x2xf32> to vector<1600x1xf32>
    %slice3A_32 = vector.extract_strided_slice %get3A_26 {offsets = [1, 0], sizes = [1, 16], strides = [1, 1]} : vector<2x16xf32> to vector<1x16xf32>
    %mul3A_33 = vector.broadcast %slice3A_31 : vector<1600x1xf32> to vector<1600x16xf32>
    %mul3A_34 = vector.broadcast %slice3A_32 : vector<1x16xf32> to vector<1600x16xf32>
    %mul3A_35 = arith.mulf %mul3A_33, %mul3A_34 : vector<1600x16xf32>
    %add3A_36 = arith.addf %mul3A_30, %mul3A_35 : vector<1600x16xf32>
    %get3A_37 = arith.constant 0 : index
    %get3A_38 = arith.constant 0 : index
    %get3A_39 = vector.load %arg8[%get3A_37, %get3A_38] : memref<32x16xf32, #tpu.memory_space<vmem>>, vector<32x16xf32>
    %dot_general3A = arith.constant dense<0.000000e+00> : vector<1600x16xf32>
    %dot_general3A_40 = tpu.matmul %add3A_23, %get3A_39, %dot_general3A {dimension_numbers = #tpu.dot_dimension_numbers<[1], [0], [0], [1], [0, 0, 1, 1], [], []>, transpose_lhs_hint = false} : vector<1600x32xf32>, vector<32x16xf32>, vector<1600x16xf32> -> vector<1600x16xf32>
    %add3A_41 = arith.addf %add3A_36, %dot_general3A_40 : vector<1600x16xf32>
    %get3A_42 = arith.constant 0 : index
    %get3A_43 = arith.constant 0 : index
    %get3A_44 = vector.load %arg9[%get3A_42, %get3A_43] : memref<1x16xf32, #tpu.memory_space<vmem>>, vector<1x16xf32>
    %add3A_45 = vector.broadcast %get3A_44 : vector<1x16xf32> to vector<1600x16xf32>
    %add3A_46 = arith.addf %add3A_41, %add3A_45 : vector<1600x16xf32>
    %max3A_47 = arith.constant 0.000000e+00 : f32
    %max3A_48 = vector.broadcast %max3A_47 : f32 to vector<1600x16xf32>
    %max3A_49 = arith.maximumf %add3A_46, %max3A_48 : vector<1600x16xf32>
    %get3A_50 = arith.constant 0 : index
    %get3A_51 = arith.constant 0 : index
    %get3A_52 = vector.load %arg10[%get3A_50, %get3A_51] : memref<1x16xf32, #tpu.memory_space<vmem>>, vector<1x16xf32>
    %mul3A_53 = vector.broadcast %get3A_52 : vector<1x16xf32> to vector<1600x16xf32>
    %mul3A_54 = arith.mulf %max3A_49, %mul3A_53 : vector<1600x16xf32>
    %reduce_sum3A = arith.constant dense<0.000000e+00> : vector<1600xf32>
    %reduce_sum3A_55 = vector.multi_reduction <add>, %mul3A_54, %reduce_sum3A [1] : vector<1600x16xf32> to vector<1600xf32>
    %broadcast_in_dim3A = vector.shape_cast %reduce_sum3A_55 : vector<1600xf32> to vector<1600x1xf32>
    %get3A_56 = arith.constant 0 : index
    %get3A_57 = arith.constant 0 : index
    %get3A_58 = vector.load %arg11[%get3A_56, %get3A_57] : memref<1x1xf32, #tpu.memory_space<vmem>>, vector<1x1xf32>
    %add3A_59 = vector.broadcast %get3A_58 : vector<1x1xf32> to vector<1600x1xf32>
    %add3A_60 = arith.addf %broadcast_in_dim3A, %add3A_59 : vector<1600x1xf32>
    %logistic3A = arith.negf %add3A_60 : vector<1600x1xf32>
    %logistic3A_61 = math.exp %logistic3A : vector<1600x1xf32>
    %logistic3A_62 = arith.constant 1.000000e+00 : f32
    %logistic3A_63 = vector.broadcast %logistic3A_62 : f32 to vector<1600x1xf32>
    %logistic3A_64 = arith.addf %logistic3A_63, %logistic3A_61 : vector<1600x1xf32>
    %logistic3A_65 = arith.divf %logistic3A_63, %logistic3A_64 : vector<1600x1xf32>
    %slice3A_66 = vector.extract_strided_slice %get3A_1 {offsets = [0, 0], sizes = [1600, 1], strides = [1, 1]} : vector<1600x2xf32> to vector<1600x1xf32>
    %swap3A = arith.constant 0 : index
    %swap3A_67 = arith.constant 0 : index
    %swap3A_68 = vector.load %arg14[%swap3A, %swap3A_67] : memref<1600x2xf32, #tpu.memory_space<vmem>>, vector<1600x1xf32>
    tpu.vector_store %arg14[%swap3A, %swap3A_67], %slice3A_66 {strides = array<i32>} : memref<1600x2xf32, #tpu.memory_space<vmem>>, vector<1600x1xf32>,
    %swap3A_69 = arith.constant 0 : index
    %swap3A_70 = arith.constant 1 : index
    %swap3A_71 = vector.load %arg14[%swap3A_69, %swap3A_70] : memref<1600x2xf32, #tpu.memory_space<vmem>>, vector<1600x1xf32>
    tpu.vector_store %arg14[%swap3A_69, %swap3A_70], %logistic3A_65 {strides = array<i32>} : memref<1600x2xf32, #tpu.memory_space<vmem>>, vector<1600x1xf32>,
    %get3A_72 = arith.constant 0 : index
    %get3A_73 = arith.constant 0 : index
    %get3A_74 = vector.load %arg12[%get3A_72, %get3A_73] : memref<2x32xf32, #tpu.memory_space<vmem>>, vector<2x32xf32>
    %slice3A_75 = vector.extract_strided_slice %get3A_1 {offsets = [0, 0], sizes = [1600, 1], strides = [1, 1]} : vector<1600x2xf32> to vector<1600x1xf32>
    %slice3A_76 = vector.extract_strided_slice %get3A_74 {offsets = [0, 0], sizes = [1, 32], strides = [1, 1]} : vector<2x32xf32> to vector<1x32xf32>
    %mul3A_77 = vector.broadcast %slice3A_75 : vector<1600x1xf32> to vector<1600x32xf32>
    %mul3A_78 = vector.broadcast %slice3A_76 : vector<1x32xf32> to vector<1600x32xf32>
    %mul3A_79 = arith.mulf %mul3A_77, %mul3A_78 : vector<1600x32xf32>
    %slice3A_80 = vector.extract_strided_slice %get3A_74 {offsets = [1, 0], sizes = [1, 32], strides = [1, 1]} : vector<2x32xf32> to vector<1x32xf32>
    %mul3A_81 = vector.broadcast %logistic3A_65 : vector<1600x1xf32> to vector<1600x32xf32>
    %mul3A_82 = vector.broadcast %slice3A_80 : vector<1x32xf32> to vector<1600x32xf32>
    %mul3A_83 = arith.mulf %mul3A_81, %mul3A_82 : vector<1600x32xf32>
    %add3A_84 = arith.addf %mul3A_79, %mul3A_83 : vector<1600x32xf32>
    %get3A_85 = arith.constant 0 : index
    %get3A_86 = arith.constant 0 : index
    %get3A_87 = vector.load %arg13[%get3A_85, %get3A_86] : memref<1x32xf32, #tpu.memory_space<vmem>>, vector<1x32xf32>
    %add3A_88 = vector.broadcast %get3A_87 : vector<1x32xf32> to vector<1600x32xf32>
    %add3A_89 = arith.addf %add3A_84, %add3A_88 : vector<1600x32xf32>
    %max3A_90 = arith.constant 0.000000e+00 : f32
    %max3A_91 = vector.broadcast %max3A_90 : f32 to vector<1600x32xf32>
    %max3A_92 = arith.maximumf %add3A_89, %max3A_91 : vector<1600x32xf32>
    %swap3A_93 = arith.constant 0 : index
    %swap3A_94 = arith.constant 0 : index
    %swap3A_95 = vector.load %arg15[%swap3A_93, %swap3A_94] : memref<1600x32xf32, #tpu.memory_space<vmem>>, vector<1600x32xf32>
    tpu.vector_store %arg15[%swap3A_93, %swap3A_94], %max3A_92 {strides = array<i32>} : memref<1600x32xf32, #tpu.memory_space<vmem>>, vector<1600x32xf32>,
    return
  }
  func.func @transform_0(%arg0: i32) -> (i32, i32) {
    %c0_i32 = arith.constant 0 : i32
    %c0_i32_0 = arith.constant 0 : i32
    return %arg0, %c0_i32 : i32, i32
  }
  func.func @transform_1(%arg0: i32) -> (i32, i32) {
    %c0_i32 = arith.constant 0 : i32
    %c0_i32_0 = arith.constant 0 : i32
    return %arg0, %c0_i32 : i32, i32
  }
  func.func @transform_2(%arg0: i32) -> (i32, i32) {
    %c0_i32 = arith.constant 0 : i32
    %c0_i32_0 = arith.constant 0 : i32
    return %arg0, %c0_i32 : i32, i32
  }
  func.func @transform_3(%arg0: i32) -> (i32, i32) {
    %c0_i32 = arith.constant 0 : i32
    %c0_i32_0 = arith.constant 0 : i32
    return %arg0, %c0_i32 : i32, i32
  }
  func.func @transform_4(%arg0: i32) -> (i32, i32) {
    %c0_i32 = arith.constant 0 : i32
    %c0_i32_0 = arith.constant 0 : i32
    return %arg0, %c0_i32 : i32, i32
  }
  func.func @transform_5(%arg0: i32) -> (i32, i32) {
    %c0_i32 = arith.constant 0 : i32
    %c0_i32_0 = arith.constant 0 : i32
    return %arg0, %c0_i32 : i32, i32
  }
  func.func @transform_6(%arg0: i32) -> (i32, i32) {
    %c0_i32 = arith.constant 0 : i32
    %c0_i32_0 = arith.constant 0 : i32
    %c0_i32_1 = arith.constant 0 : i32
    return %c0_i32, %c0_i32_0 : i32, i32
  }
  func.func @transform_7(%arg0: i32) -> (i32, i32) {
    %c0_i32 = arith.constant 0 : i32
    %c0_i32_0 = arith.constant 0 : i32
    %c0_i32_1 = arith.constant 0 : i32
    return %c0_i32, %c0_i32_0 : i32, i32
  }
  func.func @transform_8(%arg0: i32) -> (i32, i32) {
    %c0_i32 = arith.constant 0 : i32
    %c0_i32_0 = arith.constant 0 : i32
    %c0_i32_1 = arith.constant 0 : i32
    return %c0_i32, %c0_i32_0 : i32, i32
  }
  func.func @transform_9(%arg0: i32) -> (i32, i32) {
    %c0_i32 = arith.constant 0 : i32
    %c0_i32_0 = arith.constant 0 : i32
    %c0_i32_1 = arith.constant 0 : i32
    return %c0_i32, %c0_i32_0 : i32, i32
  }
  func.func @transform_10(%arg0: i32) -> (i32, i32) {
    %c0_i32 = arith.constant 0 : i32
    %c0_i32_0 = arith.constant 0 : i32
    %c0_i32_1 = arith.constant 0 : i32
    return %c0_i32, %c0_i32_0 : i32, i32
  }
  func.func @transform_11(%arg0: i32) -> (i32, i32) {
    %c0_i32 = arith.constant 0 : i32
    %c0_i32_0 = arith.constant 0 : i32
    %c0_i32_1 = arith.constant 0 : i32
    return %c0_i32, %c0_i32_0 : i32, i32
  }
  func.func @transform_12(%arg0: i32) -> (i32, i32) {
    %c0_i32 = arith.constant 0 : i32
    %c0_i32_0 = arith.constant 0 : i32
    %c0_i32_1 = arith.constant 0 : i32
    return %c0_i32, %c0_i32_0 : i32, i32
  }
  func.func @transform_13(%arg0: i32) -> (i32, i32) {
    %c0_i32 = arith.constant 0 : i32
    %c0_i32_0 = arith.constant 0 : i32
    return %arg0, %c0_i32 : i32, i32
  }
  func.func @transform_14(%arg0: i32) -> (i32, i32) {
    %c0_i32 = arith.constant 0 : i32
    %c0_i32_0 = arith.constant 0 : i32
    return %arg0, %c0_i32 : i32, i32
  }
}

</mosaic_0001>

<sc_bundles>
// kernel: rgcn_sc.3.cloned.1.call-start
scs
__scs_entry_jumppad:
0x0: {  	(pc) =	sbr.rel $0x88, $3  }
0x1: {  	(tag) =	ssettag $0x0;
	lr =	simm.s32 $0x1  }
0x2: {  	[smem:$0x3F8E] =	sst lr;
	_ =	strace $0xD0000000  }
0x3: {  	_ = 	snop  }
0x4: {  	_ = 	snop  }
0x5: {  	_ = 	snop  }
0x6: {  	_ = 	snop  }
0x7: {  	_ = 	snop  }
__scs_overlays_trampoline_lowered:
0x8: {  	[smem:$0x3F9D] =	sst s0  }
0x9: {  	[smem:$0x3F9E] =	sst s1  }
0xa: {  	[smem:$0x3F9F] =	sst s2  }
0xb: {  	[smem:$0x3FA0] =	sst s3  }
0xc: {  	[smem:$0x3FA1] =	sst s4  }
0xd: {  	[smem:$0x3FA2] =	sst s5  }
0xe: {  	[smem:$0x3FA3] =	sst s6  }
0xf: {  	[smem:$0x3FA4] =	sst s7  }
0x10: {  	[smem:$0x3FA5] =	sst s8  }
0x11: {  	[smem:$0x3FA6] =	sst s9;
	s0 =	simm.s32 @!p0 $0x0  }
0x12: {  	s1 =	sld [smem:$0x3F8C];
	s0 =	simm.s32 @p0 $0x1  }
0x13: {  	[smem:$0x3FA7] =	sst s0;
	s0 =	simm.s32 @!p1 $0x0  }
0x14: {  	s2 =	sld [smem:$0x3F8B];
	s0 =	simm.s32 @p1 $0x1  }
0x15: {  	[smem:$0x3FA8] =	sst s0;
	s0 =	simm.s32 @!p2 $0x0  }
0x16: {  	s3 =	sld [smem:$0x3FDB];
	s0 =	simm.s32 @p2 $0x1  }
0x17: {  	s4 =	simm.s32 $0x1BF5;
	[smem:$0x3FAA] =	sst s0  }
0x18: {  	s0 =	sld [smem:$0x3F8D];
	_ =	swait.ge [sflag:s4], $0x0  }
0x19: {  	s7 =	sld [smem:$0x3F8E]  }
0x1a: {  	s8 =	sadd.s32 $0xFFFFE003, lr  }
0x1b: {  	s9 =	sadd.s32 $0xFFFFFEF7, lr;
	s5 =	simm.s32 $0xFFFFFFFF;
	p2 =	slt.u32 s8, $0xFFFFF086  }
0x1c: {  	p1 =	slt.u32 s9, $0xF7A;
	s5 =	simm.s32 @!p2 $0x0  }
0x1d: {  	s5 =	simm.s32 @p1 $0x1;
	p0 =	seq.s32 s7, s2  }
0x1e: {  	s7 =	smul.u32 @!p0 $0xF7A, s2;
	p2 =	seq.s32 @!p0 s5, $0x0  }
0x1f: {  	s9 =	smul.u32 $0xF7A, s1;
	s8 =	simm.s32 @!p0 $0x1BF5;
	p2 =	por !p2, p0  }
0x20: {  	[sflag:s8] =	ssyncset.s32 @!p0 $0xFFFFF086;
	s6 =	sadd.s32 @!p0 s3, s7;
	s7 =	simm.s32 @!p0 $0x108  }
0x21: {  	s3 =	sadd.s32 s3, s9;
	s6 =	sadd.s32 @!p0 $0x88, s6;
	s7 =	simm.s32 @p2 $0x1082  }
0x22: {  	[simem:s7], [sflag:s8] =	dma.local @!p0 [hbm:s6], $0xF7A  }
0x23: {  	s9 =	sor.u32 $0xD0000000, s2;
	s6 =	simm.s32 $0x108;
	_ =	swait.ge @!p0 [sflag:s8], $0x0  }
0x24: {  	s3 =	sadd.s32 $0x88, s3;
	s6 =	simm.s32 @!p1 $0x1082;
	[sflag:s4] =	ssyncset.s32 $0xFFFFF086  }
0x25: {  	[simem:s6], [sflag:s4] =	dma.local [hbm:s3], $0xF7A  }
0x26: {  	[smem:$0x3F8E] =	sst s1;
	(tag) =	ssettag s2;
	_ =	strace s9  }
0x27: {  	s1 =	sld [smem:$0x3F9E]  }
0x28: {  	s2 =	sld [smem:$0x3F9F]  }
0x29: {  	s4 =	sld [smem:$0x3FA1]  }
0x2a: {  	p0 =	seq.s32 s5, $0x0;
	s5 =	sld [smem:$0x3FA2]  }
0x2b: {  	s6 =	sld [smem:$0x3FA3]  }
0x2c: {  	s7 =	sld [smem:$0x3FA4]  }
0x2d: {  	s3 =	simm.s32 $0x108;
	s8 =	sld [smem:$0x3FA5]  }
0x2e: {  	s3 =	simm.s32 @!p0 $0x1082;
	s9 =	sld [smem:$0x3FA6]  }
0x2f: {  	lr =	sadd.s32 s0, s3;
	s0 =	sld [smem:$0x3F9D]  }
0x30: {  	s3 =	sld [smem:$0x3FA0]  }
0x31: {  	[smem:$0x3FA9] =	sst s10  }
0x32: {  	s10 =	sld [smem:$0x3FA7];
	_ =	sdelay $0x3  }
0x33: {  	p0 =	seq.s32 s10, $0x1;
	s10 =	sld [smem:$0x3FA9];
	_ =	sdelay $0x3  }
0x34: {  	[smem:$0x3FA9] =	sst s10  }
0x35: {  	s10 =	sld [smem:$0x3FA8];
	_ =	sdelay $0x3  }
0x36: {  	p1 =	seq.s32 s10, $0x1;
	s10 =	sld [smem:$0x3FA9];
	_ =	sdelay $0x3  }
0x37: {  	[smem:$0x3FA9] =	sst s10  }
0x38: {  	s10 =	sld [smem:$0x3FAA]  }
0x39: {  	_ = 	snop;
	(pc) =	sbr.ind lr, $3  }
0x3a: {  	_ = 	snop  }
0x3b: {  	_ = 	snop  }
0x3c: {  	p2 =	seq.s32 s10, $0x1;
	s10 =	sld [smem:$0x3FA9]  }
0x3d: {  	_ =	shalt  }
0x3e: {  	_ =	shalt  }
0x3f: {  	_ =	shalt  }
0x40: {  	_ =	shalt  }
0x41: {  	_ =	shalt  }
0x42: {  	_ =	shalt  }
0x43: {  	_ =	shalt  }
0x44: {  	_ =	shalt  }
0x45: {  	_ =	shalt  }
0x46: {  	_ =	shalt  }
0x47: {  	_ =	shalt  }
0x48: {  	_ =	shalt  }
0x49: {  	_ =	shalt  }
0x4a: {  	_ =	shalt  }
0x4b: {  	_ =	shalt  }
0x4c: {  	_ =	shalt  }
0x4d: {  	_ =	shalt  }
0x4e: {  	_ =	shalt  }
0x4f: {  	_ =	shalt  }
0x50: {  	_ =	shalt  }
0x51: {  	_ =	shalt  }
0x52: {  	_ =	shalt  }
0x53: {  	_ =	shalt  }
0x54: {  	_ =	shalt  }
0x55: {  	_ =	shalt  }
0x56: {  	_ =	shalt  }
0x57: {  	_ =	shalt  }
0x58: {  	_ =	shalt  }
0x59: {  	_ =	shalt  }
0x5a: {  	_ =	shalt  }
0x5b: {  	_ =	shalt  }
0x5c: {  	_ =	shalt  }
0x5d: {  	_ =	shalt  }
0x5e: {  	_ =	shalt  }
0x5f: {  	_ =	shalt  }
0x60: {  	_ =	shalt  }
0x61: {  	_ =	shalt  }
0x62: {  	_ =	shalt  }
0x63: {  	_ =	shalt  }
0x64: {  	_ =	shalt  }
0x65: {  	_ =	shalt  }
0x66: {  	_ =	shalt  }
0x67: {  	_ =	shalt  }
0x68: {  	_ =	shalt  }
0x69: {  	_ =	shalt  }
0x6a: {  	_ =	shalt  }
0x6b: {  	_ =	shalt  }
0x6c: {  	_ =	shalt  }
0x6d: {  	_ =	shalt  }
0x6e: {  	_ =	shalt  }
0x6f: {  	_ =	shalt  }
0x70: {  	_ =	shalt  }
0x71: {  	_ =	shalt  }
0x72: {  	_ =	shalt  }
0x73: {  	_ =	shalt  }
0x74: {  	_ =	shalt  }
0x75: {  	_ =	shalt  }
0x76: {  	_ =	shalt  }
0x77: {  	_ =	shalt  }
0x78: {  	_ =	shalt  }
0x79: {  	_ =	shalt  }
0x7a: {  	_ =	shalt  }
0x7b: {  	_ =	shalt  }
0x7c: {  	_ =	shalt  }
0x7d: {  	_ =	shalt  }
0x7e: {  	_ =	shalt  }
0x7f: {  	_ =	shalt  }
0x80: {  	_ =	shalt  }
0x81: {  	_ =	shalt  }
0x82: {  	_ =	shalt  }
0x83: {  	_ =	shalt  }
0x84: {  	_ =	shalt  }
0x85: {  	_ =	shalt  }
0x86: {  	_ =	shalt  }
0x87: {  	_ =	shalt  }
.Lfunc_end0:
.L_simem_size_0:
called_computation.1_lowered:
.L_overlay_start_0:
0x88: {  	s2 =	sld [smem:$0x3FD9]  }
0x89: {  	s3 =	sld [smem:$0x3FFE];
	_ =	sdelay $0x1  }
0x8a: {  	s1 =	srdreg.scid  }
0x8b: {  	s0 =	sand.u32 $0x1, s1  }
0x8c: {  	s16 =	sshll.u32 s0, $0xA;
	s2 =	sadd.s32 s3, s2  }
0x8d: {  	s2 =	sadd.s32 s2, s16  }
0x8e: {  	[smem:$0x3FB5] =	sst s2  }
0x8f: {  	_ = 	snop  }
0x90: {  	(tm) =	ssettm $0x1  }
0x91: {  	s17 =	sld [smem:$0x3FFB];
	_ =	sdelay $0x3  }
0x92: {  	_ =	strace s17  }
0x93: {  	s2 =	sld [smem:$0x3FFC];
	_ =	sdelay $0x3  }
0x94: {  	_ =	strace s2  }
0x95: {  	s2 =	sld [smem:$0x3FFD];
	_ =	sdelay $0x3  }
0x96: {  	_ =	strace s2  }
0x97: {  	_ =	strace $0x8FFFFFFF  }
0x98: {  	s18 =	sld [smem:$0x3FDB];
	_ =	sdelay $0x1  }
0x99: {  	s19 =	simm.s32 $_scs_section_size  }
0x9a: {  	s4 =	simm.s32 $_size__tile_overlayer_lowered;
	s5 =	simm.s32 $_tile_overlayer_lowered  }
0x9b: {  	s22 =	simm.s32 $0x1BFF;
	s21 =	sshll.u32 s5, $0x1;
	s2 =	sadd.s32 s19, s18  }
0x9c: {  	s6 =	simm.s32 $0x0;
	s20 =	sshll.u32 s4, $0x1;
	s4 =	sadd.s32 s21, s2  }
0x9d: {  	[timem:s6], [sflag:s22] =	dma.local [hbm:s4], s20  }
0x9e: {  	_ =	swait.ge [sflag:s22], s20  }
0x9f: {  	s3 =	ssub.s32 $0x0, s20;
	[sflag:s22] =	ssyncset.done $0x0  }
0xa0: {  	[sflag:s22] =	ssyncadd.s32 s3;
	_ =	sdelay $0x1  }
0xa1: {  	s23 =	simm.s32 $0x1B8B  }
0xa2: {  	_ =	swait.ge [sflag:s23], $0x1  }
0xa3: {  	[sflag:s23] =	ssyncset.done $0x0  }
0xa4: {  	s25 =	simm.s32 $0x1B8E;
	s24 =	sld [smem:$0x3FFE];
	[sflag:s23] =	ssyncadd.s32 $0xFFFFFFFF  }
0xa5: {  	s26 =	simm.s32 $execute0_lowered;
	[smem:$0x3FD2] =	sst s25  }
0xa6: {  	s4 =	sshll.u32 s26, $0x1;
	_ =	strace $0x80000049;
	[dreg:$0x1] =	wrdreg $0xFFFFFFFF  }
0xa7: {  	s28 =	simm.s32 $_size_execute0_lowered;
	s2 =	sadd.s32 s2, s4;
	[dreg:$0x0] =	wrdreg $0x0  }
0xa8: {  	s4 =	sshll.u32 s28, $0x1;
	[dreg:$0x2] =	wrdreg s2  }
0xa9: {  	[dreg:$0x3] =	wrdreg s4  }
0xaa: {  	[dreg:$0x4] =	wrdreg $0xC0  }
0xab: {  	_ =	task [dreg:s6], $0x5FFFF  }
0xac: {  	[dreg:$0x1] =	wrdreg $0xFFFFFFFF  }
0xad: {  	[dreg:$0x0] =	wrdreg $0x60  }
0xae: {  	[dreg:$0x2] =	wrdreg s24  }
0xaf: {  	[dreg:$0x3] =	wrdreg $0x42000  }
0xb0: {  	[dreg:$0x4] =	wrdreg $0x9  }
0xb1: {  	_ =	task.clear_ibuf [dreg:s6], $0x5FFFF;
	_ =	strace $0x90000049  }
0xb2: {  	s29 =	simm.s32 $0x9;
	_ =	strace $0x8000004B  }
0xb3: {  	_ =	swait.ge [sflag:s29], $0x1  }
0xb4: {  	[sflag:s29] =	ssyncadd.s32 $0xFFFFFFFF  }
0xb5: {  	_ =	strace $0x9000004B  }
0xb6: {  	_ =	sfence  }
0xb7: {  	s30 =	sld [smem:$0x0];
	_ =	sdelay $0x2  }
0xb8: {  	s31 =	sshll.u32 s1, $0xD;
	s1 =	sshrl.u32 s1, $0x2  }
0xb9: {  	s3 =	sand.u32 $0x4000, s31;
	s1 =	sadd.s32 s1, s30  }
0xba: {  	s0 =	sor.u32 s3, s0;
	s1 =	sshll.u32 s1, $0x11  }
0xbb: {  	s0 =	sor.u32 s1, s0  }
0xbc: {  	s0 =	sadd.s32 $0x8F2B, s0  }
0xbd: {  	[sflag:s0] =	ssyncadd.remote.s32 $0x1  }
0xbe: {  	_ =	sfence.sel $0xFFFF  }
0xbf: {  	[dreg:$0x0] =	wrdreg $0xFFFFFFFF;
	(pc) =	sbr.abs _section_cstart, $3  }
0xc0: {  	[dreg:$0x1] =	wrdreg $0xFFFFFFFF  }
0xc1: {  	_ =	task.clear_ibuf [dreg:s6], $0x2FFFF;
	_ =	strace $0x9FFFFFFF  }
0xc2: {  	(tm) =	ssettm $0x7FFFFFFF  }
0xc3: {  	_ =	shalt  }
tec
execute0_lowered:
.L_overlay_start_1:
0x0: {  	(tag) =	ssettag $0x1  }
0x1: {  	s1 =	srdreg.scid;
	s5 =	rddreg [dreg:$0x0]  }
0x2: {  	s0 =	stileid.u32;
	s2 =	rddreg [dreg:$0x1]  }
0x3: {  	s3 =	simm.s32 $0x0;
	s16 =	simm.s32 $0x80;
	s17 =	simm.s32 $0x200  }
0x4: {  	s18 =	simm.s32 $0x1200;
	s19 =	simm.s32 $0x1;
	s20 =	simm.s32 $0x180  }
0x5: {  	s21 =	simm.s32 $0x3200;
	s22 =	simm.s32 $0x2;
	s7 =	smul.u32 $0x19000, s0  }
0x6: {  	s6 =	sand.u32 $0x1, s1;
	s1 =	rddreg [dreg:$0x2];
	s8 =	smul.u32 $0x64000, s0  }
0x7: {  	s23 =	simm.s32 $0x0;
	[smem:$0x7FF] =	sst s3;
	s4 =	smul.u32 $0xC800, s6  }
0x8: {  	s13 =	sshll.u32 s0, $0x6;
	s9 =	smul.u32 $0x190000, s6;
	_ =	strace $0x8000004A  }
0x9: {  	s12 =	ssub.s32 $0x2, s6;
	s14 =	smul.u32 $0x32000, s6;
	s6 =	sor.u32 $0x1C03, s13  }
0xa: {  	s13 =	simm.s32 $0x3;
	s10 =	sadd.s32 s8, s5;
	s29 =	sshrl.u32 s7, $0x3  }
0xb: {  	s30 =	sshrl.u32 s12, $0x1;
	s15 =	sadd.s32 s7, s2;
	s4 =	sadd.s32 s4, s7  }
0xc: {  	s28 =	sadd.s32 s7, s9;
	s9 =	sadd.s32 s29, s5;
	s12 =	ssub.s32 s12, s30  }
0xd: {  	s31 =	sadd.s32 s14, s10;
	s14 =	simm.s32 $0x100;
	s4 =	sshrl.u32 s4, $0x3  }
0xe: {  	s8 =	sshrl.u32 s28, $0x3;
	s11 =	sadd.s32 s4, s5;
	s4 =	sadd.s32 $0x4E00, s5  }
0xf: {  	s8 =	sadd.s32 s8, s5;
	s5 =	sadd.s32 $0x9AE00, s9;
	s9 =	sadd.s32 $0x382000, s31  }
0x10: {  	s7 =	sadd.s32 $0xB52000, s8;
	s8 =	smax.u32 s12, $0x1;
	s10 =	sadd.s32 $0x36E00, s11  }
0x11: {  	s11 =	sadd.s32 $0x68E00, s11;
	s12 =	sshrl.u32 s15, $0x3;
	s15 =	simm.s32 $0x2200  }
.LBB2_1:
0x12: {  	[spmem:s12], [sflag:s6] =	dma.local [hbm:s5], $0x3200  }
0x13: {  	_ =	swait.ge [sflag:s13], $0x3200  }
0x14: {  	[sflag:s13] =	ssyncset.done $0x0  }
0x15: {  	[sflag:s13] =	ssyncadd.s32 $0xFFFFCE00  }
0x16: {  	s24 =	sadd.s32 $0x0, s11;
	[bflag:$0x0] =	sbarrier.arrive $0xFFFF  }
0x17: {  	[tilespmem:s3], [sflag:$0x3] =	stream.linear.gather [hbm4b:s24+s3], $0x100, $0x38;
	[tilespmem:$0x1D200] =	vst v63  }
0x18: {  	_ =	swait.ge [sflag:s13], $0x100  }
0x19: {  	[sflag:s13] =	ssyncset.done $0x0  }
0x1a: {  	s31 =	sadd.s32 $0x0, s10;
	[sflag:s13] =	ssyncadd.s32 $0xFFFFFF00  }
0x1b: {  	[tilespmem:s14], [sflag:$0x3] =	stream.linear.gather [hbm4b:s31+s3], $0x100, $0x38;
	[tilespmem:$0x1D200] =	vst v63  }
0x1c: {  	_ =	swait.ge [sflag:s13], $0x100  }
0x1d: {  	[sflag:s13] =	ssyncset.done $0x0  }
0x1e: {  	[sflag:s13] =	ssyncadd.s32 $0xFFFFFF00  }
0x1f: {  	[tilespmem:s15], [sflag:$0x1] =	stream.linear.gather [hbm4b:s9+s3], $0x2000, $0x38;
	[tilespmem:$0x1D200] =	vst v63  }
0x20: {  	_ = 	snop  }
0x21: {  	[tilespmem:s17], [sflag:$0x1] =	stream.indirect.gather [hbm4b:s4+s16], $0x20, s3, s16, $0xb8;
	[tilespmem:$0x1D200] =	vst v63  }
0x22: {  	_ = 	snop  }
0x23: {  	[tilespmem:s18], [sflag:$0x1] =	stream.indirect.gather [hbm4b:s4+s16], $0x20, s16, s16, $0xb8;
	[tilespmem:$0x1D200] =	vst v63  }
0x24: {  	_ =	swait.ge [sflag:s19], $0x2000  }
0x25: {  	[sflag:s19] =	ssyncset.done $0x0  }
0x26: {  	[sflag:s19] =	ssyncadd.s32 $0xFFFFE000  }
0x27: {  	_ =	swait.ge [sflag:s19], $0x1000  }
0x28: {  	[sflag:s19] =	ssyncset.done $0x0  }
0x29: {  	[sflag:s19] =	ssyncadd.s32 $0xFFFFF000  }
0x2a: {  	_ =	swait.ge [sflag:s19], $0x1000  }
0x2b: {  	[sflag:s19] =	ssyncset.done $0x0  }
0x2c: {  	[sflag:s19] =	ssyncadd.s32 $0xFFFFF000  }
0x2d: {  	[spmem:s2] =	stream.indirect.scatter.add.f32 [tilespmem:s17], [sflag:$0x2], $0x20, s14, s16, $0xb8;
	[tilespmem:$0x1D200] =	vst v63  }
0x2e: {  	_ = 	snop  }
0x2f: {  	[spmem:s2] =	stream.indirect.scatter.add.f32 [tilespmem:s18], [sflag:$0x2], $0x20, s20, s16, $0xb8;
	[tilespmem:$0x1D200] =	vst v63  }
0x30: {  	_ = 	snop  }
0x31: {  	[spmem:s2] =	stream.indirect.scatter.add.f32 [tilespmem:s15], [sflag:$0x2], $0x20, s14, s16, $0xb8;
	[tilespmem:$0x1D200] =	vst v63  }
0x32: {  	_ = 	snop  }
0x33: {  	[spmem:s2] =	stream.indirect.scatter.add.f32 [tilespmem:s21], [sflag:$0x2], $0x20, s20, s16, $0xb8;
	[tilespmem:$0x1D200] =	vst v63  }
0x34: {  	_ =	swait.ge [sflag:s22], $0x1000  }
0x35: {  	[sflag:s22] =	ssyncset.done $0x0  }
0x36: {  	[sflag:s22] =	ssyncadd.s32 $0xFFFFF000  }
0x37: {  	_ =	swait.ge [sflag:s22], $0x1000  }
0x38: {  	[sflag:s22] =	ssyncset.done $0x0  }
0x39: {  	[sflag:s22] =	ssyncadd.s32 $0xFFFFF000  }
0x3a: {  	_ =	swait.ge [sflag:s22], $0x1000  }
0x3b: {  	[sflag:s22] =	ssyncset.done $0x0  }
0x3c: {  	[sflag:s22] =	ssyncadd.s32 $0xFFFFF000  }
0x3d: {  	s25 =	simm.s32 $0x20;
	_ =	swait.ge [sflag:s22], $0x1000  }
0x3e: {  	s28 =	simm.s32 $0x40;
	s24 =	sadd.s32 $0x400, s9;
	[sflag:s22] =	ssyncset.done $0x0  }
.LBB2_2:
0x3f: {  	s29 =	sadd.s32 s25, s11  }
0x40: {  	[sflag:s22] =	ssyncadd.s32 $0xFFFFF000;
	s30 =	smov.u32 s28;
	s26 =	sadd.s32 $0x20, s28  }
0x41: {  	[tilespmem:s3], [sflag:$0x3] =	stream.linear.gather [hbm4b:s29+s3], $0x100, $0x38;
	[tilespmem:$0x1D200] =	vst v63  }
0x42: {  	p0 =	sne.s32 s28, $0x18E0;
	_ =	swait.ge [sflag:s13], $0x100  }
0x43: {  	[sflag:s13] =	ssyncset.done $0x0  }
0x44: {  	s28 =	sadd.s32 s25, s10;
	s25 =	smov.u32 s30;
	[sflag:s13] =	ssyncadd.s32 $0xFFFFFF00  }
0x45: {  	[tilespmem:s14], [sflag:$0x3] =	stream.linear.gather [hbm4b:s28+s3], $0x100, $0x38;
	[tilespmem:$0x1D200] =	vst v63  }
0x46: {  	_ =	swait.ge [sflag:s13], $0x100  }
0x47: {  	[sflag:s13] =	ssyncset.done $0x0  }
0x48: {  	[sflag:s13] =	ssyncadd.s32 $0xFFFFFF00  }
0x49: {  	[tilespmem:s15], [sflag:$0x1] =	stream.linear.gather [hbm4b:s24+s3], $0x2000, $0x38;
	[tilespmem:$0x1D200] =	vst v63  }
0x4a: {  	_ = 	snop  }
0x4b: {  	[tilespmem:s17], [sflag:$0x1] =	stream.indirect.gather [hbm4b:s4+s16], $0x20, s3, s16, $0xb8;
	[tilespmem:$0x1D200] =	vst v63  }
0x4c: {  	_ = 	snop  }
0x4d: {  	[tilespmem:s18], [sflag:$0x1] =	stream.indirect.gather [hbm4b:s4+s16], $0x20, s16, s16, $0xb8;
	[tilespmem:$0x1D200] =	vst v63  }
0x4e: {  	_ =	swait.ge [sflag:s19], $0x2000  }
0x4f: {  	[sflag:s19] =	ssyncset.done $0x0  }
0x50: {  	[sflag:s19] =	ssyncadd.s32 $0xFFFFE000  }
0x51: {  	_ =	swait.ge [sflag:s19], $0x1000  }
0x52: {  	[sflag:s19] =	ssyncset.done $0x0  }
0x53: {  	[sflag:s19] =	ssyncadd.s32 $0xFFFFF000  }
0x54: {  	_ =	swait.ge [sflag:s19], $0x1000  }
0x55: {  	[sflag:s19] =	ssyncset.done $0x0  }
0x56: {  	[sflag:s19] =	ssyncadd.s32 $0xFFFFF000  }
0x57: {  	[spmem:s2] =	stream.indirect.scatter.add.f32 [tilespmem:s17], [sflag:$0x2], $0x20, s14, s16, $0xb8;
	[tilespmem:$0x1D200] =	vst v63  }
0x58: {  	_ = 	snop  }
0x59: {  	[spmem:s2] =	stream.indirect.scatter.add.f32 [tilespmem:s18], [sflag:$0x2], $0x20, s20, s16, $0xb8;
	[tilespmem:$0x1D200] =	vst v63  }
0x5a: {  	_ = 	snop  }
0x5b: {  	[spmem:s2] =	stream.indirect.scatter.add.f32 [tilespmem:s15], [sflag:$0x2], $0x20, s14, s16, $0xb8;
	[tilespmem:$0x1D200] =	vst v63  }
0x5c: {  	_ = 	snop  }
0x5d: {  	[spmem:s2] =	stream.indirect.scatter.add.f32 [tilespmem:s21], [sflag:$0x2], $0x20, s20, s16, $0xb8;
	[tilespmem:$0x1D200] =	vst v63  }
0x5e: {  	_ =	swait.ge [sflag:s22], $0x1000  }
0x5f: {  	[sflag:s22] =	ssyncset.done $0x0  }
0x60: {  	[sflag:s22] =	ssyncadd.s32 $0xFFFFF000  }
0x61: {  	_ =	swait.ge [sflag:s22], $0x1000  }
0x62: {  	[sflag:s22] =	ssyncset.done $0x0  }
0x63: {  	[sflag:s22] =	ssyncadd.s32 $0xFFFFF000  }
.Ltmp0:
0x64: {  	_ =	swait.ge [sflag:s22], $0x1000;
	(pc) =	sbr.rel @p0 .LBB2_2-.Ltmp0, $4  }
0x65: {  	[sflag:s22] =	ssyncset.done $0x0  }
0x66: {  	[sflag:s22] =	ssyncadd.s32 $0xFFFFF000  }
0x67: {  	_ =	swait.ge [sflag:s22], $0x1000  }
0x68: {  	s28 =	smov.u32 s26;
	s24 =	sadd.s32 $0x400, s24;
	[sflag:s22] =	ssyncset.done $0x0  }
0x69: {  	s26 =	sadd.s32 s25, s11;
	[sflag:s22] =	ssyncadd.s32 $0xFFFFF000  }
0x6a: {  	[tilespmem:s3], [sflag:$0x3] =	stream.linear.gather [hbm4b:s26+s3], $0x100, $0x38;
	[tilespmem:$0x1D200] =	vst v63  }
0x6b: {  	_ =	swait.ge [sflag:s13], $0x100  }
0x6c: {  	[sflag:s13] =	ssyncset.done $0x0  }
0x6d: {  	s31 =	sadd.s32 s25, s10;
	[sflag:s13] =	ssyncadd.s32 $0xFFFFFF00  }
0x6e: {  	[tilespmem:s14], [sflag:$0x3] =	stream.linear.gather [hbm4b:s31+s3], $0x100, $0x38;
	[tilespmem:$0x1D200] =	vst v63  }
0x6f: {  	_ =	swait.ge [sflag:s13], $0x100  }
0x70: {  	[sflag:s13] =	ssyncset.done $0x0  }
0x71: {  	[sflag:s13] =	ssyncadd.s32 $0xFFFFFF00  }
0x72: {  	[tilespmem:s15], [sflag:$0x1] =	stream.linear.gather [hbm4b:s24+s3], $0x2000, $0x38;
	[tilespmem:$0x1D200] =	vst v63  }
0x73: {  	_ = 	snop  }
0x74: {  	[tilespmem:s17], [sflag:$0x1] =	stream.indirect.gather [hbm4b:s4+s16], $0x20, s3, s16, $0xb8;
	[tilespmem:$0x1D200] =	vst v63  }
0x75: {  	_ = 	snop  }
0x76: {  	[tilespmem:s18], [sflag:$0x1] =	stream.indirect.gather [hbm4b:s4+s16], $0x20, s16, s16, $0xb8;
	[tilespmem:$0x1D200] =	vst v63  }
0x77: {  	_ =	swait.ge [sflag:s19], $0x2000  }
0x78: {  	[sflag:s19] =	ssyncset.done $0x0  }
0x79: {  	[sflag:s19] =	ssyncadd.s32 $0xFFFFE000  }
0x7a: {  	_ =	swait.ge [sflag:s19], $0x1000  }
0x7b: {  	[sflag:s19] =	ssyncset.done $0x0  }
0x7c: {  	[sflag:s19] =	ssyncadd.s32 $0xFFFFF000  }
0x7d: {  	_ =	swait.ge [sflag:s19], $0x1000  }
0x7e: {  	[sflag:s19] =	ssyncset.done $0x0  }
0x7f: {  	[sflag:s19] =	ssyncadd.s32 $0xFFFFF000  }
0x80: {  	[spmem:s2] =	stream.indirect.scatter.add.f32 [tilespmem:s17], [sflag:$0x2], $0x20, s14, s16, $0xb8;
	[tilespmem:$0x1D200] =	vst v63  }
0x81: {  	_ = 	snop  }
0x82: {  	[spmem:s2] =	stream.indirect.scatter.add.f32 [tilespmem:s18], [sflag:$0x2], $0x20, s20, s16, $0xb8;
	[tilespmem:$0x1D200] =	vst v63  }
0x83: {  	_ = 	snop  }
0x84: {  	[spmem:s2] =	stream.indirect.scatter.add.f32 [tilespmem:s15], [sflag:$0x2], $0x20, s14, s16, $0xb8;
	[tilespmem:$0x1D200] =	vst v63  }
0x85: {  	_ = 	snop  }
0x86: {  	[spmem:s2] =	stream.indirect.scatter.add.f32 [tilespmem:s21], [sflag:$0x2], $0x20, s20, s16, $0xb8;
	[tilespmem:$0x1D200] =	vst v63  }
0x87: {  	_ =	swait.ge [sflag:s22], $0x1000  }
0x88: {  	[sflag:s22] =	ssyncset.done $0x0  }
0x89: {  	[sflag:s22] =	ssyncadd.s32 $0xFFFFF000  }
0x8a: {  	_ =	swait.ge [sflag:s22], $0x1000  }
0x8b: {  	[sflag:s22] =	ssyncset.done $0x0  }
0x8c: {  	[sflag:s22] =	ssyncadd.s32 $0xFFFFF000  }
0x8d: {  	_ =	swait.ge [sflag:s22], $0x1000  }
0x8e: {  	[sflag:s22] =	ssyncset.done $0x0  }
0x8f: {  	[sflag:s22] =	ssyncadd.s32 $0xFFFFF000  }
0x90: {  	_ =	swait.ge [sflag:s22], $0x1000  }
0x91: {  	s23 =	sadd.s32 $0x1, s23;
	[sflag:s22] =	ssyncset.done $0x0  }
0x92: {  	p0 =	sne.s32 s23, s8;
	[sflag:s22] =	ssyncadd.s32 $0xFFFFF000  }
.Ltmp1:
0x93: {  	[bflag:$0x0] =	sbarrier.arrive $0xFFFF;
	(pc) =	sbr.rel @p0 .LBB2_1-.Ltmp1, $4  }
0x94: {  	[hbm:s7], [sflag:s6] =	dma.local [spmem:s12], $0x3200  }
0x95: {  	_ =	swait.ge [sflag:s13], $0x3200  }
0x96: {  	[sflag:s13] =	ssyncset.done $0x0  }
0x97: {  	[sflag:s13] =	ssyncadd.s32 $0xFFFFCE00  }
0x98: {  	_ =	sfence.sel $0x180000  }
0x99: {  	[bflag:$0x0] =	sbarrier.arrive $0xFFFF  }
0x9a: {  	p0 =	sne.s32 s0, $0x0;
	_ =	strace $0x9000004A  }
0x9b: {  	s0 =	sadd.s32 @!p0 $0x100000, s1;
	[bflag:$0x2] =	sbarrier.arrive $0xFFFF  }
0x9c: {  	[sflag:s0] =	ssyncadd.tile.s32 @!p0 $0x1;
	_ =	shalt  }
.Lfunc_end2:
_tile_overlayer_lowered:
.L_overlay_start_2:
0x9d: {  	(tag) =	ssettag $0x2  }
0x9e: {  	s0 =	rddreg [dreg:$0x0];
	s2 =	stileid.u32  }
0x9f: {  	s1 =	rddreg [dreg:$0x1];
	p0 =	sne.s32 s2, $0x0  }
0xa0: {  	s3 =	rddreg [dreg:$0x2];
	[bflag:$0x3] =	sbarrier.arrive $0xFFFF;
	s2 =	simm.s32 @!p0 $0x1C03  }
0xa1: {  	[timem:s3], [sflag:s2] =	dma.local @!p0 [hbm:s0], s1  }
0xa2: {  	s0 =	simm.s32 @!p0 $0x3  }
0xa3: {  	_ =	swait.ge @!p0 [sflag:s0], s1  }
0xa4: {  	s1 =	ssub.s32 @!p0 $0x0, s1;
	[sflag:s0] =	ssyncset.done @!p0 $0x0  }
0xa5: {  	[sflag:s0] =	ssyncadd.s32 @!p0 s1  }
0xa6: {  	[bflag:$0x3] =	sbarrier.arrive $0xFFFF  }
0xa7: {  	_ =	shalt  }

// kernel: rgcn_sc_deg.3.cloned.1.call-start
scs
__scs_entry_jumppad:
0x0: {  	(pc) =	sbr.rel $0x88, $3  }
0x1: {  	(tag) =	ssettag $0x0;
	lr =	simm.s32 $0x1  }
0x2: {  	[smem:$0x3F8E] =	sst lr;
	_ =	strace $0xD0000000  }
0x3: {  	_ = 	snop  }
0x4: {  	_ = 	snop  }
0x5: {  	_ = 	snop  }
0x6: {  	_ = 	snop  }
0x7: {  	_ = 	snop  }
__scs_overlays_trampoline_lowered:
0x8: {  	[smem:$0x3F9D] =	sst s0  }
0x9: {  	[smem:$0x3F9E] =	sst s1  }
0xa: {  	[smem:$0x3F9F] =	sst s2  }
0xb: {  	[smem:$0x3FA0] =	sst s3  }
0xc: {  	[smem:$0x3FA1] =	sst s4  }
0xd: {  	[smem:$0x3FA2] =	sst s5  }
0xe: {  	[smem:$0x3FA3] =	sst s6  }
0xf: {  	[smem:$0x3FA4] =	sst s7  }
0x10: {  	[smem:$0x3FA5] =	sst s8  }
0x11: {  	[smem:$0x3FA6] =	sst s9;
	s0 =	simm.s32 @!p0 $0x0  }
0x12: {  	s1 =	sld [smem:$0x3F8C];
	s0 =	simm.s32 @p0 $0x1  }
0x13: {  	[smem:$0x3FA7] =	sst s0;
	s0 =	simm.s32 @!p1 $0x0  }
0x14: {  	s2 =	sld [smem:$0x3F8B];
	s0 =	simm.s32 @p1 $0x1  }
0x15: {  	[smem:$0x3FA8] =	sst s0;
	s0 =	simm.s32 @!p2 $0x0  }
0x16: {  	s3 =	sld [smem:$0x3FDB];
	s0 =	simm.s32 @p2 $0x1  }
0x17: {  	s4 =	simm.s32 $0x1BF5;
	[smem:$0x3FAA] =	sst s0  }
0x18: {  	s0 =	sld [smem:$0x3F8D];
	_ =	swait.ge [sflag:s4], $0x0  }
0x19: {  	s7 =	sld [smem:$0x3F8E]  }
0x1a: {  	s8 =	sadd.s32 $0xFFFFE003, lr  }
0x1b: {  	s9 =	sadd.s32 $0xFFFFFEF7, lr;
	s5 =	simm.s32 $0xFFFFFFFF;
	p2 =	slt.u32 s8, $0xFFFFF086  }
0x1c: {  	p1 =	slt.u32 s9, $0xF7A;
	s5 =	simm.s32 @!p2 $0x0  }
0x1d: {  	s5 =	simm.s32 @p1 $0x1;
	p0 =	seq.s32 s7, s2  }
0x1e: {  	s7 =	smul.u32 @!p0 $0xF7A, s2;
	p2 =	seq.s32 @!p0 s5, $0x0  }
0x1f: {  	s9 =	smul.u32 $0xF7A, s1;
	s8 =	simm.s32 @!p0 $0x1BF5;
	p2 =	por !p2, p0  }
0x20: {  	[sflag:s8] =	ssyncset.s32 @!p0 $0xFFFFF086;
	s6 =	sadd.s32 @!p0 s3, s7;
	s7 =	simm.s32 @!p0 $0x108  }
0x21: {  	s3 =	sadd.s32 s3, s9;
	s6 =	sadd.s32 @!p0 $0x88, s6;
	s7 =	simm.s32 @p2 $0x1082  }
0x22: {  	[simem:s7], [sflag:s8] =	dma.local @!p0 [hbm:s6], $0xF7A  }
0x23: {  	s9 =	sor.u32 $0xD0000000, s2;
	s6 =	simm.s32 $0x108;
	_ =	swait.ge @!p0 [sflag:s8], $0x0  }
0x24: {  	s3 =	sadd.s32 $0x88, s3;
	s6 =	simm.s32 @!p1 $0x1082;
	[sflag:s4] =	ssyncset.s32 $0xFFFFF086  }
0x25: {  	[simem:s6], [sflag:s4] =	dma.local [hbm:s3], $0xF7A  }
0x26: {  	[smem:$0x3F8E] =	sst s1;
	(tag) =	ssettag s2;
	_ =	strace s9  }
0x27: {  	s1 =	sld [smem:$0x3F9E]  }
0x28: {  	s2 =	sld [smem:$0x3F9F]  }
0x29: {  	s4 =	sld [smem:$0x3FA1]  }
0x2a: {  	p0 =	seq.s32 s5, $0x0;
	s5 =	sld [smem:$0x3FA2]  }
0x2b: {  	s6 =	sld [smem:$0x3FA3]  }
0x2c: {  	s7 =	sld [smem:$0x3FA4]  }
0x2d: {  	s3 =	simm.s32 $0x108;
	s8 =	sld [smem:$0x3FA5]  }
0x2e: {  	s3 =	simm.s32 @!p0 $0x1082;
	s9 =	sld [smem:$0x3FA6]  }
0x2f: {  	lr =	sadd.s32 s0, s3;
	s0 =	sld [smem:$0x3F9D]  }
0x30: {  	s3 =	sld [smem:$0x3FA0]  }
0x31: {  	[smem:$0x3FA9] =	sst s10  }
0x32: {  	s10 =	sld [smem:$0x3FA7];
	_ =	sdelay $0x3  }
0x33: {  	p0 =	seq.s32 s10, $0x1;
	s10 =	sld [smem:$0x3FA9];
	_ =	sdelay $0x3  }
0x34: {  	[smem:$0x3FA9] =	sst s10  }
0x35: {  	s10 =	sld [smem:$0x3FA8];
	_ =	sdelay $0x3  }
0x36: {  	p1 =	seq.s32 s10, $0x1;
	s10 =	sld [smem:$0x3FA9];
	_ =	sdelay $0x3  }
0x37: {  	[smem:$0x3FA9] =	sst s10  }
0x38: {  	s10 =	sld [smem:$0x3FAA]  }
0x39: {  	_ = 	snop;
	(pc) =	sbr.ind lr, $3  }
0x3a: {  	_ = 	snop  }
0x3b: {  	_ = 	snop  }
0x3c: {  	p2 =	seq.s32 s10, $0x1;
	s10 =	sld [smem:$0x3FA9]  }
0x3d: {  	_ =	shalt  }
0x3e: {  	_ =	shalt  }
0x3f: {  	_ =	shalt  }
0x40: {  	_ =	shalt  }
0x41: {  	_ =	shalt  }
0x42: {  	_ =	shalt  }
0x43: {  	_ =	shalt  }
0x44: {  	_ =	shalt  }
0x45: {  	_ =	shalt  }
0x46: {  	_ =	shalt  }
0x47: {  	_ =	shalt  }
0x48: {  	_ =	shalt  }
0x49: {  	_ =	shalt  }
0x4a: {  	_ =	shalt  }
0x4b: {  	_ =	shalt  }
0x4c: {  	_ =	shalt  }
0x4d: {  	_ =	shalt  }
0x4e: {  	_ =	shalt  }
0x4f: {  	_ =	shalt  }
0x50: {  	_ =	shalt  }
0x51: {  	_ =	shalt  }
0x52: {  	_ =	shalt  }
0x53: {  	_ =	shalt  }
0x54: {  	_ =	shalt  }
0x55: {  	_ =	shalt  }
0x56: {  	_ =	shalt  }
0x57: {  	_ =	shalt  }
0x58: {  	_ =	shalt  }
0x59: {  	_ =	shalt  }
0x5a: {  	_ =	shalt  }
0x5b: {  	_ =	shalt  }
0x5c: {  	_ =	shalt  }
0x5d: {  	_ =	shalt  }
0x5e: {  	_ =	shalt  }
0x5f: {  	_ =	shalt  }
0x60: {  	_ =	shalt  }
0x61: {  	_ =	shalt  }
0x62: {  	_ =	shalt  }
0x63: {  	_ =	shalt  }
0x64: {  	_ =	shalt  }
0x65: {  	_ =	shalt  }
0x66: {  	_ =	shalt  }
0x67: {  	_ =	shalt  }
0x68: {  	_ =	shalt  }
0x69: {  	_ =	shalt  }
0x6a: {  	_ =	shalt  }
0x6b: {  	_ =	shalt  }
0x6c: {  	_ =	shalt  }
0x6d: {  	_ =	shalt  }
0x6e: {  	_ =	shalt  }
0x6f: {  	_ =	shalt  }
0x70: {  	_ =	shalt  }
0x71: {  	_ =	shalt  }
0x72: {  	_ =	shalt  }
0x73: {  	_ =	shalt  }
0x74: {  	_ =	shalt  }
0x75: {  	_ =	shalt  }
0x76: {  	_ =	shalt  }
0x77: {  	_ =	shalt  }
0x78: {  	_ =	shalt  }
0x79: {  	_ =	shalt  }
0x7a: {  	_ =	shalt  }
0x7b: {  	_ =	shalt  }
0x7c: {  	_ =	shalt  }
0x7d: {  	_ =	shalt  }
0x7e: {  	_ =	shalt  }
0x7f: {  	_ =	shalt  }
0x80: {  	_ =	shalt  }
0x81: {  	_ =	shalt  }
0x82: {  	_ =	shalt  }
0x83: {  	_ =	shalt  }
0x84: {  	_ =	shalt  }
0x85: {  	_ =	shalt  }
0x86: {  	_ =	shalt  }
0x87: {  	_ =	shalt  }
.Lfunc_end0:
.L_simem_size_0:
called_computation_lowered:
.L_overlay_start_0:
0x88: {  	s2 =	sld [smem:$0x3FD9]  }
0x89: {  	s3 =	sld [smem:$0x3FFE];
	_ =	sdelay $0x1  }
0x8a: {  	s1 =	srdreg.scid  }
0x8b: {  	s0 =	sand.u32 $0x1, s1  }
0x8c: {  	s17 =	sshll.u32 s0, $0xA;
	s2 =	sadd.s32 s3, s2  }
0x8d: {  	s2 =	sadd.s32 s2, s17  }
0x8e: {  	[smem:$0x3FB5] =	sst s2  }
0x8f: {  	_ = 	snop  }
0x90: {  	s2 =	sld [smem:$0x3FD0];
	(tm) =	ssettm $0x1  }
0x91: {  	s18 =	sld [smem:$0x3FFB];
	_ =	sdelay $0x3  }
0x92: {  	_ =	strace s18  }
0x93: {  	s3 =	sld [smem:$0x3FFC];
	_ =	sdelay $0x3  }
0x94: {  	_ =	strace s3  }
0x95: {  	s3 =	sld [smem:$0x3FFD];
	_ =	sdelay $0x3  }
0x96: {  	_ =	strace s3  }
0x97: {  	_ =	strace $0x8FFFFFFF  }
0x98: {  	s19 =	sld [smem:$0x3FDB];
	_ =	sdelay $0x1  }
0x99: {  	s4 =	simm.s32 $_scs_section_size  }
0x9a: {  	s5 =	simm.s32 $_size__tile_overlayer_lowered;
	s6 =	simm.s32 $_tile_overlayer_lowered  }
0x9b: {  	s22 =	simm.s32 $0x1BFF;
	s21 =	sshll.u32 s6, $0x1;
	s3 =	sadd.s32 s4, s19  }
0x9c: {  	s7 =	simm.s32 $0x0;
	s20 =	sshll.u32 s5, $0x1;
	s5 =	sadd.s32 s21, s3  }
0x9d: {  	[timem:s7], [sflag:s22] =	dma.local [hbm:s5], s20  }
0x9e: {  	_ =	swait.ge [sflag:s22], s20  }
0x9f: {  	s4 =	ssub.s32 $0x0, s20;
	[sflag:s22] =	ssyncset.done $0x0  }
0xa0: {  	[sflag:s22] =	ssyncadd.s32 s4;
	_ =	sdelay $0x1  }
0xa1: {  	s23 =	simm.s32 $0x1B8B  }
0xa2: {  	_ =	swait.ge [sflag:s23], $0x1  }
0xa3: {  	[sflag:s23] =	ssyncset.done $0x0  }
0xa4: {  	s25 =	simm.s32 $0x1B8E;
	s24 =	sld [smem:$0x3FFE];
	[sflag:s23] =	ssyncadd.s32 $0xFFFFFFFF  }
0xa5: {  	s26 =	simm.s32 $execute0_lowered;
	[smem:$0x3FD2] =	sst s25  }
0xa6: {  	s5 =	sshll.u32 s26, $0x1;
	_ =	strace $0x80000046;
	[dreg:$0x1] =	wrdreg $0xFFFFFFFF  }
0xa7: {  	s28 =	simm.s32 $_size_execute0_lowered;
	s3 =	sadd.s32 s3, s5;
	[dreg:$0x0] =	wrdreg $0x0  }
0xa8: {  	s5 =	sshll.u32 s28, $0x1;
	[dreg:$0x2] =	wrdreg s3  }
0xa9: {  	[dreg:$0x3] =	wrdreg s5  }
0xaa: {  	[dreg:$0x4] =	wrdreg $0xC0  }
0xab: {  	_ =	task [dreg:s7], $0x5FFFF  }
0xac: {  	[dreg:$0x1] =	wrdreg $0xFFFFFFFF  }
0xad: {  	[dreg:$0x0] =	wrdreg $0x60  }
0xae: {  	[dreg:$0x2] =	wrdreg s24  }
0xaf: {  	[dreg:$0x3] =	wrdreg s2  }
0xb0: {  	[dreg:$0x4] =	wrdreg $0x42000  }
0xb1: {  	[dreg:$0x5] =	wrdreg $0x1D2800  }
0xb2: {  	[dreg:$0x6] =	wrdreg $0x9  }
0xb3: {  	_ =	task.clear_ibuf [dreg:s7], $0x7FFFF;
	_ =	strace $0x90000046  }
0xb4: {  	s29 =	simm.s32 $0x9;
	_ =	strace $0x80000048  }
0xb5: {  	_ =	swait.ge [sflag:s29], $0x1  }
0xb6: {  	[sflag:s29] =	ssyncadd.s32 $0xFFFFFFFF  }
0xb7: {  	_ =	strace $0x90000048  }
0xb8: {  	_ =	sfence  }
0xb9: {  	s30 =	sld [smem:$0x0];
	_ =	sdelay $0x2  }
0xba: {  	s31 =	sshll.u32 s1, $0xD;
	s1 =	sshrl.u32 s1, $0x2  }
0xbb: {  	s3 =	sand.u32 $0x4000, s31;
	s1 =	sadd.s32 s1, s30  }
0xbc: {  	s0 =	sor.u32 s3, s0;
	s1 =	sshll.u32 s1, $0x11  }
0xbd: {  	s0 =	sor.u32 s1, s0  }
0xbe: {  	s0 =	sadd.s32 $0x8F2B, s0  }
0xbf: {  	[sflag:s0] =	ssyncadd.remote.s32 $0x1  }
0xc0: {  	_ =	sfence.sel $0xFFFF  }
0xc1: {  	[dreg:$0x0] =	wrdreg $0xFFFFFFFF;
	(pc) =	sbr.abs _section_cstart, $3  }
0xc2: {  	[dreg:$0x1] =	wrdreg $0xFFFFFFFF  }
0xc3: {  	_ =	task.clear_ibuf [dreg:s7], $0x2FFFF;
	_ =	strace $0x9FFFFFFF  }
0xc4: {  	(tm) =	ssettm $0x7FFFFFFF  }
0xc5: {  	_ =	shalt  }
tec
execute0_lowered:
.L_overlay_start_1:
0x0: {  	(tag) =	ssettag $0x1  }
0x1: {  	s0 =	rddreg [dreg:$0x0]  }
0x2: {  	s1 =	rddreg [dreg:$0x1]  }
0x3: {  	s3 =	srdreg.scid;
	s16 =	stileid.u32  }
0x4: {  	s2 =	rddreg [dreg:$0x2];
	s4 =	simm.s32 $0x0;
	s18 =	simm.s32 $0x100  }
0x5: {  	s19 =	simm.s32 $0x2200;
	s28 =	simm.s32 $0x1D200;
	s7 =	smul.u32 $0x19000, s16  }
0x6: {  	s29 =	simm.s32 $0x3;
	s30 =	simm.s32 $0x0;
	s9 =	smul.u32 $0x64000, s16  }
0x7: {  	s6 =	sand.u32 $0x1, s3;
	s3 =	rddreg [dreg:$0x3];
	s12 =	smul.u32 $0xC80, s16  }
0x8: {  	[smem:$0x7FF] =	sst s4;
	s24 =	sshll.u32 s16, $0x6;
	s8 =	smul.u32 $0xC800, s6  }
0x9: {  	s16 =	simm.s32 $0x4;
	_ =	strace $0x80000047;
	s10 =	smul.u32 $0x190000, s6  }
0xa: {  	s21 =	ssub.s32 $0x2, s6;
	s6 =	smul.u32 $0x32000, s6;
	s11 =	sshrl.u32 s7, $0x3  }
0xb: {  	s13 =	sadd.s32 s9, s0;
	s15 =	sshrl.u32 s21, $0x1;
	s22 =	sadd.s32 s7, s2  }
0xc: {  	s25 =	sshrl.u32 s12, $0x3;
	s17 =	sadd.s32 s12, s3;
	s5 =	sadd.s32 s8, s7  }
0xd: {  	s20 =	sadd.s32 s11, s0;
	s10 =	sadd.s32 s7, s10;
	s8 =	sadd.s32 s12, s8  }
0xe: {  	s11 =	ssub.s32 s21, s15;
	s7 =	sor.u32 $0x1C04, s24;
	s1 =	sadd.s32 s1, s25  }
0xf: {  	s31 =	sadd.s32 s6, s13;
	s15 =	sshrl.u32 s22, $0x3;
	s17 =	sshrl.u32 s17, $0x3  }
0x10: {  	s21 =	simm.s32 $0x200;
	s22 =	simm.s32 $0x1200;
	s24 =	simm.s32 $0x180  }
0x11: {  	s25 =	simm.s32 $0x3200;
	s5 =	sshrl.u32 s5, $0x3;
	s10 =	sshrl.u32 s10, $0x3  }
0x12: {  	s8 =	sshrl.u32 s8, $0x3;
	s23 =	sadd.s32 $0x9AE00, s20;
	[dreg:$0x6] =	wrdreg s1  }
0x13: {  	s11 =	smax.u32 s11, $0x1;
	s12 =	sadd.s32 $0x1A8E000, s31;
	s20 =	simm.s32 $0x80  }
0x14: {  	s14 =	sadd.s32 s5, s0;
	s5 =	sadd.s32 $0x4E00, s0;
	s10 =	sadd.s32 s10, s0  }
0x15: {  	s0 =	sadd.s32 s8, s0;
	[dreg:$0x5] =	wrdreg s23;
	s23 =	simm.s32 $0x1  }
0x16: {  	s26 =	sadd.s32 $0x31E000, s10;
	s10 =	sadd.s32 $0xCCE00, s0;
	s13 =	sadd.s32 $0x36E00, s14  }
0x17: {  	v0 =	vimm.f32 $1.000000000e+00;
	s14 =	sadd.s32 $0x68E00, s14;
	[dreg:$0x7] =	wrdreg s26;
	s26 =	simm.s32 $0x2  }
.LBB2_1:
0x18: {  	[tilespmem:$0x1D200] =	vst v0  }
0x19: {  	[tilespmem:$0x1D210] =	vst v0  }
0x1a: {  	[tilespmem:$0x1D220] =	vst v0  }
0x1b: {  	[tilespmem:$0x1D230] =	vst v0  }
0x1c: {  	[tilespmem:$0x1D240] =	vst v0  }
0x1d: {  	[tilespmem:$0x1D250] =	vst v0  }
0x1e: {  	[tilespmem:$0x1D260] =	vst v0  }
0x1f: {  	[tilespmem:$0x1D270] =	vst v0;
	s0 =	rddreg [dreg:$0x5]  }
0x20: {  	[spmem:s15], [sflag:s7] =	dma.local [hbm:s0], $0x3200  }
0x21: {  	_ =	swait.ge [sflag:s16], $0x3200  }
0x22: {  	[sflag:s16] =	ssyncset.done $0x0  }
0x23: {  	s6 =	rddreg [dreg:$0x6];
	[sflag:s16] =	ssyncadd.s32 $0xFFFFCE00  }
0x24: {  	[spmem:s17], [sflag:s7] =	dma.local [hbm:s6], $0x190  }
0x25: {  	_ =	swait.ge [sflag:s16], $0x190  }
0x26: {  	[sflag:s16] =	ssyncset.done $0x0  }
0x27: {  	[sflag:s16] =	ssyncadd.s32 $0xFFFFFE70  }
0x28: {  	s8 =	sadd.s32 $0x0, s14;
	[bflag:$0x0] =	sbarrier.arrive $0xFFFF  }
0x29: {  	[tilespmem:s4], [sflag:$0x4] =	stream.linear.gather [hbm4b:s8+s4], $0x100, $0x38;
	[tilespmem:$0x1DF00] =	vst v63  }
0x2a: {  	_ =	swait.ge [sflag:s16], $0x100  }
0x2b: {  	[sflag:s16] =	ssyncset.done $0x0  }
0x2c: {  	s9 =	sadd.s32 $0x0, s13;
	[sflag:s16] =	ssyncadd.s32 $0xFFFFFF00  }
0x2d: {  	[tilespmem:s18], [sflag:$0x4] =	stream.linear.gather [hbm4b:s9+s4], $0x100, $0x38;
	[tilespmem:$0x1DF00] =	vst v63  }
0x2e: {  	_ =	swait.ge [sflag:s16], $0x100  }
0x2f: {  	[sflag:s16] =	ssyncset.done $0x0  }
0x30: {  	[sflag:s16] =	ssyncadd.s32 $0xFFFFFF00  }
0x31: {  	[tilespmem:s19], [sflag:$0x1] =	stream.linear.gather [hbm4b:s12+s4], $0x2000, $0x38;
	[tilespmem:$0x1DF00] =	vst v63  }
0x32: {  	_ = 	snop  }
0x33: {  	[tilespmem:s21], [sflag:$0x1] =	stream.indirect.gather [hbm4b:s5+s20], $0x20, s4, s20, $0xb8;
	[tilespmem:$0x1DF00] =	vst v63  }
0x34: {  	_ = 	snop  }
0x35: {  	[tilespmem:s22], [sflag:$0x1] =	stream.indirect.gather [hbm4b:s5+s20], $0x20, s20, s20, $0xb8;
	[tilespmem:$0x1DF00] =	vst v63  }
0x36: {  	_ =	swait.ge [sflag:s23], $0x2000  }
0x37: {  	[sflag:s23] =	ssyncset.done $0x0  }
0x38: {  	[sflag:s23] =	ssyncadd.s32 $0xFFFFE000  }
0x39: {  	_ =	swait.ge [sflag:s23], $0x1000  }
0x3a: {  	[sflag:s23] =	ssyncset.done $0x0  }
0x3b: {  	[sflag:s23] =	ssyncadd.s32 $0xFFFFF000  }
0x3c: {  	_ =	swait.ge [sflag:s23], $0x1000  }
0x3d: {  	[sflag:s23] =	ssyncset.done $0x0  }
0x3e: {  	[sflag:s23] =	ssyncadd.s32 $0xFFFFF000  }
0x3f: {  	[spmem:s2] =	stream.indirect.scatter.add.f32 [tilespmem:s21], [sflag:$0x2], $0x20, s18, s20, $0xb8;
	[tilespmem:$0x1DF00] =	vst v63  }
0x40: {  	_ = 	snop  }
0x41: {  	[spmem:s2] =	stream.indirect.scatter.add.f32 [tilespmem:s22], [sflag:$0x2], $0x20, s24, s20, $0xb8;
	[tilespmem:$0x1DF00] =	vst v63  }
0x42: {  	_ = 	snop  }
0x43: {  	[spmem:s2] =	stream.indirect.scatter.add.f32 [tilespmem:s19], [sflag:$0x2], $0x20, s18, s20, $0xb8;
	[tilespmem:$0x1DF00] =	vst v63  }
0x44: {  	_ = 	snop  }
0x45: {  	[spmem:s2] =	stream.indirect.scatter.add.f32 [tilespmem:s25], [sflag:$0x2], $0x20, s24, s20, $0xb8;
	[tilespmem:$0x1DF00] =	vst v63  }
0x46: {  	_ =	swait.ge [sflag:s26], $0x1000  }
0x47: {  	[sflag:s26] =	ssyncset.done $0x0  }
0x48: {  	[sflag:s26] =	ssyncadd.s32 $0xFFFFF000  }
0x49: {  	_ =	swait.ge [sflag:s26], $0x1000  }
0x4a: {  	[sflag:s26] =	ssyncset.done $0x0  }
0x4b: {  	[sflag:s26] =	ssyncadd.s32 $0xFFFFF000  }
0x4c: {  	_ =	swait.ge [sflag:s26], $0x1000  }
0x4d: {  	[sflag:s26] =	ssyncset.done $0x0  }
0x4e: {  	[sflag:s26] =	ssyncadd.s32 $0xFFFFF000  }
0x4f: {  	_ =	swait.ge [sflag:s26], $0x1000  }
0x50: {  	[sflag:s26] =	ssyncset.done $0x0  }
0x51: {  	[sflag:s26] =	ssyncadd.s32 $0xFFFFF000  }
0x52: {  	[spmem:s3] =	stream.indirect.scatter.add.f32 [tilespmem:s28], [sflag:$0x3], $0x1, s18, s20, $0xb8;
	[tilespmem:$0x1DF00] =	vst v63  }
0x53: {  	_ = 	snop  }
0x54: {  	[spmem:s3] =	stream.indirect.scatter.add.f32 [tilespmem:s28], [sflag:$0x3], $0x1, s24, s20, $0xb8;
	[tilespmem:$0x1DF00] =	vst v63  }
0x55: {  	_ =	swait.ge [sflag:s29], $0x80  }
0x56: {  	[sflag:s29] =	ssyncset.done $0x0  }
0x57: {  	[sflag:s29] =	ssyncadd.s32 $0xFFFFFF80  }
0x58: {  	s1 =	simm.s32 $0x20;
	_ =	swait.ge [sflag:s29], $0x80  }
0x59: {  	s31 =	sadd.s32 $0x400, s12;
	s0 =	simm.s32 $0x40;
	[sflag:s29] =	ssyncset.done $0x0  }
.LBB2_2:
0x5a: {  	s8 =	sadd.s32 s1, s14  }
0x5b: {  	[sflag:s29] =	ssyncadd.s32 $0xFFFFFF80;
	s9 =	smov.u32 s0;
	s6 =	sadd.s32 $0x20, s0  }
0x5c: {  	[tilespmem:s4], [sflag:$0x4] =	stream.linear.gather [hbm4b:s8+s4], $0x100, $0x38;
	[tilespmem:$0x1DF00] =	vst v63  }
0x5d: {  	p0 =	sne.s32 s0, $0x18E0;
	_ =	swait.ge [sflag:s16], $0x100  }
0x5e: {  	[sflag:s16] =	ssyncset.done $0x0  }
0x5f: {  	s0 =	sadd.s32 s1, s13;
	s1 =	smov.u32 s9;
	[sflag:s16] =	ssyncadd.s32 $0xFFFFFF00  }
0x60: {  	[tilespmem:s18], [sflag:$0x4] =	stream.linear.gather [hbm4b:s0+s4], $0x100, $0x38;
	[tilespmem:$0x1DF00] =	vst v63  }
0x61: {  	_ =	swait.ge [sflag:s16], $0x100  }
0x62: {  	[sflag:s16] =	ssyncset.done $0x0  }
0x63: {  	[sflag:s16] =	ssyncadd.s32 $0xFFFFFF00  }
0x64: {  	[tilespmem:s19], [sflag:$0x1] =	stream.linear.gather [hbm4b:s31+s4], $0x2000, $0x38;
	[tilespmem:$0x1DF00] =	vst v63  }
0x65: {  	_ = 	snop  }
0x66: {  	[tilespmem:s21], [sflag:$0x1] =	stream.indirect.gather [hbm4b:s5+s20], $0x20, s4, s20, $0xb8;
	[tilespmem:$0x1DF00] =	vst v63  }
0x67: {  	_ = 	snop  }
0x68: {  	[tilespmem:s22], [sflag:$0x1] =	stream.indirect.gather [hbm4b:s5+s20], $0x20, s20, s20, $0xb8;
	[tilespmem:$0x1DF00] =	vst v63  }
0x69: {  	_ =	swait.ge [sflag:s23], $0x2000  }
0x6a: {  	[sflag:s23] =	ssyncset.done $0x0  }
0x6b: {  	[sflag:s23] =	ssyncadd.s32 $0xFFFFE000  }
0x6c: {  	_ =	swait.ge [sflag:s23], $0x1000  }
0x6d: {  	[sflag:s23] =	ssyncset.done $0x0  }
0x6e: {  	[sflag:s23] =	ssyncadd.s32 $0xFFFFF000  }
0x6f: {  	_ =	swait.ge [sflag:s23], $0x1000  }
0x70: {  	[sflag:s23] =	ssyncset.done $0x0  }
0x71: {  	[sflag:s23] =	ssyncadd.s32 $0xFFFFF000  }
0x72: {  	[spmem:s2] =	stream.indirect.scatter.add.f32 [tilespmem:s21], [sflag:$0x2], $0x20, s18, s20, $0xb8;
	[tilespmem:$0x1DF00] =	vst v63  }
0x73: {  	_ = 	snop  }
0x74: {  	[spmem:s2] =	stream.indirect.scatter.add.f32 [tilespmem:s22], [sflag:$0x2], $0x20, s24, s20, $0xb8;
	[tilespmem:$0x1DF00] =	vst v63  }
0x75: {  	_ = 	snop  }
0x76: {  	[spmem:s2] =	stream.indirect.scatter.add.f32 [tilespmem:s19], [sflag:$0x2], $0x20, s18, s20, $0xb8;
	[tilespmem:$0x1DF00] =	vst v63  }
0x77: {  	_ = 	snop  }
0x78: {  	[spmem:s2] =	stream.indirect.scatter.add.f32 [tilespmem:s25], [sflag:$0x2], $0x20, s24, s20, $0xb8;
	[tilespmem:$0x1DF00] =	vst v63  }
0x79: {  	_ =	swait.ge [sflag:s26], $0x1000  }
0x7a: {  	[sflag:s26] =	ssyncset.done $0x0  }
0x7b: {  	[sflag:s26] =	ssyncadd.s32 $0xFFFFF000  }
0x7c: {  	_ =	swait.ge [sflag:s26], $0x1000  }
0x7d: {  	[sflag:s26] =	ssyncset.done $0x0  }
0x7e: {  	[sflag:s26] =	ssyncadd.s32 $0xFFFFF000  }
0x7f: {  	_ =	swait.ge [sflag:s26], $0x1000  }
0x80: {  	[sflag:s26] =	ssyncset.done $0x0  }
0x81: {  	[sflag:s26] =	ssyncadd.s32 $0xFFFFF000  }
0x82: {  	_ =	swait.ge [sflag:s26], $0x1000  }
0x83: {  	[sflag:s26] =	ssyncset.done $0x0  }
0x84: {  	[sflag:s26] =	ssyncadd.s32 $0xFFFFF000  }
0x85: {  	[spmem:s3] =	stream.indirect.scatter.add.f32 [tilespmem:s28], [sflag:$0x3], $0x1, s18, s20, $0xb8;
	[tilespmem:$0x1DF00] =	vst v63  }
0x86: {  	_ = 	snop  }
0x87: {  	[spmem:s3] =	stream.indirect.scatter.add.f32 [tilespmem:s28], [sflag:$0x3], $0x1, s24, s20, $0xb8;
	[tilespmem:$0x1DF00] =	vst v63  }
.Ltmp0:
0x88: {  	_ =	swait.ge [sflag:s29], $0x80;
	(pc) =	sbr.rel @p0 .LBB2_2-.Ltmp0, $4  }
0x89: {  	[sflag:s29] =	ssyncset.done $0x0  }
0x8a: {  	[sflag:s29] =	ssyncadd.s32 $0xFFFFFF80  }
0x8b: {  	_ =	swait.ge [sflag:s29], $0x80  }
0x8c: {  	s0 =	smov.u32 s6;
	s31 =	sadd.s32 $0x400, s31;
	[sflag:s29] =	ssyncset.done $0x0  }
0x8d: {  	s0 =	sadd.s32 s1, s14;
	[sflag:s29] =	ssyncadd.s32 $0xFFFFFF80  }
0x8e: {  	[tilespmem:s4], [sflag:$0x4] =	stream.linear.gather [hbm4b:s0+s4], $0x100, $0x38;
	[tilespmem:$0x1DF00] =	vst v63  }
0x8f: {  	_ =	swait.ge [sflag:s16], $0x100  }
0x90: {  	[sflag:s16] =	ssyncset.done $0x0  }
0x91: {  	s9 =	sadd.s32 s1, s13;
	[sflag:s16] =	ssyncadd.s32 $0xFFFFFF00  }
0x92: {  	[tilespmem:s18], [sflag:$0x4] =	stream.linear.gather [hbm4b:s9+s4], $0x100, $0x38;
	[tilespmem:$0x1DF00] =	vst v63  }
0x93: {  	_ =	swait.ge [sflag:s16], $0x100  }
0x94: {  	[sflag:s16] =	ssyncset.done $0x0  }
0x95: {  	[sflag:s16] =	ssyncadd.s32 $0xFFFFFF00  }
0x96: {  	[tilespmem:s19], [sflag:$0x1] =	stream.linear.gather [hbm4b:s31+s4], $0x2000, $0x38;
	[tilespmem:$0x1DF00] =	vst v63  }
0x97: {  	_ = 	snop  }
0x98: {  	[tilespmem:s21], [sflag:$0x1] =	stream.indirect.gather [hbm4b:s5+s20], $0x20, s4, s20, $0xb8;
	[tilespmem:$0x1DF00] =	vst v63  }
0x99: {  	_ = 	snop  }
0x9a: {  	[tilespmem:s22], [sflag:$0x1] =	stream.indirect.gather [hbm4b:s5+s20], $0x20, s20, s20, $0xb8;
	[tilespmem:$0x1DF00] =	vst v63  }
0x9b: {  	_ =	swait.ge [sflag:s23], $0x2000  }
0x9c: {  	[sflag:s23] =	ssyncset.done $0x0  }
0x9d: {  	[sflag:s23] =	ssyncadd.s32 $0xFFFFE000  }
0x9e: {  	_ =	swait.ge [sflag:s23], $0x1000  }
0x9f: {  	[sflag:s23] =	ssyncset.done $0x0  }
0xa0: {  	[sflag:s23] =	ssyncadd.s32 $0xFFFFF000  }
0xa1: {  	_ =	swait.ge [sflag:s23], $0x1000  }
0xa2: {  	[sflag:s23] =	ssyncset.done $0x0  }
0xa3: {  	[sflag:s23] =	ssyncadd.s32 $0xFFFFF000  }
0xa4: {  	[spmem:s2] =	stream.indirect.scatter.add.f32 [tilespmem:s21], [sflag:$0x2], $0x20, s18, s20, $0xb8;
	[tilespmem:$0x1DF00] =	vst v63  }
0xa5: {  	_ = 	snop  }
0xa6: {  	[spmem:s2] =	stream.indirect.scatter.add.f32 [tilespmem:s22], [sflag:$0x2], $0x20, s24, s20, $0xb8;
	[tilespmem:$0x1DF00] =	vst v63  }
0xa7: {  	_ = 	snop  }
0xa8: {  	[spmem:s2] =	stream.indirect.scatter.add.f32 [tilespmem:s19], [sflag:$0x2], $0x20, s18, s20, $0xb8;
	[tilespmem:$0x1DF00] =	vst v63  }
0xa9: {  	_ = 	snop  }
0xaa: {  	[spmem:s2] =	stream.indirect.scatter.add.f32 [tilespmem:s25], [sflag:$0x2], $0x20, s24, s20, $0xb8;
	[tilespmem:$0x1DF00] =	vst v63  }
0xab: {  	_ =	swait.ge [sflag:s26], $0x1000  }
0xac: {  	[sflag:s26] =	ssyncset.done $0x0  }
0xad: {  	[sflag:s26] =	ssyncadd.s32 $0xFFFFF000  }
0xae: {  	_ =	swait.ge [sflag:s26], $0x1000  }
0xaf: {  	[sflag:s26] =	ssyncset.done $0x0  }
0xb0: {  	[sflag:s26] =	ssyncadd.s32 $0xFFFFF000  }
0xb1: {  	_ =	swait.ge [sflag:s26], $0x1000  }
0xb2: {  	[sflag:s26] =	ssyncset.done $0x0  }
0xb3: {  	[sflag:s26] =	ssyncadd.s32 $0xFFFFF000  }
0xb4: {  	_ =	swait.ge [sflag:s26], $0x1000  }
0xb5: {  	[sflag:s26] =	ssyncset.done $0x0  }
0xb6: {  	[sflag:s26] =	ssyncadd.s32 $0xFFFFF000  }
0xb7: {  	[spmem:s3] =	stream.indirect.scatter.add.f32 [tilespmem:s28], [sflag:$0x3], $0x1, s18, s20, $0xb8;
	[tilespmem:$0x1DF00] =	vst v63  }
0xb8: {  	_ = 	snop  }
0xb9: {  	[spmem:s3] =	stream.indirect.scatter.add.f32 [tilespmem:s28], [sflag:$0x3], $0x1, s24, s20, $0xb8;
	[tilespmem:$0x1DF00] =	vst v63  }
0xba: {  	_ =	swait.ge [sflag:s29], $0x80  }
0xbb: {  	[sflag:s29] =	ssyncset.done $0x0  }
0xbc: {  	[sflag:s29] =	ssyncadd.s32 $0xFFFFFF80  }
0xbd: {  	_ =	swait.ge [sflag:s29], $0x80  }
0xbe: {  	[sflag:s29] =	ssyncset.done $0x0  }
0xbf: {  	[sflag:s29] =	ssyncadd.s32 $0xFFFFFF80  }
0xc0: {  	[bflag:$0x0] =	sbarrier.arrive $0xFFFF  }
0xc1: {  	s31 =	rddreg [dreg:$0x7]  }
0xc2: {  	[hbm:s31], [sflag:s7] =	dma.local [spmem:s15], $0x3200  }
0xc3: {  	s30 =	sadd.s32 $0x1, s30;
	_ =	swait.ge [sflag:s16], $0x3200  }
0xc4: {  	p0 =	sne.s32 s30, s11;
	[sflag:s16] =	ssyncset.done $0x0  }
.Ltmp1:
0xc5: {  	[sflag:s16] =	ssyncadd.s32 $0xFFFFCE00;
	(pc) =	sbr.rel @p0 .LBB2_1-.Ltmp1, $4  }
0xc6: {  	[hbm:s10], [sflag:s7] =	dma.local [spmem:s17], $0x190  }
0xc7: {  	_ =	swait.ge [sflag:s16], $0x190  }
0xc8: {  	[sflag:s16] =	ssyncset.done $0x0  }
0xc9: {  	[sflag:s16] =	ssyncadd.s32 $0xFFFFFE70  }
0xca: {  	_ =	sfence.sel $0x180000  }
0xcb: {  	[bflag:$0x0] =	sbarrier.arrive $0xFFFF  }
0xcc: {  	_ =	strace $0x90000047  }
0xcd: {  	s0 =	stileid.u32;
	[bflag:$0x2] =	sbarrier.arrive $0xFFFF  }
0xce: {  	p0 =	sne.s32 s0, $0x0;
	s0 =	rddreg [dreg:$0x4]  }
0xcf: {  	s0 =	sadd.s32 @!p0 $0x100000, s0  }
0xd0: {  	[sflag:s0] =	ssyncadd.tile.s32 @!p0 $0x1;
	_ =	shalt  }
.Lfunc_end2:
_tile_overlayer_lowered:
.L_overlay_start_2:
0xd1: {  	(tag) =	ssettag $0x2  }
0xd2: {  	s0 =	rddreg [dreg:$0x0];
	s2 =	stileid.u32  }
0xd3: {  	s1 =	rddreg [dreg:$0x1];
	p0 =	sne.s32 s2, $0x0  }
0xd4: {  	s3 =	rddreg [dreg:$0x2];
	[bflag:$0x3] =	sbarrier.arrive $0xFFFF;
	s2 =	simm.s32 @!p0 $0x1C04  }
0xd5: {  	[timem:s3], [sflag:s2] =	dma.local @!p0 [hbm:s0], s1  }
0xd6: {  	s0 =	simm.s32 @!p0 $0x4  }
0xd7: {  	_ =	swait.ge @!p0 [sflag:s0], s1  }
0xd8: {  	s1 =	ssub.s32 @!p0 $0x0, s1;
	[sflag:s0] =	ssyncset.done @!p0 $0x0  }
0xd9: {  	[sflag:s0] =	ssyncadd.s32 @!p0 s1  }
0xda: {  	[bflag:$0x3] =	sbarrier.arrive $0xFFFF  }
0xdb: {  	_ =	shalt  }

</sc_bundles>
